<compile_context>
chip_gen: v7x
topology: tpu7x:2x2x1
jax: 0.10.2.dev20260603
libtpu: 0.0.44.dev20260713+nightly
codegen_flags: <defaults>
</compile_context>

<pallas_src>
import functools

import jax
import jax.numpy as jnp
from jax import lax
from jax.experimental import pallas as pl
from jax.experimental.pallas import tpu as pltpu
from jax.experimental.pallas import tpu_sc as plsc

_B, _L = 4096, 50
_De, _H = 256, 1024
_N = _B * _L
_R = 1024
_BPL = _B // _R
_CHUNK = 128
_SEG = 5
_LSEG = _L // _SEG
_NSEG = _N // _SEG
_EPS = 1e-12
_NPOS, _NLINK, _NPRIOR = 512, 64, 64
_NCAT = _NPOS + _NLINK + _NPRIOR


def _sc_gather(table, idx):
    info = plsc.get_sparse_core_info()
    nw = info.num_cores * info.num_subcores
    n = idx.shape[0]
    d = table.shape[1]
    b_per_w = n // nw
    n_chunks = b_per_w // _CHUNK
    mesh = plsc.VectorSubcoreMesh(core_axis_name="c", subcore_axis_name="s")

    @functools.partial(
        pl.kernel,
        out_type=jax.ShapeDtypeStruct((n, d), table.dtype),
        mesh=mesh,
        compiler_params=pltpu.CompilerParams(use_tc_tiling_on_sc=True),
        scratch_types=[
            pltpu.VMEM((b_per_w,), jnp.int32),
            pltpu.VMEM((_CHUNK, d), table.dtype),
            pltpu.SemaphoreType.DMA,
        ],
    )
    def k(table_hbm, idx_hbm, out_hbm, idx_v, rows_v, sem):
        wid = lax.axis_index("s") * info.num_cores + lax.axis_index("c")
        base = wid * b_per_w
        pltpu.sync_copy(idx_hbm.at[pl.ds(base, b_per_w)], idx_v)

        def body(c, _):
            off = c * _CHUNK
            pltpu.async_copy(
                table_hbm.at[idx_v.at[pl.ds(off, _CHUNK)]], rows_v, sem
            ).wait()
            pltpu.sync_copy(rows_v, out_hbm.at[pl.ds(base + off, _CHUNK)])
            return 0

        lax.fori_loop(0, n_chunks, body, 0)

    return k(table, idx)


def _tc_body(*refs):
    if len(refs) == 12:
        (pos_ref, link_ref, prior_ref, tt_ref, ent_ref, w_ref, cat_ref,
         type_ref, lnw_ref, lnb_ref, _prev_ref, out_ref) = refs
    else:
        (pos_ref, link_ref, prior_ref, tt_ref, ent_ref, w_ref, cat_ref,
         type_ref, lnw_ref, lnb_ref, out_ref) = refs
    acc = jnp.dot(ent_ref[...], w_ref[...],
                  precision=lax.Precision.DEFAULT,
                  preferred_element_type=jnp.float32)

    pos = pos_ref[0, 0, :]
    link = link_ref[0, 0, :]
    prior = prior_ref[0, 0, :]
    tt = tt_ref[0, 0, :]

    col = lax.broadcasted_iota(jnp.int32, (_R, _NCAT), 1)
    oh = ((col == pos[:, None]).astype(jnp.float32)
          + (col == link[:, None] + _NPOS).astype(jnp.float32)
          + (col == prior[:, None] + (_NPOS + _NLINK)).astype(jnp.float32))
    acc = acc + jnp.dot(oh, cat_ref[...],
                        precision=lax.Precision.DEFAULT,
                        preferred_element_type=jnp.float32)

    t0 = type_ref[0, :][None, :]
    t1 = type_ref[1, :][None, :]
    acc = acc + jnp.where(tt[:, None] == 1, t1, t0)

    u = jnp.mean(acc, axis=1, keepdims=True)
    dlt = acc - u
    s = jnp.mean(dlt * dlt, axis=1, keepdims=True)
    y = dlt * lax.rsqrt(s + _EPS)
    out_ref[0, :, :] = y * lnw_ref[...] + lnb_ref[...]


def _tc_segment(seg, ent_seg, w, cat, type_pad, id_segs, lnw, lnb, prev):
    nb = _NSEG // _R
    l0 = seg * _LSEG
    idspec = pl.BlockSpec((1, 1, _R), lambda i: (i, 0, 0))
    in_specs = [
        idspec, idspec, idspec, idspec,
        pl.BlockSpec((_R, _De), lambda i: (i, 0)),
        pl.BlockSpec((_De, _H), lambda i: (0, 0)),
        pl.BlockSpec((_NCAT, _H), lambda i: (0, 0)),
        pl.BlockSpec((8, _H), lambda i: (0, 0)),
        pl.BlockSpec((1, _H), lambda i: (0, 0)),
        pl.BlockSpec((1, _H), lambda i: (0, 0)),
    ]
    args = [*id_segs, ent_seg, w, cat, type_pad, lnw, lnb]
    aliases = {}
    if prev is not None:
        in_specs.append(pl.BlockSpec(memory_space=pl.ANY))
        args.append(prev)
        aliases = {10: 0}
    return pl.pallas_call(
        _tc_body,
        grid=(nb,),
        in_specs=in_specs,
        out_specs=pl.BlockSpec(
            (1, _R, _H), lambda i: (l0 + i // _BPL, i % _BPL, 0)),
        out_shape=jax.ShapeDtypeStruct((_L, _B, _H), jnp.float32),
        input_output_aliases=aliases,
    )(*args)


def kernel(entity_ids, position_ids, token_type_ids, link_prob_ids,
           prior_prob_ids, entity_table, pos_table, type_table, link_table,
           prior_table, W, ln_w, ln_b):
    idx_lm = entity_ids.T.reshape(-1)
    ent_segs = [
        _sc_gather(entity_table, idx_lm[s * _NSEG:(s + 1) * _NSEG])
        for s in range(_SEG)
    ]

    ids = [
        s.T.reshape(_N // _R, 1, _R)
        for s in (position_ids, link_prob_ids, prior_prob_ids,
                  token_type_ids)
    ]

    cat = jnp.concatenate([pos_table, link_table, prior_table], axis=0)
    type_pad = jnp.concatenate(
        [type_table, jnp.zeros((6, _H), jnp.float32)], axis=0)
    lnw = ln_w.reshape(1, _H)
    lnb = ln_b.reshape(1, _H)

    nbs = _NSEG // _R
    out = None
    for s in range(_SEG):
        id_segs = [a[s * nbs:(s + 1) * nbs] for a in ids]
        out = _tc_segment(s, ent_segs[s], W, cat, type_pad,
                          id_segs, lnw, lnb, out)
    return out.transpose(1, 0, 2)

# --- scband reference (transcript-rebuilt; emitter-appended) ---
"""Pipeline reference for scband-entity-embeddings-41308995453281 (READ-ONLY COPY).

The authoritative reference and input builder live on the scoring server;
editing this copy changes nothing except your own understanding.
"""

import jax, jax.numpy as jnp
import numpy as np

B, L = 4096, 50
V, De, H = 100000, 256, 1024
P, T, LB, PB = 512, 2, 64, 64
EPS = 1e-12


def setup_inputs(seed: int = 0) -> dict:
    key = jax.random.key(seed)
    ks = jax.random.split(key, 13)
    entity_ids = jax.random.randint(ks[0], (B, L), 0, V, dtype=jnp.int32)
    position_ids = jax.random.randint(ks[1], (B, L), 0, P, dtype=jnp.int32)
    token_type_ids = jax.random.randint(ks[2], (B, L), 0, T, dtype=jnp.int32)
    link_prob_ids = jax.random.randint(ks[3], (B, L), 0, LB, dtype=jnp.int32)
    prior_prob_ids = jax.random.randint(ks[4], (B, L), 0, PB, dtype=jnp.int32)
    entity_table = jax.random.normal(ks[5], (V, De), dtype=jnp.float32) * 0.02
    pos_table = jax.random.normal(ks[6], (P, H), dtype=jnp.float32) * 0.02
    type_table = jax.random.normal(ks[7], (T, H), dtype=jnp.float32) * 0.02
    link_table = jax.random.normal(ks[8], (LB, H), dtype=jnp.float32) * 0.02
    prior_table = jax.random.normal(ks[9], (PB, H), dtype=jnp.float32) * 0.02
    W = jax.random.normal(ks[10], (De, H), dtype=jnp.float32) * (1.0 / np.sqrt(De))
    ln_w = jnp.ones((H,), dtype=jnp.float32)
    ln_b = jnp.zeros((H,), dtype=jnp.float32)
    return {
        'entity_ids': entity_ids,
        'position_ids': position_ids,
        'token_type_ids': token_type_ids,
        'link_prob_ids': link_prob_ids,
        'prior_prob_ids': prior_prob_ids,
        'entity_table': entity_table,
        'pos_table': pos_table,
        'type_table': type_table,
        'link_table': link_table,
        'prior_table': prior_table,
        'W': W,
        'ln_w': ln_w,
        'ln_b': ln_b,
    }


def reference(entity_ids, position_ids, token_type_ids, link_prob_ids, prior_prob_ids,
              entity_table, pos_table, type_table, link_table, prior_table, W, ln_w, ln_b):
    entity_emb = jnp.take(entity_table, entity_ids, axis=0)  # [B, L, De]
    entity_emb = entity_emb @ W  # entity_emb_size != hidden_size -> dense projection
    pos_emb = jnp.take(pos_table, position_ids, axis=0)
    type_emb = jnp.take(type_table, token_type_ids, axis=0)
    link_emb = jnp.take(link_table, link_prob_ids, axis=0)
    prior_emb = jnp.take(prior_table, prior_prob_ids, axis=0)
    emb = entity_emb + pos_emb + type_emb + link_emb + prior_emb
    u = emb.mean(-1, keepdims=True)
    s = ((emb - u) ** 2).mean(-1, keepdims=True)
    emb = (emb - u) / jnp.sqrt(s + EPS)
    return ln_w * emb + ln_b

if __name__ == "__main__":
    import jax
    _d = setup_inputs()
    print(jax.jit(kernel)(*tuple(_d.values())))

</pallas_src>

<mosaic_0001>
#map = affine_map<(d0, d1) -> (0, 0)>
#map1 = affine_map<(d0, d1) -> (0)>
module attributes {stable_mosaic.version = 14 : i64} {
  func.func @k(%arg0: i32, %arg1: i32, %arg2: memref<100000x256xf32, #tpu.memory_space<hbm>>, %arg3: memref<40960xi32, #tpu.memory_space<hbm>>, %arg4: memref<40960x256xf32, #tpu.memory_space<hbm>>, %arg5: memref<1280xi32, #tpu.memory_space<vmem>>, %arg6: memref<128x256xf32, #tpu.memory_space<vmem>>, %arg7: memref<!tpu.dma_semaphore, #tpu.memory_space<semaphore_mem>>) attributes {dimension_semantics = [#tpu.dimension_semantics<core_parallel>, #tpu.dimension_semantics<subcore_parallel>], iteration_bounds = array<i64: 2, 16>, scalar_prefetch = 0 : i64, scratch_operands = 3 : i64, tpu.core_type = #tpu.core_type<sc_vector_subcore>, window_params = [{transform_indices = #map}, {transform_indices = #map1}, {transform_indices = #map}]} {
    %mul3A = arith.constant 2 : i32
    %mul3A_0 = arith.muli %arg1, %mul3A : i32
    %add3A = arith.addi %mul3A_0, %arg0 : i32
    %mul3A_1 = arith.constant 1280 : i32
    %mul3A_2 = arith.muli %add3A, %mul3A_1 : i32
    "tpu.region"() ({
      %run_scoped3A = tpu.sem_alloc : memref<!tpu.dma_semaphore, #tpu.memory_space<semaphore_mem>>
      %dma_start3A = tpu.memref_slice %arg3[%mul3A_2] : memref<40960xi32, #tpu.memory_space<hbm>> -> memref<1280xi32, #tpu.memory_space<hbm>>
      %dma_start3A_9 = tpu.memref_slice %arg3[%mul3A_2] : memref<40960xi32, #tpu.memory_space<hbm>> -> memref<1280xi32, #tpu.memory_space<hbm>>
      tpu.enqueue_dma source(%dma_start3A_9 : memref<1280xi32, #tpu.memory_space<hbm>>) target(%arg5 : memref<1280xi32, #tpu.memory_space<vmem>>) target_semaphore(%run_scoped3A : memref<!tpu.dma_semaphore, #tpu.memory_space<semaphore_mem>>)
      %dma_wait3A = tpu.memref_slice %arg3[%mul3A_2] : memref<40960xi32, #tpu.memory_space<hbm>> -> memref<1280xi32, #tpu.memory_space<hbm>>
      %dma_wait3A_10 = tpu.memref_slice %arg3[%mul3A_2] : memref<40960xi32, #tpu.memory_space<hbm>> -> memref<1280xi32, #tpu.memory_space<hbm>>
      tpu.wait_dma2 semaphore(%run_scoped3A : memref<!tpu.dma_semaphore, #tpu.memory_space<semaphore_mem>>) src(%dma_wait3A_10 : memref<1280xi32, #tpu.memory_space<hbm>>) dst(%arg5 : memref<1280xi32, #tpu.memory_space<vmem>>)
      tpu.yield
    }) : () -> ()
    %scan3A = arith.constant 0 : i32
    %scan3A_3 = arith.constant 0 : i32
    %scan3A_4 = arith.constant 10 : i32
    %scan3A_5 = arith.addi %scan3A_3, %scan3A_4 : i32
    %scan3A_6 = arith.constant 1 : i32
    %scan3A_7 = scf.for %scan3A_9 = %scan3A_3 to %scan3A_5 step %scan3A_6 iter_args(%scan3A_10 = %scan3A) -> (i32)  : i32 {
      %mul3A_11 = arith.constant 128 : i32
      %mul3A_12 = arith.muli %scan3A_9, %mul3A_11 : i32
      %dma_start3A = tpu.memref_slice %arg5[%mul3A_12] : memref<1280xi32, #tpu.memory_space<vmem>> -> memref<128xi32, #tpu.memory_space<vmem>>
      %dma_start3A_13 = arith.constant 0 : i32
      %dma_start3A_14 = arith.constant 0 : i32
      %dma_start3A_15 = tpu.memref_slice %arg2[%dma_start3A_13, %dma_start3A_14] : memref<100000x256xf32, #tpu.memory_space<hbm>> -> memref<100000x256xf32, #tpu.memory_space<hbm>>
      tpu.enqueue_indirect_dma source(%dma_start3A_15 : memref<100000x256xf32, #tpu.memory_space<hbm>>) target(%arg6 : memref<128x256xf32, #tpu.memory_space<vmem>>) offsets(%dma_start3A : memref<128xi32, #tpu.memory_space<vmem>>) semaphore(%arg7 : memref<!tpu.dma_semaphore, #tpu.memory_space<semaphore_mem>>)
      %dma_wait3A = tpu.memref_slice %arg5[%mul3A_12] : memref<1280xi32, #tpu.memory_space<vmem>> -> memref<128xi32, #tpu.memory_space<vmem>>
      %dma_wait3A_16 = arith.constant 0 : i32
      %dma_wait3A_17 = arith.constant 0 : i32
      %dma_wait3A_18 = tpu.memref_slice %arg2[%dma_wait3A_16, %dma_wait3A_17] : memref<100000x256xf32, #tpu.memory_space<hbm>> -> memref<100000x256xf32, #tpu.memory_space<hbm>>
      tpu.wait_indirect_dma semaphore(%arg7 : memref<!tpu.dma_semaphore, #tpu.memory_space<semaphore_mem>>) src(%dma_wait3A_18 : memref<100000x256xf32, #tpu.memory_space<hbm>>) dst(%arg6 : memref<128x256xf32, #tpu.memory_space<vmem>>)
      %add3A_19 = arith.addi %mul3A_2, %mul3A_12 : i32
      "tpu.region"() ({
        %run_scoped3A = tpu.sem_alloc : memref<!tpu.dma_semaphore, #tpu.memory_space<semaphore_mem>>
        %dma_start3A_21 = arith.constant 0 : i32
        %dma_start3A_22 = tpu.memref_slice %arg4[%add3A_19, %dma_start3A_21] : memref<40960x256xf32, #tpu.memory_space<hbm>> -> memref<128x256xf32, #tpu.memory_space<hbm>>
        %dma_start3A_23 = arith.constant 0 : i32
        %dma_start3A_24 = tpu.memref_slice %arg4[%add3A_19, %dma_start3A_23] : memref<40960x256xf32, #tpu.memory_space<hbm>> -> memref<128x256xf32, #tpu.memory_space<hbm>>
        tpu.enqueue_dma source(%arg6 : memref<128x256xf32, #tpu.memory_space<vmem>>) target(%dma_start3A_24 : memref<128x256xf32, #tpu.memory_space<hbm>>) target_semaphore(%run_scoped3A : memref<!tpu.dma_semaphore, #tpu.memory_space<semaphore_mem>>)
        %dma_wait3A_25 = arith.constant 0 : i32
        %dma_wait3A_26 = tpu.memref_slice %arg4[%add3A_19, %dma_wait3A_25] : memref<40960x256xf32, #tpu.memory_space<hbm>> -> memref<128x256xf32, #tpu.memory_space<hbm>>
        %dma_wait3A_27 = arith.constant 0 : i32
        %dma_wait3A_28 = tpu.memref_slice %arg4[%add3A_19, %dma_wait3A_27] : memref<40960x256xf32, #tpu.memory_space<hbm>> -> memref<128x256xf32, #tpu.memory_space<hbm>>
        tpu.wait_dma2 semaphore(%run_scoped3A : memref<!tpu.dma_semaphore, #tpu.memory_space<semaphore_mem>>) src(%arg6 : memref<128x256xf32, #tpu.memory_space<vmem>>) dst(%dma_wait3A_28 : memref<128x256xf32, #tpu.memory_space<hbm>>)
        tpu.yield
      }) : () -> ()
      %scan3A_20 = arith.constant 0 : i32
      scf.yield %scan3A_20 : i32
    }
    %scan3A_8 = arith.constant 10 : i32
    return
  }
}

#map = affine_map<(d0, d1) -> (0, 0)>
#map1 = affine_map<(d0, d1) -> (0)>
module attributes {stable_mosaic.version = 14 : i64} {
  func.func @k(%arg0: i32, %arg1: i32, %arg2: memref<100000x256xf32, #tpu.memory_space<hbm>>, %arg3: memref<40960xi32, #tpu.memory_space<hbm>>, %arg4: memref<40960x256xf32, #tpu.memory_space<hbm>>, %arg5: memref<1280xi32, #tpu.memory_space<vmem>>, %arg6: memref<128x256xf32, #tpu.memory_space<vmem>>, %arg7: memref<!tpu.dma_semaphore, #tpu.memory_space<semaphore_mem>>) attributes {dimension_semantics = [#tpu.dimension_semantics<core_parallel>, #tpu.dimension_semantics<subcore_parallel>], iteration_bounds = array<i64: 2, 16>, scalar_prefetch = 0 : i64, scratch_operands = 3 : i64, tpu.core_type = #tpu.core_type<sc_vector_subcore>, window_params = [{transform_indices = #map}, {transform_indices = #map1}, {transform_indices = #map}]} {
    %mul3A = arith.constant 2 : i32
    %mul3A_0 = arith.muli %arg1, %mul3A : i32
    %add3A = arith.addi %mul3A_0, %arg0 : i32
    %mul3A_1 = arith.constant 1280 : i32
    %mul3A_2 = arith.muli %add3A, %mul3A_1 : i32
    "tpu.region"() ({
      %run_scoped3A = tpu.sem_alloc : memref<!tpu.dma_semaphore, #tpu.memory_space<semaphore_mem>>
      %dma_start3A = tpu.memref_slice %arg3[%mul3A_2] : memref<40960xi32, #tpu.memory_space<hbm>> -> memref<1280xi32, #tpu.memory_space<hbm>>
      %dma_start3A_9 = tpu.memref_slice %arg3[%mul3A_2] : memref<40960xi32, #tpu.memory_space<hbm>> -> memref<1280xi32, #tpu.memory_space<hbm>>
      tpu.enqueue_dma source(%dma_start3A_9 : memref<1280xi32, #tpu.memory_space<hbm>>) target(%arg5 : memref<1280xi32, #tpu.memory_space<vmem>>) target_semaphore(%run_scoped3A : memref<!tpu.dma_semaphore, #tpu.memory_space<semaphore_mem>>)
      %dma_wait3A = tpu.memref_slice %arg3[%mul3A_2] : memref<40960xi32, #tpu.memory_space<hbm>> -> memref<1280xi32, #tpu.memory_space<hbm>>
      %dma_wait3A_10 = tpu.memref_slice %arg3[%mul3A_2] : memref<40960xi32, #tpu.memory_space<hbm>> -> memref<1280xi32, #tpu.memory_space<hbm>>
      tpu.wait_dma2 semaphore(%run_scoped3A : memref<!tpu.dma_semaphore, #tpu.memory_space<semaphore_mem>>) src(%dma_wait3A_10 : memref<1280xi32, #tpu.memory_space<hbm>>) dst(%arg5 : memref<1280xi32, #tpu.memory_space<vmem>>)
      tpu.yield
    }) : () -> ()
    %scan3A = arith.constant 0 : i32
    %scan3A_3 = arith.constant 0 : i32
    %scan3A_4 = arith.constant 10 : i32
    %scan3A_5 = arith.addi %scan3A_3, %scan3A_4 : i32
    %scan3A_6 = arith.constant 1 : i32
    %scan3A_7 = scf.for %scan3A_9 = %scan3A_3 to %scan3A_5 step %scan3A_6 iter_args(%scan3A_10 = %scan3A) -> (i32)  : i32 {
      %mul3A_11 = arith.constant 128 : i32
      %mul3A_12 = arith.muli %scan3A_9, %mul3A_11 : i32
      %dma_start3A = tpu.memref_slice %arg5[%mul3A_12] : memref<1280xi32, #tpu.memory_space<vmem>> -> memref<128xi32, #tpu.memory_space<vmem>>
      %dma_start3A_13 = arith.constant 0 : i32
      %dma_start3A_14 = arith.constant 0 : i32
      %dma_start3A_15 = tpu.memref_slice %arg2[%dma_start3A_13, %dma_start3A_14] : memref<100000x256xf32, #tpu.memory_space<hbm>> -> memref<100000x256xf32, #tpu.memory_space<hbm>>
      tpu.enqueue_indirect_dma source(%dma_start3A_15 : memref<100000x256xf32, #tpu.memory_space<hbm>>) target(%arg6 : memref<128x256xf32, #tpu.memory_space<vmem>>) offsets(%dma_start3A : memref<128xi32, #tpu.memory_space<vmem>>) semaphore(%arg7 : memref<!tpu.dma_semaphore, #tpu.memory_space<semaphore_mem>>)
      %dma_wait3A = tpu.memref_slice %arg5[%mul3A_12] : memref<1280xi32, #tpu.memory_space<vmem>> -> memref<128xi32, #tpu.memory_space<vmem>>
      %dma_wait3A_16 = arith.constant 0 : i32
      %dma_wait3A_17 = arith.constant 0 : i32
      %dma_wait3A_18 = tpu.memref_slice %arg2[%dma_wait3A_16, %dma_wait3A_17] : memref<100000x256xf32, #tpu.memory_space<hbm>> -> memref<100000x256xf32, #tpu.memory_space<hbm>>
      tpu.wait_indirect_dma semaphore(%arg7 : memref<!tpu.dma_semaphore, #tpu.memory_space<semaphore_mem>>) src(%dma_wait3A_18 : memref<100000x256xf32, #tpu.memory_space<hbm>>) dst(%arg6 : memref<128x256xf32, #tpu.memory_space<vmem>>)
      %add3A_19 = arith.addi %mul3A_2, %mul3A_12 : i32
      "tpu.region"() ({
        %run_scoped3A = tpu.sem_alloc : memref<!tpu.dma_semaphore, #tpu.memory_space<semaphore_mem>>
        %dma_start3A_21 = arith.constant 0 : i32
        %dma_start3A_22 = tpu.memref_slice %arg4[%add3A_19, %dma_start3A_21] : memref<40960x256xf32, #tpu.memory_space<hbm>> -> memref<128x256xf32, #tpu.memory_space<hbm>>
        %dma_start3A_23 = arith.constant 0 : i32
        %dma_start3A_24 = tpu.memref_slice %arg4[%add3A_19, %dma_start3A_23] : memref<40960x256xf32, #tpu.memory_space<hbm>> -> memref<128x256xf32, #tpu.memory_space<hbm>>
        tpu.enqueue_dma source(%arg6 : memref<128x256xf32, #tpu.memory_space<vmem>>) target(%dma_start3A_24 : memref<128x256xf32, #tpu.memory_space<hbm>>) target_semaphore(%run_scoped3A : memref<!tpu.dma_semaphore, #tpu.memory_space<semaphore_mem>>)
        %dma_wait3A_25 = arith.constant 0 : i32
        %dma_wait3A_26 = tpu.memref_slice %arg4[%add3A_19, %dma_wait3A_25] : memref<40960x256xf32, #tpu.memory_space<hbm>> -> memref<128x256xf32, #tpu.memory_space<hbm>>
        %dma_wait3A_27 = arith.constant 0 : i32
        %dma_wait3A_28 = tpu.memref_slice %arg4[%add3A_19, %dma_wait3A_27] : memref<40960x256xf32, #tpu.memory_space<hbm>> -> memref<128x256xf32, #tpu.memory_space<hbm>>
        tpu.wait_dma2 semaphore(%run_scoped3A : memref<!tpu.dma_semaphore, #tpu.memory_space<semaphore_mem>>) src(%arg6 : memref<128x256xf32, #tpu.memory_space<vmem>>) dst(%dma_wait3A_28 : memref<128x256xf32, #tpu.memory_space<hbm>>)
        tpu.yield
      }) : () -> ()
      %scan3A_20 = arith.constant 0 : i32
      scf.yield %scan3A_20 : i32
    }
    %scan3A_8 = arith.constant 10 : i32
    return
  }
}

#map = affine_map<(d0, d1) -> (0, 0)>
#map1 = affine_map<(d0, d1) -> (0)>
module attributes {stable_mosaic.version = 14 : i64} {
  func.func @k(%arg0: i32, %arg1: i32, %arg2: memref<100000x256xf32, #tpu.memory_space<hbm>>, %arg3: memref<40960xi32, #tpu.memory_space<hbm>>, %arg4: memref<40960x256xf32, #tpu.memory_space<hbm>>, %arg5: memref<1280xi32, #tpu.memory_space<vmem>>, %arg6: memref<128x256xf32, #tpu.memory_space<vmem>>, %arg7: memref<!tpu.dma_semaphore, #tpu.memory_space<semaphore_mem>>) attributes {dimension_semantics = [#tpu.dimension_semantics<core_parallel>, #tpu.dimension_semantics<subcore_parallel>], iteration_bounds = array<i64: 2, 16>, scalar_prefetch = 0 : i64, scratch_operands = 3 : i64, tpu.core_type = #tpu.core_type<sc_vector_subcore>, window_params = [{transform_indices = #map}, {transform_indices = #map1}, {transform_indices = #map}]} {
    %mul3A = arith.constant 2 : i32
    %mul3A_0 = arith.muli %arg1, %mul3A : i32
    %add3A = arith.addi %mul3A_0, %arg0 : i32
    %mul3A_1 = arith.constant 1280 : i32
    %mul3A_2 = arith.muli %add3A, %mul3A_1 : i32
    "tpu.region"() ({
      %run_scoped3A = tpu.sem_alloc : memref<!tpu.dma_semaphore, #tpu.memory_space<semaphore_mem>>
      %dma_start3A = tpu.memref_slice %arg3[%mul3A_2] : memref<40960xi32, #tpu.memory_space<hbm>> -> memref<1280xi32, #tpu.memory_space<hbm>>
      %dma_start3A_9 = tpu.memref_slice %arg3[%mul3A_2] : memref<40960xi32, #tpu.memory_space<hbm>> -> memref<1280xi32, #tpu.memory_space<hbm>>
      tpu.enqueue_dma source(%dma_start3A_9 : memref<1280xi32, #tpu.memory_space<hbm>>) target(%arg5 : memref<1280xi32, #tpu.memory_space<vmem>>) target_semaphore(%run_scoped3A : memref<!tpu.dma_semaphore, #tpu.memory_space<semaphore_mem>>)
      %dma_wait3A = tpu.memref_slice %arg3[%mul3A_2] : memref<40960xi32, #tpu.memory_space<hbm>> -> memref<1280xi32, #tpu.memory_space<hbm>>
      %dma_wait3A_10 = tpu.memref_slice %arg3[%mul3A_2] : memref<40960xi32, #tpu.memory_space<hbm>> -> memref<1280xi32, #tpu.memory_space<hbm>>
      tpu.wait_dma2 semaphore(%run_scoped3A : memref<!tpu.dma_semaphore, #tpu.memory_space<semaphore_mem>>) src(%dma_wait3A_10 : memref<1280xi32, #tpu.memory_space<hbm>>) dst(%arg5 : memref<1280xi32, #tpu.memory_space<vmem>>)
      tpu.yield
    }) : () -> ()
    %scan3A = arith.constant 0 : i32
    %scan3A_3 = arith.constant 0 : i32
    %scan3A_4 = arith.constant 10 : i32
    %scan3A_5 = arith.addi %scan3A_3, %scan3A_4 : i32
    %scan3A_6 = arith.constant 1 : i32
    %scan3A_7 = scf.for %scan3A_9 = %scan3A_3 to %scan3A_5 step %scan3A_6 iter_args(%scan3A_10 = %scan3A) -> (i32)  : i32 {
      %mul3A_11 = arith.constant 128 : i32
      %mul3A_12 = arith.muli %scan3A_9, %mul3A_11 : i32
      %dma_start3A = tpu.memref_slice %arg5[%mul3A_12] : memref<1280xi32, #tpu.memory_space<vmem>> -> memref<128xi32, #tpu.memory_space<vmem>>
      %dma_start3A_13 = arith.constant 0 : i32
      %dma_start3A_14 = arith.constant 0 : i32
      %dma_start3A_15 = tpu.memref_slice %arg2[%dma_start3A_13, %dma_start3A_14] : memref<100000x256xf32, #tpu.memory_space<hbm>> -> memref<100000x256xf32, #tpu.memory_space<hbm>>
      tpu.enqueue_indirect_dma source(%dma_start3A_15 : memref<100000x256xf32, #tpu.memory_space<hbm>>) target(%arg6 : memref<128x256xf32, #tpu.memory_space<vmem>>) offsets(%dma_start3A : memref<128xi32, #tpu.memory_space<vmem>>) semaphore(%arg7 : memref<!tpu.dma_semaphore, #tpu.memory_space<semaphore_mem>>)
      %dma_wait3A = tpu.memref_slice %arg5[%mul3A_12] : memref<1280xi32, #tpu.memory_space<vmem>> -> memref<128xi32, #tpu.memory_space<vmem>>
      %dma_wait3A_16 = arith.constant 0 : i32
      %dma_wait3A_17 = arith.constant 0 : i32
      %dma_wait3A_18 = tpu.memref_slice %arg2[%dma_wait3A_16, %dma_wait3A_17] : memref<100000x256xf32, #tpu.memory_space<hbm>> -> memref<100000x256xf32, #tpu.memory_space<hbm>>
      tpu.wait_indirect_dma semaphore(%arg7 : memref<!tpu.dma_semaphore, #tpu.memory_space<semaphore_mem>>) src(%dma_wait3A_18 : memref<100000x256xf32, #tpu.memory_space<hbm>>) dst(%arg6 : memref<128x256xf32, #tpu.memory_space<vmem>>)
      %add3A_19 = arith.addi %mul3A_2, %mul3A_12 : i32
      "tpu.region"() ({
        %run_scoped3A = tpu.sem_alloc : memref<!tpu.dma_semaphore, #tpu.memory_space<semaphore_mem>>
        %dma_start3A_21 = arith.constant 0 : i32
        %dma_start3A_22 = tpu.memref_slice %arg4[%add3A_19, %dma_start3A_21] : memref<40960x256xf32, #tpu.memory_space<hbm>> -> memref<128x256xf32, #tpu.memory_space<hbm>>
        %dma_start3A_23 = arith.constant 0 : i32
        %dma_start3A_24 = tpu.memref_slice %arg4[%add3A_19, %dma_start3A_23] : memref<40960x256xf32, #tpu.memory_space<hbm>> -> memref<128x256xf32, #tpu.memory_space<hbm>>
        tpu.enqueue_dma source(%arg6 : memref<128x256xf32, #tpu.memory_space<vmem>>) target(%dma_start3A_24 : memref<128x256xf32, #tpu.memory_space<hbm>>) target_semaphore(%run_scoped3A : memref<!tpu.dma_semaphore, #tpu.memory_space<semaphore_mem>>)
        %dma_wait3A_25 = arith.constant 0 : i32
        %dma_wait3A_26 = tpu.memref_slice %arg4[%add3A_19, %dma_wait3A_25] : memref<40960x256xf32, #tpu.memory_space<hbm>> -> memref<128x256xf32, #tpu.memory_space<hbm>>
        %dma_wait3A_27 = arith.constant 0 : i32
        %dma_wait3A_28 = tpu.memref_slice %arg4[%add3A_19, %dma_wait3A_27] : memref<40960x256xf32, #tpu.memory_space<hbm>> -> memref<128x256xf32, #tpu.memory_space<hbm>>
        tpu.wait_dma2 semaphore(%run_scoped3A : memref<!tpu.dma_semaphore, #tpu.memory_space<semaphore_mem>>) src(%arg6 : memref<128x256xf32, #tpu.memory_space<vmem>>) dst(%dma_wait3A_28 : memref<128x256xf32, #tpu.memory_space<hbm>>)
        tpu.yield
      }) : () -> ()
      %scan3A_20 = arith.constant 0 : i32
      scf.yield %scan3A_20 : i32
    }
    %scan3A_8 = arith.constant 10 : i32
    return
  }
}

#map = affine_map<(d0, d1) -> (0, 0)>
#map1 = affine_map<(d0, d1) -> (0)>
module attributes {stable_mosaic.version = 14 : i64} {
  func.func @k(%arg0: i32, %arg1: i32, %arg2: memref<100000x256xf32, #tpu.memory_space<hbm>>, %arg3: memref<40960xi32, #tpu.memory_space<hbm>>, %arg4: memref<40960x256xf32, #tpu.memory_space<hbm>>, %arg5: memref<1280xi32, #tpu.memory_space<vmem>>, %arg6: memref<128x256xf32, #tpu.memory_space<vmem>>, %arg7: memref<!tpu.dma_semaphore, #tpu.memory_space<semaphore_mem>>) attributes {dimension_semantics = [#tpu.dimension_semantics<core_parallel>, #tpu.dimension_semantics<subcore_parallel>], iteration_bounds = array<i64: 2, 16>, scalar_prefetch = 0 : i64, scratch_operands = 3 : i64, tpu.core_type = #tpu.core_type<sc_vector_subcore>, window_params = [{transform_indices = #map}, {transform_indices = #map1}, {transform_indices = #map}]} {
    %mul3A = arith.constant 2 : i32
    %mul3A_0 = arith.muli %arg1, %mul3A : i32
    %add3A = arith.addi %mul3A_0, %arg0 : i32
    %mul3A_1 = arith.constant 1280 : i32
    %mul3A_2 = arith.muli %add3A, %mul3A_1 : i32
    "tpu.region"() ({
      %run_scoped3A = tpu.sem_alloc : memref<!tpu.dma_semaphore, #tpu.memory_space<semaphore_mem>>
      %dma_start3A = tpu.memref_slice %arg3[%mul3A_2] : memref<40960xi32, #tpu.memory_space<hbm>> -> memref<1280xi32, #tpu.memory_space<hbm>>
      %dma_start3A_9 = tpu.memref_slice %arg3[%mul3A_2] : memref<40960xi32, #tpu.memory_space<hbm>> -> memref<1280xi32, #tpu.memory_space<hbm>>
      tpu.enqueue_dma source(%dma_start3A_9 : memref<1280xi32, #tpu.memory_space<hbm>>) target(%arg5 : memref<1280xi32, #tpu.memory_space<vmem>>) target_semaphore(%run_scoped3A : memref<!tpu.dma_semaphore, #tpu.memory_space<semaphore_mem>>)
      %dma_wait3A = tpu.memref_slice %arg3[%mul3A_2] : memref<40960xi32, #tpu.memory_space<hbm>> -> memref<1280xi32, #tpu.memory_space<hbm>>
      %dma_wait3A_10 = tpu.memref_slice %arg3[%mul3A_2] : memref<40960xi32, #tpu.memory_space<hbm>> -> memref<1280xi32, #tpu.memory_space<hbm>>
      tpu.wait_dma2 semaphore(%run_scoped3A : memref<!tpu.dma_semaphore, #tpu.memory_space<semaphore_mem>>) src(%dma_wait3A_10 : memref<1280xi32, #tpu.memory_space<hbm>>) dst(%arg5 : memref<1280xi32, #tpu.memory_space<vmem>>)
      tpu.yield
    }) : () -> ()
    %scan3A = arith.constant 0 : i32
    %scan3A_3 = arith.constant 0 : i32
    %scan3A_4 = arith.constant 10 : i32
    %scan3A_5 = arith.addi %scan3A_3, %scan3A_4 : i32
    %scan3A_6 = arith.constant 1 : i32
    %scan3A_7 = scf.for %scan3A_9 = %scan3A_3 to %scan3A_5 step %scan3A_6 iter_args(%scan3A_10 = %scan3A) -> (i32)  : i32 {
      %mul3A_11 = arith.constant 128 : i32
      %mul3A_12 = arith.muli %scan3A_9, %mul3A_11 : i32
      %dma_start3A = tpu.memref_slice %arg5[%mul3A_12] : memref<1280xi32, #tpu.memory_space<vmem>> -> memref<128xi32, #tpu.memory_space<vmem>>
      %dma_start3A_13 = arith.constant 0 : i32
      %dma_start3A_14 = arith.constant 0 : i32
      %dma_start3A_15 = tpu.memref_slice %arg2[%dma_start3A_13, %dma_start3A_14] : memref<100000x256xf32, #tpu.memory_space<hbm>> -> memref<100000x256xf32, #tpu.memory_space<hbm>>
      tpu.enqueue_indirect_dma source(%dma_start3A_15 : memref<100000x256xf32, #tpu.memory_space<hbm>>) target(%arg6 : memref<128x256xf32, #tpu.memory_space<vmem>>) offsets(%dma_start3A : memref<128xi32, #tpu.memory_space<vmem>>) semaphore(%arg7 : memref<!tpu.dma_semaphore, #tpu.memory_space<semaphore_mem>>)
      %dma_wait3A = tpu.memref_slice %arg5[%mul3A_12] : memref<1280xi32, #tpu.memory_space<vmem>> -> memref<128xi32, #tpu.memory_space<vmem>>
      %dma_wait3A_16 = arith.constant 0 : i32
      %dma_wait3A_17 = arith.constant 0 : i32
      %dma_wait3A_18 = tpu.memref_slice %arg2[%dma_wait3A_16, %dma_wait3A_17] : memref<100000x256xf32, #tpu.memory_space<hbm>> -> memref<100000x256xf32, #tpu.memory_space<hbm>>
      tpu.wait_indirect_dma semaphore(%arg7 : memref<!tpu.dma_semaphore, #tpu.memory_space<semaphore_mem>>) src(%dma_wait3A_18 : memref<100000x256xf32, #tpu.memory_space<hbm>>) dst(%arg6 : memref<128x256xf32, #tpu.memory_space<vmem>>)
      %add3A_19 = arith.addi %mul3A_2, %mul3A_12 : i32
      "tpu.region"() ({
        %run_scoped3A = tpu.sem_alloc : memref<!tpu.dma_semaphore, #tpu.memory_space<semaphore_mem>>
        %dma_start3A_21 = arith.constant 0 : i32
        %dma_start3A_22 = tpu.memref_slice %arg4[%add3A_19, %dma_start3A_21] : memref<40960x256xf32, #tpu.memory_space<hbm>> -> memref<128x256xf32, #tpu.memory_space<hbm>>
        %dma_start3A_23 = arith.constant 0 : i32
        %dma_start3A_24 = tpu.memref_slice %arg4[%add3A_19, %dma_start3A_23] : memref<40960x256xf32, #tpu.memory_space<hbm>> -> memref<128x256xf32, #tpu.memory_space<hbm>>
        tpu.enqueue_dma source(%arg6 : memref<128x256xf32, #tpu.memory_space<vmem>>) target(%dma_start3A_24 : memref<128x256xf32, #tpu.memory_space<hbm>>) target_semaphore(%run_scoped3A : memref<!tpu.dma_semaphore, #tpu.memory_space<semaphore_mem>>)
        %dma_wait3A_25 = arith.constant 0 : i32
        %dma_wait3A_26 = tpu.memref_slice %arg4[%add3A_19, %dma_wait3A_25] : memref<40960x256xf32, #tpu.memory_space<hbm>> -> memref<128x256xf32, #tpu.memory_space<hbm>>
        %dma_wait3A_27 = arith.constant 0 : i32
        %dma_wait3A_28 = tpu.memref_slice %arg4[%add3A_19, %dma_wait3A_27] : memref<40960x256xf32, #tpu.memory_space<hbm>> -> memref<128x256xf32, #tpu.memory_space<hbm>>
        tpu.wait_dma2 semaphore(%run_scoped3A : memref<!tpu.dma_semaphore, #tpu.memory_space<semaphore_mem>>) src(%arg6 : memref<128x256xf32, #tpu.memory_space<vmem>>) dst(%dma_wait3A_28 : memref<128x256xf32, #tpu.memory_space<hbm>>)
        tpu.yield
      }) : () -> ()
      %scan3A_20 = arith.constant 0 : i32
      scf.yield %scan3A_20 : i32
    }
    %scan3A_8 = arith.constant 10 : i32
    return
  }
}

#map = affine_map<(d0, d1) -> (0, 0)>
#map1 = affine_map<(d0, d1) -> (0)>
module attributes {stable_mosaic.version = 14 : i64} {
  func.func @k(%arg0: i32, %arg1: i32, %arg2: memref<100000x256xf32, #tpu.memory_space<hbm>>, %arg3: memref<40960xi32, #tpu.memory_space<hbm>>, %arg4: memref<40960x256xf32, #tpu.memory_space<hbm>>, %arg5: memref<1280xi32, #tpu.memory_space<vmem>>, %arg6: memref<128x256xf32, #tpu.memory_space<vmem>>, %arg7: memref<!tpu.dma_semaphore, #tpu.memory_space<semaphore_mem>>) attributes {dimension_semantics = [#tpu.dimension_semantics<core_parallel>, #tpu.dimension_semantics<subcore_parallel>], iteration_bounds = array<i64: 2, 16>, scalar_prefetch = 0 : i64, scratch_operands = 3 : i64, tpu.core_type = #tpu.core_type<sc_vector_subcore>, window_params = [{transform_indices = #map}, {transform_indices = #map1}, {transform_indices = #map}]} {
    %mul3A = arith.constant 2 : i32
    %mul3A_0 = arith.muli %arg1, %mul3A : i32
    %add3A = arith.addi %mul3A_0, %arg0 : i32
    %mul3A_1 = arith.constant 1280 : i32
    %mul3A_2 = arith.muli %add3A, %mul3A_1 : i32
    "tpu.region"() ({
      %run_scoped3A = tpu.sem_alloc : memref<!tpu.dma_semaphore, #tpu.memory_space<semaphore_mem>>
      %dma_start3A = tpu.memref_slice %arg3[%mul3A_2] : memref<40960xi32, #tpu.memory_space<hbm>> -> memref<1280xi32, #tpu.memory_space<hbm>>
      %dma_start3A_9 = tpu.memref_slice %arg3[%mul3A_2] : memref<40960xi32, #tpu.memory_space<hbm>> -> memref<1280xi32, #tpu.memory_space<hbm>>
      tpu.enqueue_dma source(%dma_start3A_9 : memref<1280xi32, #tpu.memory_space<hbm>>) target(%arg5 : memref<1280xi32, #tpu.memory_space<vmem>>) target_semaphore(%run_scoped3A : memref<!tpu.dma_semaphore, #tpu.memory_space<semaphore_mem>>)
      %dma_wait3A = tpu.memref_slice %arg3[%mul3A_2] : memref<40960xi32, #tpu.memory_space<hbm>> -> memref<1280xi32, #tpu.memory_space<hbm>>
      %dma_wait3A_10 = tpu.memref_slice %arg3[%mul3A_2] : memref<40960xi32, #tpu.memory_space<hbm>> -> memref<1280xi32, #tpu.memory_space<hbm>>
      tpu.wait_dma2 semaphore(%run_scoped3A : memref<!tpu.dma_semaphore, #tpu.memory_space<semaphore_mem>>) src(%dma_wait3A_10 : memref<1280xi32, #tpu.memory_space<hbm>>) dst(%arg5 : memref<1280xi32, #tpu.memory_space<vmem>>)
      tpu.yield
    }) : () -> ()
    %scan3A = arith.constant 0 : i32
    %scan3A_3 = arith.constant 0 : i32
    %scan3A_4 = arith.constant 10 : i32
    %scan3A_5 = arith.addi %scan3A_3, %scan3A_4 : i32
    %scan3A_6 = arith.constant 1 : i32
    %scan3A_7 = scf.for %scan3A_9 = %scan3A_3 to %scan3A_5 step %scan3A_6 iter_args(%scan3A_10 = %scan3A) -> (i32)  : i32 {
      %mul3A_11 = arith.constant 128 : i32
      %mul3A_12 = arith.muli %scan3A_9, %mul3A_11 : i32
      %dma_start3A = tpu.memref_slice %arg5[%mul3A_12] : memref<1280xi32, #tpu.memory_space<vmem>> -> memref<128xi32, #tpu.memory_space<vmem>>
      %dma_start3A_13 = arith.constant 0 : i32
      %dma_start3A_14 = arith.constant 0 : i32
      %dma_start3A_15 = tpu.memref_slice %arg2[%dma_start3A_13, %dma_start3A_14] : memref<100000x256xf32, #tpu.memory_space<hbm>> -> memref<100000x256xf32, #tpu.memory_space<hbm>>
      tpu.enqueue_indirect_dma source(%dma_start3A_15 : memref<100000x256xf32, #tpu.memory_space<hbm>>) target(%arg6 : memref<128x256xf32, #tpu.memory_space<vmem>>) offsets(%dma_start3A : memref<128xi32, #tpu.memory_space<vmem>>) semaphore(%arg7 : memref<!tpu.dma_semaphore, #tpu.memory_space<semaphore_mem>>)
      %dma_wait3A = tpu.memref_slice %arg5[%mul3A_12] : memref<1280xi32, #tpu.memory_space<vmem>> -> memref<128xi32, #tpu.memory_space<vmem>>
      %dma_wait3A_16 = arith.constant 0 : i32
      %dma_wait3A_17 = arith.constant 0 : i32
      %dma_wait3A_18 = tpu.memref_slice %arg2[%dma_wait3A_16, %dma_wait3A_17] : memref<100000x256xf32, #tpu.memory_space<hbm>> -> memref<100000x256xf32, #tpu.memory_space<hbm>>
      tpu.wait_indirect_dma semaphore(%arg7 : memref<!tpu.dma_semaphore, #tpu.memory_space<semaphore_mem>>) src(%dma_wait3A_18 : memref<100000x256xf32, #tpu.memory_space<hbm>>) dst(%arg6 : memref<128x256xf32, #tpu.memory_space<vmem>>)
      %add3A_19 = arith.addi %mul3A_2, %mul3A_12 : i32
      "tpu.region"() ({
        %run_scoped3A = tpu.sem_alloc : memref<!tpu.dma_semaphore, #tpu.memory_space<semaphore_mem>>
        %dma_start3A_21 = arith.constant 0 : i32
        %dma_start3A_22 = tpu.memref_slice %arg4[%add3A_19, %dma_start3A_21] : memref<40960x256xf32, #tpu.memory_space<hbm>> -> memref<128x256xf32, #tpu.memory_space<hbm>>
        %dma_start3A_23 = arith.constant 0 : i32
        %dma_start3A_24 = tpu.memref_slice %arg4[%add3A_19, %dma_start3A_23] : memref<40960x256xf32, #tpu.memory_space<hbm>> -> memref<128x256xf32, #tpu.memory_space<hbm>>
        tpu.enqueue_dma source(%arg6 : memref<128x256xf32, #tpu.memory_space<vmem>>) target(%dma_start3A_24 : memref<128x256xf32, #tpu.memory_space<hbm>>) target_semaphore(%run_scoped3A : memref<!tpu.dma_semaphore, #tpu.memory_space<semaphore_mem>>)
        %dma_wait3A_25 = arith.constant 0 : i32
        %dma_wait3A_26 = tpu.memref_slice %arg4[%add3A_19, %dma_wait3A_25] : memref<40960x256xf32, #tpu.memory_space<hbm>> -> memref<128x256xf32, #tpu.memory_space<hbm>>
        %dma_wait3A_27 = arith.constant 0 : i32
        %dma_wait3A_28 = tpu.memref_slice %arg4[%add3A_19, %dma_wait3A_27] : memref<40960x256xf32, #tpu.memory_space<hbm>> -> memref<128x256xf32, #tpu.memory_space<hbm>>
        tpu.wait_dma2 semaphore(%run_scoped3A : memref<!tpu.dma_semaphore, #tpu.memory_space<semaphore_mem>>) src(%arg6 : memref<128x256xf32, #tpu.memory_space<vmem>>) dst(%dma_wait3A_28 : memref<128x256xf32, #tpu.memory_space<hbm>>)
        tpu.yield
      }) : () -> ()
      %scan3A_20 = arith.constant 0 : i32
      scf.yield %scan3A_20 : i32
    }
    %scan3A_8 = arith.constant 10 : i32
    return
  }
}

module attributes {stable_mosaic.version = 14 : i64} {
  func.func @_tc_body(%arg0: i32, %arg1: memref<1x1x1024xi32, #tpu.memory_space<vmem>>, %arg2: memref<1x1x1024xi32, #tpu.memory_space<vmem>>, %arg3: memref<1x1x1024xi32, #tpu.memory_space<vmem>>, %arg4: memref<1x1x1024xi32, #tpu.memory_space<vmem>>, %arg5: memref<1024x256xf32, #tpu.memory_space<vmem>>, %arg6: memref<256x1024xf32, #tpu.memory_space<vmem>>, %arg7: memref<640x1024xf32, #tpu.memory_space<vmem>>, %arg8: memref<8x1024xf32, #tpu.memory_space<vmem>>, %arg9: memref<1x1024xf32, #tpu.memory_space<vmem>>, %arg10: memref<1x1024xf32, #tpu.memory_space<vmem>>, %arg11: memref<1x1024x1024xf32, #tpu.memory_space<vmem>>) attributes {dimension_semantics = [#tpu.dimension_semantics<arbitrary>], iteration_bounds = array<i64: 40>, scalar_prefetch = 0 : i64, scratch_operands = 0 : i64, tpu.core_type = #tpu.core_type<tc>, window_params = [{transform_indices = @transform_0, window_bounds = array<i64: 1, 1, 1024>}, {transform_indices = @transform_1, window_bounds = array<i64: 1, 1, 1024>}, {transform_indices = @transform_2, window_bounds = array<i64: 1, 1, 1024>}, {transform_indices = @transform_3, window_bounds = array<i64: 1, 1, 1024>}, {transform_indices = @transform_4, window_bounds = array<i64: 1024, 256>}, {pipeline_mode = #tpu.pipeline_mode<synchronous>, transform_indices = @transform_5, window_bounds = array<i64: 256, 1024>}, {pipeline_mode = #tpu.pipeline_mode<synchronous>, transform_indices = @transform_6, window_bounds = array<i64: 640, 1024>}, {pipeline_mode = #tpu.pipeline_mode<synchronous>, transform_indices = @transform_7, window_bounds = array<i64: 8, 1024>}, {pipeline_mode = #tpu.pipeline_mode<synchronous>, transform_indices = @transform_8, window_bounds = array<i64: 1, 1024>}, {pipeline_mode = #tpu.pipeline_mode<synchronous>, transform_indices = @transform_9, window_bounds = array<i64: 1, 1024>}, {transform_indices = @transform_10, window_bounds = array<i64: 1, 1024, 1024>}]} {
    %get3A = arith.constant 0 : index
    %get3A_0 = arith.constant 0 : index
    %get3A_1 = vector.load %arg5[%get3A, %get3A_0] : memref<1024x256xf32, #tpu.memory_space<vmem>>, vector<1024x256xf32>
    %get3A_2 = arith.constant 0 : index
    %get3A_3 = arith.constant 0 : index
    %get3A_4 = vector.load %arg6[%get3A_2, %get3A_3] : memref<256x1024xf32, #tpu.memory_space<vmem>>, vector<256x1024xf32>
    %dot_general3A = arith.constant dense<0.000000e+00> : vector<1024x1024xf32>
    %dot_general3A_5 = tpu.matmul %get3A_1, %get3A_4, %dot_general3A {dimension_numbers = #tpu.dot_dimension_numbers<[1], [0], [0], [1], [0, 0, 1, 1], [], []>, transpose_lhs_hint = false} : vector<1024x256xf32>, vector<256x1024xf32>, vector<1024x1024xf32> -> vector<1024x1024xf32>
    %get3A_6 = arith.constant 0 : index
    %get3A_7 = arith.constant 0 : index
    %get3A_8 = arith.constant 0 : index
    %get3A_9 = vector.load %arg1[%get3A_6, %get3A_7, %get3A_8] : memref<1x1x1024xi32, #tpu.memory_space<vmem>>, vector<1x1x1024xi32>
    %get3A_10 = vector.shape_cast %get3A_9 : vector<1x1x1024xi32> to vector<1024xi32>
    %get3A_11 = arith.constant 0 : index
    %get3A_12 = arith.constant 0 : index
    %get3A_13 = arith.constant 0 : index
    %get3A_14 = vector.load %arg2[%get3A_11, %get3A_12, %get3A_13] : memref<1x1x1024xi32, #tpu.memory_space<vmem>>, vector<1x1x1024xi32>
    %get3A_15 = vector.shape_cast %get3A_14 : vector<1x1x1024xi32> to vector<1024xi32>
    %get3A_16 = arith.constant 0 : index
    %get3A_17 = arith.constant 0 : index
    %get3A_18 = arith.constant 0 : index
    %get3A_19 = vector.load %arg3[%get3A_16, %get3A_17, %get3A_18] : memref<1x1x1024xi32, #tpu.memory_space<vmem>>, vector<1x1x1024xi32>
    %get3A_20 = vector.shape_cast %get3A_19 : vector<1x1x1024xi32> to vector<1024xi32>
    %get3A_21 = arith.constant 0 : index
    %get3A_22 = arith.constant 0 : index
    %get3A_23 = arith.constant 0 : index
    %get3A_24 = vector.load %arg4[%get3A_21, %get3A_22, %get3A_23] : memref<1x1x1024xi32, #tpu.memory_space<vmem>>, vector<1x1x1024xi32>
    %get3A_25 = vector.shape_cast %get3A_24 : vector<1x1x1024xi32> to vector<1024xi32>
    %iota3A = tpu.iota {dimensions = array<i32: 1>} : vector<1024x640xi32>
    %broadcast_in_dim3A = vector.shape_cast %get3A_10 : vector<1024xi32> to vector<1024x1xi32>
    %eq3A = vector.broadcast %broadcast_in_dim3A : vector<1024x1xi32> to vector<1024x640xi32>
    %eq3A_26 = arith.cmpi eq, %iota3A, %eq3A : vector<1024x640xi32>
    %convert_element_type3A = arith.extui %eq3A_26 : vector<1024x640xi1> to vector<1024x640xi32>
    %convert_element_type3A_27 = arith.sitofp %convert_element_type3A : vector<1024x640xi32> to vector<1024x640xf32>
    %broadcast_in_dim3A_28 = vector.shape_cast %get3A_15 : vector<1024xi32> to vector<1024x1xi32>
    %add3A = arith.constant 512 : i32
    %add3A_29 = vector.broadcast %add3A : i32 to vector<1024x1xi32>
    %add3A_30 = arith.addi %broadcast_in_dim3A_28, %add3A_29 : vector<1024x1xi32>
    %eq3A_31 = vector.broadcast %add3A_30 : vector<1024x1xi32> to vector<1024x640xi32>
    %eq3A_32 = arith.cmpi eq, %iota3A, %eq3A_31 : vector<1024x640xi32>
    %convert_element_type3A_33 = arith.extui %eq3A_32 : vector<1024x640xi1> to vector<1024x640xi32>
    %convert_element_type3A_34 = arith.sitofp %convert_element_type3A_33 : vector<1024x640xi32> to vector<1024x640xf32>
    %add3A_35 = arith.addf %convert_element_type3A_27, %convert_element_type3A_34 : vector<1024x640xf32>
    %broadcast_in_dim3A_36 = vector.shape_cast %get3A_20 : vector<1024xi32> to vector<1024x1xi32>
    %add3A_37 = arith.constant 576 : i32
    %add3A_38 = vector.broadcast %add3A_37 : i32 to vector<1024x1xi32>
    %add3A_39 = arith.addi %broadcast_in_dim3A_36, %add3A_38 : vector<1024x1xi32>
    %eq3A_40 = vector.broadcast %add3A_39 : vector<1024x1xi32> to vector<1024x640xi32>
    %eq3A_41 = arith.cmpi eq, %iota3A, %eq3A_40 : vector<1024x640xi32>
    %convert_element_type3A_42 = arith.extui %eq3A_41 : vector<1024x640xi1> to vector<1024x640xi32>
    %convert_element_type3A_43 = arith.sitofp %convert_element_type3A_42 : vector<1024x640xi32> to vector<1024x640xf32>
    %add3A_44 = arith.addf %add3A_35, %convert_element_type3A_43 : vector<1024x640xf32>
    %get3A_45 = arith.constant 0 : index
    %get3A_46 = arith.constant 0 : index
    %get3A_47 = vector.load %arg7[%get3A_45, %get3A_46] : memref<640x1024xf32, #tpu.memory_space<vmem>>, vector<640x1024xf32>
    %dot_general3A_48 = arith.constant dense<0.000000e+00> : vector<1024x1024xf32>
    %dot_general3A_49 = tpu.matmul %add3A_44, %get3A_47, %dot_general3A_48 {dimension_numbers = #tpu.dot_dimension_numbers<[1], [0], [0], [1], [0, 0, 1, 1], [], []>, transpose_lhs_hint = false} : vector<1024x640xf32>, vector<640x1024xf32>, vector<1024x1024xf32> -> vector<1024x1024xf32>
    %add3A_50 = arith.addf %dot_general3A_5, %dot_general3A_49 : vector<1024x1024xf32>
    %get3A_51 = arith.constant 0 : index
    %get3A_52 = arith.constant 0 : index
    %get3A_53 = vector.load %arg8[%get3A_51, %get3A_52] : memref<8x1024xf32, #tpu.memory_space<vmem>>, vector<1x1024xf32>
    %get3A_54 = vector.shape_cast %get3A_53 : vector<1x1024xf32> to vector<1024xf32>
    %broadcast_in_dim3A_55 = vector.shape_cast %get3A_54 : vector<1024xf32> to vector<1x1024xf32>
    %get3A_56 = arith.constant 1 : index
    %get3A_57 = arith.constant 0 : index
    %get3A_58 = vector.load %arg8[%get3A_56, %get3A_57] : memref<8x1024xf32, #tpu.memory_space<vmem>>, vector<1x1024xf32>
    %get3A_59 = vector.shape_cast %get3A_58 : vector<1x1024xf32> to vector<1024xf32>
    %broadcast_in_dim3A_60 = vector.shape_cast %get3A_59 : vector<1024xf32> to vector<1x1024xf32>
    %broadcast_in_dim3A_61 = vector.shape_cast %get3A_25 : vector<1024xi32> to vector<1024x1xi32>
    %eq3A_62 = arith.constant 1 : i32
    %eq3A_63 = vector.broadcast %eq3A_62 : i32 to vector<1024x1xi32>
    %eq3A_64 = arith.cmpi eq, %broadcast_in_dim3A_61, %eq3A_63 : vector<1024x1xi32>
    %broadcast_in_dim3A_65 = vector.shape_cast %eq3A_64 : vector<1024x1xi1> to vector<1024x1xi1>
    %broadcast_in_dim3A_66 = vector.broadcast %broadcast_in_dim3A_65 : vector<1024x1xi1> to vector<1024x1024xi1>
    %broadcast_in_dim3A_67 = vector.shape_cast %broadcast_in_dim3A_60 : vector<1x1024xf32> to vector<1x1024xf32>
    %broadcast_in_dim3A_68 = vector.broadcast %broadcast_in_dim3A_67 : vector<1x1024xf32> to vector<1024x1024xf32>
    %broadcast_in_dim3A_69 = vector.shape_cast %broadcast_in_dim3A_55 : vector<1x1024xf32> to vector<1x1024xf32>
    %broadcast_in_dim3A_70 = vector.broadcast %broadcast_in_dim3A_69 : vector<1x1024xf32> to vector<1024x1024xf32>
    %select_n3A = arith.select %broadcast_in_dim3A_66, %broadcast_in_dim3A_68, %broadcast_in_dim3A_70 : vector<1024x1024xi1>, vector<1024x1024xf32>
    %add3A_71 = arith.addf %add3A_50, %select_n3A : vector<1024x1024xf32>
    %reduce_sum3A = arith.constant dense<0.000000e+00> : vector<1024xf32>
    %reduce_sum3A_72 = vector.multi_reduction <add>, %add3A_71, %reduce_sum3A [1] : vector<1024x1024xf32> to vector<1024xf32>
    %broadcast_in_dim3A_73 = vector.shape_cast %reduce_sum3A_72 : vector<1024xf32> to vector<1024x1xf32>
    %div3A = arith.constant 1.024000e+03 : f32
    %div3A_74 = vector.broadcast %div3A : f32 to vector<1024x1xf32>
    %div3A_75 = arith.divf %broadcast_in_dim3A_73, %div3A_74 : vector<1024x1xf32>
    %sub3A = vector.broadcast %div3A_75 : vector<1024x1xf32> to vector<1024x1024xf32>
    %sub3A_76 = arith.subf %add3A_71, %sub3A : vector<1024x1024xf32>
    %mul3A = arith.mulf %sub3A_76, %sub3A_76 : vector<1024x1024xf32>
    %reduce_sum3A_77 = arith.constant dense<0.000000e+00> : vector<1024xf32>
    %reduce_sum3A_78 = vector.multi_reduction <add>, %mul3A, %reduce_sum3A_77 [1] : vector<1024x1024xf32> to vector<1024xf32>
    %broadcast_in_dim3A_79 = vector.shape_cast %reduce_sum3A_78 : vector<1024xf32> to vector<1024x1xf32>
    %div3A_80 = arith.constant 1.024000e+03 : f32
    %div3A_81 = vector.broadcast %div3A_80 : f32 to vector<1024x1xf32>
    %div3A_82 = arith.divf %broadcast_in_dim3A_79, %div3A_81 : vector<1024x1xf32>
    %add3A_83 = arith.constant 9.99999996E-13 : f32
    %add3A_84 = vector.broadcast %add3A_83 : f32 to vector<1024x1xf32>
    %add3A_85 = arith.addf %div3A_82, %add3A_84 : vector<1024x1xf32>
    %rsqrt3A = math.rsqrt %add3A_85 : vector<1024x1xf32>
    %mul3A_86 = vector.broadcast %rsqrt3A : vector<1024x1xf32> to vector<1024x1024xf32>
    %mul3A_87 = arith.mulf %sub3A_76, %mul3A_86 : vector<1024x1024xf32>
    %get3A_88 = arith.constant 0 : index
    %get3A_89 = arith.constant 0 : index
    %get3A_90 = vector.load %arg9[%get3A_88, %get3A_89] : memref<1x1024xf32, #tpu.memory_space<vmem>>, vector<1x1024xf32>
    %mul3A_91 = vector.broadcast %get3A_90 : vector<1x1024xf32> to vector<1024x1024xf32>
    %mul3A_92 = arith.mulf %mul3A_87, %mul3A_91 : vector<1024x1024xf32>
    %get3A_93 = arith.constant 0 : index
    %get3A_94 = arith.constant 0 : index
    %get3A_95 = vector.load %arg10[%get3A_93, %get3A_94] : memref<1x1024xf32, #tpu.memory_space<vmem>>, vector<1x1024xf32>
    %add3A_96 = vector.broadcast %get3A_95 : vector<1x1024xf32> to vector<1024x1024xf32>
    %add3A_97 = arith.addf %mul3A_92, %add3A_96 : vector<1024x1024xf32>
    %swap3A = arith.constant 0 : index
    %swap3A_98 = arith.constant 0 : index
    %swap3A_99 = arith.constant 0 : index
    %swap3A_100 = vector.load %arg11[%swap3A, %swap3A_98, %swap3A_99] : memref<1x1024x1024xf32, #tpu.memory_space<vmem>>, vector<1x1024x1024xf32>
    %swap3A_101 = vector.shape_cast %swap3A_100 : vector<1x1024x1024xf32> to vector<1024x1024xf32>
    %swap3A_102 = vector.shape_cast %add3A_97 : vector<1024x1024xf32> to vector<1x1024x1024xf32>
    tpu.vector_store %arg11[%swap3A, %swap3A_98, %swap3A_99], %swap3A_102 {strides = array<i32>} : memref<1x1024x1024xf32, #tpu.memory_space<vmem>>, vector<1x1024x1024xf32>,
    return
  }
  func.func @transform_0(%arg0: i32) -> (i32, i32, i32) {
    %c0_i32 = arith.constant 0 : i32
    %c0_i32_0 = arith.constant 0 : i32
    %c0_i32_1 = arith.constant 0 : i32
    return %arg0, %c0_i32, %c0_i32_0 : i32, i32, i32
  }
  func.func @transform_1(%arg0: i32) -> (i32, i32, i32) {
    %c0_i32 = arith.constant 0 : i32
    %c0_i32_0 = arith.constant 0 : i32
    %c0_i32_1 = arith.constant 0 : i32
    return %arg0, %c0_i32, %c0_i32_0 : i32, i32, i32
  }
  func.func @transform_2(%arg0: i32) -> (i32, i32, i32) {
    %c0_i32 = arith.constant 0 : i32
    %c0_i32_0 = arith.constant 0 : i32
    %c0_i32_1 = arith.constant 0 : i32
    return %arg0, %c0_i32, %c0_i32_0 : i32, i32, i32
  }
  func.func @transform_3(%arg0: i32) -> (i32, i32, i32) {
    %c0_i32 = arith.constant 0 : i32
    %c0_i32_0 = arith.constant 0 : i32
    %c0_i32_1 = arith.constant 0 : i32
    return %arg0, %c0_i32, %c0_i32_0 : i32, i32, i32
  }
  func.func @transform_4(%arg0: i32) -> (i32, i32) {
    %c0_i32 = arith.constant 0 : i32
    %c0_i32_0 = arith.constant 0 : i32
    return %arg0, %c0_i32 : i32, i32
  }
  func.func @transform_5(%arg0: i32) -> (i32, i32) {
    %c0_i32 = arith.constant 0 : i32
    %c0_i32_0 = arith.constant 0 : i32
    %c0_i32_1 = arith.constant 0 : i32
    return %c0_i32, %c0_i32_0 : i32, i32
  }
  func.func @transform_6(%arg0: i32) -> (i32, i32) {
    %c0_i32 = arith.constant 0 : i32
    %c0_i32_0 = arith.constant 0 : i32
    %c0_i32_1 = arith.constant 0 : i32
    return %c0_i32, %c0_i32_0 : i32, i32
  }
  func.func @transform_7(%arg0: i32) -> (i32, i32) {
    %c0_i32 = arith.constant 0 : i32
    %c0_i32_0 = arith.constant 0 : i32
    %c0_i32_1 = arith.constant 0 : i32
    return %c0_i32, %c0_i32_0 : i32, i32
  }
  func.func @transform_8(%arg0: i32) -> (i32, i32) {
    %c0_i32 = arith.constant 0 : i32
    %c0_i32_0 = arith.constant 0 : i32
    %c0_i32_1 = arith.constant 0 : i32
    return %c0_i32, %c0_i32_0 : i32, i32
  }
  func.func @transform_9(%arg0: i32) -> (i32, i32) {
    %c0_i32 = arith.constant 0 : i32
    %c0_i32_0 = arith.constant 0 : i32
    %c0_i32_1 = arith.constant 0 : i32
    return %c0_i32, %c0_i32_0 : i32, i32
  }
  func.func @transform_10(%arg0: i32) -> (i32, i32, i32) {
    %jit3A = arith.constant 4 : i32
    %div3A = arith.divsi %arg0, %jit3A : i32
    %sign3A = arith.constant 0 : i32
    %sign3A_0 = arith.cmpi sgt, %arg0, %sign3A : i32
    %sign3A_1 = arith.extui %sign3A_0 : i1 to i32
    %sign3A_2 = arith.constant 0 : i32
    %sign3A_3 = arith.cmpi slt, %arg0, %sign3A_2 : i32
    %sign3A_4 = arith.extui %sign3A_3 : i1 to i32
    %sign3A_5 = arith.subi %sign3A_1, %sign3A_4 : i32
    %sign3A_6 = arith.constant 0 : i32
    %sign3A_7 = arith.cmpi sgt, %jit3A, %sign3A_6 : i32
    %sign3A_8 = arith.extui %sign3A_7 : i1 to i32
    %sign3A_9 = arith.constant 0 : i32
    %sign3A_10 = arith.cmpi slt, %jit3A, %sign3A_9 : i32
    %sign3A_11 = arith.extui %sign3A_10 : i1 to i32
    %sign3A_12 = arith.subi %sign3A_8, %sign3A_11 : i32
    %ne3A = arith.cmpi ne, %sign3A_5, %sign3A_12 : i32
    %rem3A = arith.remsi %arg0, %jit3A : i32
    %ne3A_13 = arith.constant 0 : i32
    %ne3A_14 = arith.cmpi ne, %rem3A, %ne3A_13 : i32
    %and3A = arith.andi %ne3A, %ne3A_14 : i1
    %sub3A = arith.constant 1 : i32
    %sub3A_15 = arith.subi %div3A, %sub3A : i32
    %select_n3A = arith.select %and3A, %sub3A_15, %div3A : i32
    %add3A = arith.constant 0 : i32
    %add3A_16 = arith.addi %add3A, %select_n3A : i32
    %jit3A_17 = arith.constant 4 : i32
    %eq3A = arith.constant 0 : i32
    %eq3A_18 = arith.cmpi eq, %jit3A_17, %eq3A : i32
    %jit3A_19 = arith.constant 1 : i32
    %select_n3A_20 = arith.select %eq3A_18, %jit3A_19, %jit3A_17 : i32
    %rem3A_21 = arith.remsi %arg0, %select_n3A_20 : i32
    %ne3A_22 = arith.constant 0 : i32
    %ne3A_23 = arith.cmpi ne, %rem3A_21, %ne3A_22 : i32
    %lt3A = arith.constant 0 : i32
    %lt3A_24 = arith.cmpi slt, %rem3A_21, %lt3A : i32
    %lt3A_25 = arith.constant 0 : i32
    %lt3A_26 = arith.cmpi slt, %select_n3A_20, %lt3A_25 : i32
    %ne3A_27 = arith.xori %lt3A_24, %lt3A_26 : i1
    %and3A_28 = arith.andi %ne3A_27, %ne3A_23 : i1
    %add3A_29 = arith.addi %rem3A_21, %select_n3A_20 : i32
    %select_n3A_30 = arith.select %and3A_28, %add3A_29, %rem3A_21 : i32
    %c0_i32 = arith.constant 0 : i32
    %c0_i32_31 = arith.constant 0 : i32
    return %add3A_16, %select_n3A_30, %c0_i32 : i32, i32, i32
  }
}

module attributes {stable_mosaic.version = 14 : i64} {
  func.func @_tc_body(%arg0: i32, %arg1: memref<1x1x1024xi32, #tpu.memory_space<vmem>>, %arg2: memref<1x1x1024xi32, #tpu.memory_space<vmem>>, %arg3: memref<1x1x1024xi32, #tpu.memory_space<vmem>>, %arg4: memref<1x1x1024xi32, #tpu.memory_space<vmem>>, %arg5: memref<1024x256xf32, #tpu.memory_space<vmem>>, %arg6: memref<256x1024xf32, #tpu.memory_space<vmem>>, %arg7: memref<640x1024xf32, #tpu.memory_space<vmem>>, %arg8: memref<8x1024xf32, #tpu.memory_space<vmem>>, %arg9: memref<1x1024xf32, #tpu.memory_space<vmem>>, %arg10: memref<1x1024xf32, #tpu.memory_space<vmem>>, %arg11: memref<50x4096x1024xf32, #tpu.memory_space<any>>, %arg12: memref<1x1024x1024xf32, #tpu.memory_space<vmem>>) attributes {dimension_semantics = [#tpu.dimension_semantics<arbitrary>], iteration_bounds = array<i64: 40>, scalar_prefetch = 0 : i64, scratch_operands = 0 : i64, tpu.core_type = #tpu.core_type<tc>, window_params = [{transform_indices = @transform_0, window_bounds = array<i64: 1, 1, 1024>}, {transform_indices = @transform_1, window_bounds = array<i64: 1, 1, 1024>}, {transform_indices = @transform_2, window_bounds = array<i64: 1, 1, 1024>}, {transform_indices = @transform_3, window_bounds = array<i64: 1, 1, 1024>}, {transform_indices = @transform_4, window_bounds = array<i64: 1024, 256>}, {pipeline_mode = #tpu.pipeline_mode<synchronous>, transform_indices = @transform_5, window_bounds = array<i64: 256, 1024>}, {pipeline_mode = #tpu.pipeline_mode<synchronous>, transform_indices = @transform_6, window_bounds = array<i64: 640, 1024>}, {pipeline_mode = #tpu.pipeline_mode<synchronous>, transform_indices = @transform_7, window_bounds = array<i64: 8, 1024>}, {pipeline_mode = #tpu.pipeline_mode<synchronous>, transform_indices = @transform_8, window_bounds = array<i64: 1, 1024>}, {pipeline_mode = #tpu.pipeline_mode<synchronous>, transform_indices = @transform_9, window_bounds = array<i64: 1, 1024>}, {}, {transform_indices = @transform_11, window_bounds = array<i64: 1, 1024, 1024>}]} {
    %get3A = arith.constant 0 : index
    %get3A_0 = arith.constant 0 : index
    %get3A_1 = vector.load %arg5[%get3A, %get3A_0] : memref<1024x256xf32, #tpu.memory_space<vmem>>, vector<1024x256xf32>
    %get3A_2 = arith.constant 0 : index
    %get3A_3 = arith.constant 0 : index
    %get3A_4 = vector.load %arg6[%get3A_2, %get3A_3] : memref<256x1024xf32, #tpu.memory_space<vmem>>, vector<256x1024xf32>
    %dot_general3A = arith.constant dense<0.000000e+00> : vector<1024x1024xf32>
    %dot_general3A_5 = tpu.matmul %get3A_1, %get3A_4, %dot_general3A {dimension_numbers = #tpu.dot_dimension_numbers<[1], [0], [0], [1], [0, 0, 1, 1], [], []>, transpose_lhs_hint = false} : vector<1024x256xf32>, vector<256x1024xf32>, vector<1024x1024xf32> -> vector<1024x1024xf32>
    %get3A_6 = arith.constant 0 : index
    %get3A_7 = arith.constant 0 : index
    %get3A_8 = arith.constant 0 : index
    %get3A_9 = vector.load %arg1[%get3A_6, %get3A_7, %get3A_8] : memref<1x1x1024xi32, #tpu.memory_space<vmem>>, vector<1x1x1024xi32>
    %get3A_10 = vector.shape_cast %get3A_9 : vector<1x1x1024xi32> to vector<1024xi32>
    %get3A_11 = arith.constant 0 : index
    %get3A_12 = arith.constant 0 : index
    %get3A_13 = arith.constant 0 : index
    %get3A_14 = vector.load %arg2[%get3A_11, %get3A_12, %get3A_13] : memref<1x1x1024xi32, #tpu.memory_space<vmem>>, vector<1x1x1024xi32>
    %get3A_15 = vector.shape_cast %get3A_14 : vector<1x1x1024xi32> to vector<1024xi32>
    %get3A_16 = arith.constant 0 : index
    %get3A_17 = arith.constant 0 : index
    %get3A_18 = arith.constant 0 : index
    %get3A_19 = vector.load %arg3[%get3A_16, %get3A_17, %get3A_18] : memref<1x1x1024xi32, #tpu.memory_space<vmem>>, vector<1x1x1024xi32>
    %get3A_20 = vector.shape_cast %get3A_19 : vector<1x1x1024xi32> to vector<1024xi32>
    %get3A_21 = arith.constant 0 : index
    %get3A_22 = arith.constant 0 : index
    %get3A_23 = arith.constant 0 : index
    %get3A_24 = vector.load %arg4[%get3A_21, %get3A_22, %get3A_23] : memref<1x1x1024xi32, #tpu.memory_space<vmem>>, vector<1x1x1024xi32>
    %get3A_25 = vector.shape_cast %get3A_24 : vector<1x1x1024xi32> to vector<1024xi32>
    %iota3A = tpu.iota {dimensions = array<i32: 1>} : vector<1024x640xi32>
    %broadcast_in_dim3A = vector.shape_cast %get3A_10 : vector<1024xi32> to vector<1024x1xi32>
    %eq3A = vector.broadcast %broadcast_in_dim3A : vector<1024x1xi32> to vector<1024x640xi32>
    %eq3A_26 = arith.cmpi eq, %iota3A, %eq3A : vector<1024x640xi32>
    %convert_element_type3A = arith.extui %eq3A_26 : vector<1024x640xi1> to vector<1024x640xi32>
    %convert_element_type3A_27 = arith.sitofp %convert_element_type3A : vector<1024x640xi32> to vector<1024x640xf32>
    %broadcast_in_dim3A_28 = vector.shape_cast %get3A_15 : vector<1024xi32> to vector<1024x1xi32>
    %add3A = arith.constant 512 : i32
    %add3A_29 = vector.broadcast %add3A : i32 to vector<1024x1xi32>
    %add3A_30 = arith.addi %broadcast_in_dim3A_28, %add3A_29 : vector<1024x1xi32>
    %eq3A_31 = vector.broadcast %add3A_30 : vector<1024x1xi32> to vector<1024x640xi32>
    %eq3A_32 = arith.cmpi eq, %iota3A, %eq3A_31 : vector<1024x640xi32>
    %convert_element_type3A_33 = arith.extui %eq3A_32 : vector<1024x640xi1> to vector<1024x640xi32>
    %convert_element_type3A_34 = arith.sitofp %convert_element_type3A_33 : vector<1024x640xi32> to vector<1024x640xf32>
    %add3A_35 = arith.addf %convert_element_type3A_27, %convert_element_type3A_34 : vector<1024x640xf32>
    %broadcast_in_dim3A_36 = vector.shape_cast %get3A_20 : vector<1024xi32> to vector<1024x1xi32>
    %add3A_37 = arith.constant 576 : i32
    %add3A_38 = vector.broadcast %add3A_37 : i32 to vector<1024x1xi32>
    %add3A_39 = arith.addi %broadcast_in_dim3A_36, %add3A_38 : vector<1024x1xi32>
    %eq3A_40 = vector.broadcast %add3A_39 : vector<1024x1xi32> to vector<1024x640xi32>
    %eq3A_41 = arith.cmpi eq, %iota3A, %eq3A_40 : vector<1024x640xi32>
    %convert_element_type3A_42 = arith.extui %eq3A_41 : vector<1024x640xi1> to vector<1024x640xi32>
    %convert_element_type3A_43 = arith.sitofp %convert_element_type3A_42 : vector<1024x640xi32> to vector<1024x640xf32>
    %add3A_44 = arith.addf %add3A_35, %convert_element_type3A_43 : vector<1024x640xf32>
    %get3A_45 = arith.constant 0 : index
    %get3A_46 = arith.constant 0 : index
    %get3A_47 = vector.load %arg7[%get3A_45, %get3A_46] : memref<640x1024xf32, #tpu.memory_space<vmem>>, vector<640x1024xf32>
    %dot_general3A_48 = arith.constant dense<0.000000e+00> : vector<1024x1024xf32>
    %dot_general3A_49 = tpu.matmul %add3A_44, %get3A_47, %dot_general3A_48 {dimension_numbers = #tpu.dot_dimension_numbers<[1], [0], [0], [1], [0, 0, 1, 1], [], []>, transpose_lhs_hint = false} : vector<1024x640xf32>, vector<640x1024xf32>, vector<1024x1024xf32> -> vector<1024x1024xf32>
    %add3A_50 = arith.addf %dot_general3A_5, %dot_general3A_49 : vector<1024x1024xf32>
    %get3A_51 = arith.constant 0 : index
    %get3A_52 = arith.constant 0 : index
    %get3A_53 = vector.load %arg8[%get3A_51, %get3A_52] : memref<8x1024xf32, #tpu.memory_space<vmem>>, vector<1x1024xf32>
    %get3A_54 = vector.shape_cast %get3A_53 : vector<1x1024xf32> to vector<1024xf32>
    %broadcast_in_dim3A_55 = vector.shape_cast %get3A_54 : vector<1024xf32> to vector<1x1024xf32>
    %get3A_56 = arith.constant 1 : index
    %get3A_57 = arith.constant 0 : index
    %get3A_58 = vector.load %arg8[%get3A_56, %get3A_57] : memref<8x1024xf32, #tpu.memory_space<vmem>>, vector<1x1024xf32>
    %get3A_59 = vector.shape_cast %get3A_58 : vector<1x1024xf32> to vector<1024xf32>
    %broadcast_in_dim3A_60 = vector.shape_cast %get3A_59 : vector<1024xf32> to vector<1x1024xf32>
    %broadcast_in_dim3A_61 = vector.shape_cast %get3A_25 : vector<1024xi32> to vector<1024x1xi32>
    %eq3A_62 = arith.constant 1 : i32
    %eq3A_63 = vector.broadcast %eq3A_62 : i32 to vector<1024x1xi32>
    %eq3A_64 = arith.cmpi eq, %broadcast_in_dim3A_61, %eq3A_63 : vector<1024x1xi32>
    %broadcast_in_dim3A_65 = vector.shape_cast %eq3A_64 : vector<1024x1xi1> to vector<1024x1xi1>
    %broadcast_in_dim3A_66 = vector.broadcast %broadcast_in_dim3A_65 : vector<1024x1xi1> to vector<1024x1024xi1>
    %broadcast_in_dim3A_67 = vector.shape_cast %broadcast_in_dim3A_60 : vector<1x1024xf32> to vector<1x1024xf32>
    %broadcast_in_dim3A_68 = vector.broadcast %broadcast_in_dim3A_67 : vector<1x1024xf32> to vector<1024x1024xf32>
    %broadcast_in_dim3A_69 = vector.shape_cast %broadcast_in_dim3A_55 : vector<1x1024xf32> to vector<1x1024xf32>
    %broadcast_in_dim3A_70 = vector.broadcast %broadcast_in_dim3A_69 : vector<1x1024xf32> to vector<1024x1024xf32>
    %select_n3A = arith.select %broadcast_in_dim3A_66, %broadcast_in_dim3A_68, %broadcast_in_dim3A_70 : vector<1024x1024xi1>, vector<1024x1024xf32>
    %add3A_71 = arith.addf %add3A_50, %select_n3A : vector<1024x1024xf32>
    %reduce_sum3A = arith.constant dense<0.000000e+00> : vector<1024xf32>
    %reduce_sum3A_72 = vector.multi_reduction <add>, %add3A_71, %reduce_sum3A [1] : vector<1024x1024xf32> to vector<1024xf32>
    %broadcast_in_dim3A_73 = vector.shape_cast %reduce_sum3A_72 : vector<1024xf32> to vector<1024x1xf32>
    %div3A = arith.constant 1.024000e+03 : f32
    %div3A_74 = vector.broadcast %div3A : f32 to vector<1024x1xf32>
    %div3A_75 = arith.divf %broadcast_in_dim3A_73, %div3A_74 : vector<1024x1xf32>
    %sub3A = vector.broadcast %div3A_75 : vector<1024x1xf32> to vector<1024x1024xf32>
    %sub3A_76 = arith.subf %add3A_71, %sub3A : vector<1024x1024xf32>
    %mul3A = arith.mulf %sub3A_76, %sub3A_76 : vector<1024x1024xf32>
    %reduce_sum3A_77 = arith.constant dense<0.000000e+00> : vector<1024xf32>
    %reduce_sum3A_78 = vector.multi_reduction <add>, %mul3A, %reduce_sum3A_77 [1] : vector<1024x1024xf32> to vector<1024xf32>
    %broadcast_in_dim3A_79 = vector.shape_cast %reduce_sum3A_78 : vector<1024xf32> to vector<1024x1xf32>
    %div3A_80 = arith.constant 1.024000e+03 : f32
    %div3A_81 = vector.broadcast %div3A_80 : f32 to vector<1024x1xf32>
    %div3A_82 = arith.divf %broadcast_in_dim3A_79, %div3A_81 : vector<1024x1xf32>
    %add3A_83 = arith.constant 9.99999996E-13 : f32
    %add3A_84 = vector.broadcast %add3A_83 : f32 to vector<1024x1xf32>
    %add3A_85 = arith.addf %div3A_82, %add3A_84 : vector<1024x1xf32>
    %rsqrt3A = math.rsqrt %add3A_85 : vector<1024x1xf32>
    %mul3A_86 = vector.broadcast %rsqrt3A : vector<1024x1xf32> to vector<1024x1024xf32>
    %mul3A_87 = arith.mulf %sub3A_76, %mul3A_86 : vector<1024x1024xf32>
    %get3A_88 = arith.constant 0 : index
    %get3A_89 = arith.constant 0 : index
    %get3A_90 = vector.load %arg9[%get3A_88, %get3A_89] : memref<1x1024xf32, #tpu.memory_space<vmem>>, vector<1x1024xf32>
    %mul3A_91 = vector.broadcast %get3A_90 : vector<1x1024xf32> to vector<1024x1024xf32>
    %mul3A_92 = arith.mulf %mul3A_87, %mul3A_91 : vector<1024x1024xf32>
    %get3A_93 = arith.constant 0 : index
    %get3A_94 = arith.constant 0 : index
    %get3A_95 = vector.load %arg10[%get3A_93, %get3A_94] : memref<1x1024xf32, #tpu.memory_space<vmem>>, vector<1x1024xf32>
    %add3A_96 = vector.broadcast %get3A_95 : vector<1x1024xf32> to vector<1024x1024xf32>
    %add3A_97 = arith.addf %mul3A_92, %add3A_96 : vector<1024x1024xf32>
    %swap3A = arith.constant 0 : index
    %swap3A_98 = arith.constant 0 : index
    %swap3A_99 = arith.constant 0 : index
    %swap3A_100 = vector.load %arg12[%swap3A, %swap3A_98, %swap3A_99] : memref<1x1024x1024xf32, #tpu.memory_space<vmem>>, vector<1x1024x1024xf32>
    %swap3A_101 = vector.shape_cast %swap3A_100 : vector<1x1024x1024xf32> to vector<1024x1024xf32>
    %swap3A_102 = vector.shape_cast %add3A_97 : vector<1024x1024xf32> to vector<1x1024x1024xf32>
    tpu.vector_store %arg12[%swap3A, %swap3A_98, %swap3A_99], %swap3A_102 {strides = array<i32>} : memref<1x1024x1024xf32, #tpu.memory_space<vmem>>, vector<1x1024x1024xf32>,
    return
  }
  func.func @transform_0(%arg0: i32) -> (i32, i32, i32) {
    %c0_i32 = arith.constant 0 : i32
    %c0_i32_0 = arith.constant 0 : i32
    %c0_i32_1 = arith.constant 0 : i32
    return %arg0, %c0_i32, %c0_i32_0 : i32, i32, i32
  }
  func.func @transform_1(%arg0: i32) -> (i32, i32, i32) {
    %c0_i32 = arith.constant 0 : i32
    %c0_i32_0 = arith.constant 0 : i32
    %c0_i32_1 = arith.constant 0 : i32
    return %arg0, %c0_i32, %c0_i32_0 : i32, i32, i32
  }
  func.func @transform_2(%arg0: i32) -> (i32, i32, i32) {
    %c0_i32 = arith.constant 0 : i32
    %c0_i32_0 = arith.constant 0 : i32
    %c0_i32_1 = arith.constant 0 : i32
    return %arg0, %c0_i32, %c0_i32_0 : i32, i32, i32
  }
  func.func @transform_3(%arg0: i32) -> (i32, i32, i32) {
    %c0_i32 = arith.constant 0 : i32
    %c0_i32_0 = arith.constant 0 : i32
    %c0_i32_1 = arith.constant 0 : i32
    return %arg0, %c0_i32, %c0_i32_0 : i32, i32, i32
  }
  func.func @transform_4(%arg0: i32) -> (i32, i32) {
    %c0_i32 = arith.constant 0 : i32
    %c0_i32_0 = arith.constant 0 : i32
    return %arg0, %c0_i32 : i32, i32
  }
  func.func @transform_5(%arg0: i32) -> (i32, i32) {
    %c0_i32 = arith.constant 0 : i32
    %c0_i32_0 = arith.constant 0 : i32
    %c0_i32_1 = arith.constant 0 : i32
    return %c0_i32, %c0_i32_0 : i32, i32
  }
  func.func @transform_6(%arg0: i32) -> (i32, i32) {
    %c0_i32 = arith.constant 0 : i32
    %c0_i32_0 = arith.constant 0 : i32
    %c0_i32_1 = arith.constant 0 : i32
    return %c0_i32, %c0_i32_0 : i32, i32
  }
  func.func @transform_7(%arg0: i32) -> (i32, i32) {
    %c0_i32 = arith.constant 0 : i32
    %c0_i32_0 = arith.constant 0 : i32
    %c0_i32_1 = arith.constant 0 : i32
    return %c0_i32, %c0_i32_0 : i32, i32
  }
  func.func @transform_8(%arg0: i32) -> (i32, i32) {
    %c0_i32 = arith.constant 0 : i32
    %c0_i32_0 = arith.constant 0 : i32
    %c0_i32_1 = arith.constant 0 : i32
    return %c0_i32, %c0_i32_0 : i32, i32
  }
  func.func @transform_9(%arg0: i32) -> (i32, i32) {
    %c0_i32 = arith.constant 0 : i32
    %c0_i32_0 = arith.constant 0 : i32
    %c0_i32_1 = arith.constant 0 : i32
    return %c0_i32, %c0_i32_0 : i32, i32
  }
  func.func @transform_11(%arg0: i32) -> (i32, i32, i32) {
    %jit3A = arith.constant 4 : i32
    %div3A = arith.divsi %arg0, %jit3A : i32
    %sign3A = arith.constant 0 : i32
    %sign3A_0 = arith.cmpi sgt, %arg0, %sign3A : i32
    %sign3A_1 = arith.extui %sign3A_0 : i1 to i32
    %sign3A_2 = arith.constant 0 : i32
    %sign3A_3 = arith.cmpi slt, %arg0, %sign3A_2 : i32
    %sign3A_4 = arith.extui %sign3A_3 : i1 to i32
    %sign3A_5 = arith.subi %sign3A_1, %sign3A_4 : i32
    %sign3A_6 = arith.constant 0 : i32
    %sign3A_7 = arith.cmpi sgt, %jit3A, %sign3A_6 : i32
    %sign3A_8 = arith.extui %sign3A_7 : i1 to i32
    %sign3A_9 = arith.constant 0 : i32
    %sign3A_10 = arith.cmpi slt, %jit3A, %sign3A_9 : i32
    %sign3A_11 = arith.extui %sign3A_10 : i1 to i32
    %sign3A_12 = arith.subi %sign3A_8, %sign3A_11 : i32
    %ne3A = arith.cmpi ne, %sign3A_5, %sign3A_12 : i32
    %rem3A = arith.remsi %arg0, %jit3A : i32
    %ne3A_13 = arith.constant 0 : i32
    %ne3A_14 = arith.cmpi ne, %rem3A, %ne3A_13 : i32
    %and3A = arith.andi %ne3A, %ne3A_14 : i1
    %sub3A = arith.constant 1 : i32
    %sub3A_15 = arith.subi %div3A, %sub3A : i32
    %select_n3A = arith.select %and3A, %sub3A_15, %div3A : i32
    %add3A = arith.constant 10 : i32
    %add3A_16 = arith.addi %add3A, %select_n3A : i32
    %jit3A_17 = arith.constant 4 : i32
    %eq3A = arith.constant 0 : i32
    %eq3A_18 = arith.cmpi eq, %jit3A_17, %eq3A : i32
    %jit3A_19 = arith.constant 1 : i32
    %select_n3A_20 = arith.select %eq3A_18, %jit3A_19, %jit3A_17 : i32
    %rem3A_21 = arith.remsi %arg0, %select_n3A_20 : i32
    %ne3A_22 = arith.constant 0 : i32
    %ne3A_23 = arith.cmpi ne, %rem3A_21, %ne3A_22 : i32
    %lt3A = arith.constant 0 : i32
    %lt3A_24 = arith.cmpi slt, %rem3A_21, %lt3A : i32
    %lt3A_25 = arith.constant 0 : i32
    %lt3A_26 = arith.cmpi slt, %select_n3A_20, %lt3A_25 : i32
    %ne3A_27 = arith.xori %lt3A_24, %lt3A_26 : i1
    %and3A_28 = arith.andi %ne3A_27, %ne3A_23 : i1
    %add3A_29 = arith.addi %rem3A_21, %select_n3A_20 : i32
    %select_n3A_30 = arith.select %and3A_28, %add3A_29, %rem3A_21 : i32
    %c0_i32 = arith.constant 0 : i32
    %c0_i32_31 = arith.constant 0 : i32
    return %add3A_16, %select_n3A_30, %c0_i32 : i32, i32, i32
  }
}

module attributes {stable_mosaic.version = 14 : i64} {
  func.func @_tc_body(%arg0: i32, %arg1: memref<1x1x1024xi32, #tpu.memory_space<vmem>>, %arg2: memref<1x1x1024xi32, #tpu.memory_space<vmem>>, %arg3: memref<1x1x1024xi32, #tpu.memory_space<vmem>>, %arg4: memref<1x1x1024xi32, #tpu.memory_space<vmem>>, %arg5: memref<1024x256xf32, #tpu.memory_space<vmem>>, %arg6: memref<256x1024xf32, #tpu.memory_space<vmem>>, %arg7: memref<640x1024xf32, #tpu.memory_space<vmem>>, %arg8: memref<8x1024xf32, #tpu.memory_space<vmem>>, %arg9: memref<1x1024xf32, #tpu.memory_space<vmem>>, %arg10: memref<1x1024xf32, #tpu.memory_space<vmem>>, %arg11: memref<50x4096x1024xf32, #tpu.memory_space<any>>, %arg12: memref<1x1024x1024xf32, #tpu.memory_space<vmem>>) attributes {dimension_semantics = [#tpu.dimension_semantics<arbitrary>], iteration_bounds = array<i64: 40>, scalar_prefetch = 0 : i64, scratch_operands = 0 : i64, tpu.core_type = #tpu.core_type<tc>, window_params = [{transform_indices = @transform_0, window_bounds = array<i64: 1, 1, 1024>}, {transform_indices = @transform_1, window_bounds = array<i64: 1, 1, 1024>}, {transform_indices = @transform_2, window_bounds = array<i64: 1, 1, 1024>}, {transform_indices = @transform_3, window_bounds = array<i64: 1, 1, 1024>}, {transform_indices = @transform_4, window_bounds = array<i64: 1024, 256>}, {pipeline_mode = #tpu.pipeline_mode<synchronous>, transform_indices = @transform_5, window_bounds = array<i64: 256, 1024>}, {pipeline_mode = #tpu.pipeline_mode<synchronous>, transform_indices = @transform_6, window_bounds = array<i64: 640, 1024>}, {pipeline_mode = #tpu.pipeline_mode<synchronous>, transform_indices = @transform_7, window_bounds = array<i64: 8, 1024>}, {pipeline_mode = #tpu.pipeline_mode<synchronous>, transform_indices = @transform_8, window_bounds = array<i64: 1, 1024>}, {pipeline_mode = #tpu.pipeline_mode<synchronous>, transform_indices = @transform_9, window_bounds = array<i64: 1, 1024>}, {}, {transform_indices = @transform_11, window_bounds = array<i64: 1, 1024, 1024>}]} {
    %get3A = arith.constant 0 : index
    %get3A_0 = arith.constant 0 : index
    %get3A_1 = vector.load %arg5[%get3A, %get3A_0] : memref<1024x256xf32, #tpu.memory_space<vmem>>, vector<1024x256xf32>
    %get3A_2 = arith.constant 0 : index
    %get3A_3 = arith.constant 0 : index
    %get3A_4 = vector.load %arg6[%get3A_2, %get3A_3] : memref<256x1024xf32, #tpu.memory_space<vmem>>, vector<256x1024xf32>
    %dot_general3A = arith.constant dense<0.000000e+00> : vector<1024x1024xf32>
    %dot_general3A_5 = tpu.matmul %get3A_1, %get3A_4, %dot_general3A {dimension_numbers = #tpu.dot_dimension_numbers<[1], [0], [0], [1], [0, 0, 1, 1], [], []>, transpose_lhs_hint = false} : vector<1024x256xf32>, vector<256x1024xf32>, vector<1024x1024xf32> -> vector<1024x1024xf32>
    %get3A_6 = arith.constant 0 : index
    %get3A_7 = arith.constant 0 : index
    %get3A_8 = arith.constant 0 : index
    %get3A_9 = vector.load %arg1[%get3A_6, %get3A_7, %get3A_8] : memref<1x1x1024xi32, #tpu.memory_space<vmem>>, vector<1x1x1024xi32>
    %get3A_10 = vector.shape_cast %get3A_9 : vector<1x1x1024xi32> to vector<1024xi32>
    %get3A_11 = arith.constant 0 : index
    %get3A_12 = arith.constant 0 : index
    %get3A_13 = arith.constant 0 : index
    %get3A_14 = vector.load %arg2[%get3A_11, %get3A_12, %get3A_13] : memref<1x1x1024xi32, #tpu.memory_space<vmem>>, vector<1x1x1024xi32>
    %get3A_15 = vector.shape_cast %get3A_14 : vector<1x1x1024xi32> to vector<1024xi32>
    %get3A_16 = arith.constant 0 : index
    %get3A_17 = arith.constant 0 : index
    %get3A_18 = arith.constant 0 : index
    %get3A_19 = vector.load %arg3[%get3A_16, %get3A_17, %get3A_18] : memref<1x1x1024xi32, #tpu.memory_space<vmem>>, vector<1x1x1024xi32>
    %get3A_20 = vector.shape_cast %get3A_19 : vector<1x1x1024xi32> to vector<1024xi32>
    %get3A_21 = arith.constant 0 : index
    %get3A_22 = arith.constant 0 : index
    %get3A_23 = arith.constant 0 : index
    %get3A_24 = vector.load %arg4[%get3A_21, %get3A_22, %get3A_23] : memref<1x1x1024xi32, #tpu.memory_space<vmem>>, vector<1x1x1024xi32>
    %get3A_25 = vector.shape_cast %get3A_24 : vector<1x1x1024xi32> to vector<1024xi32>
    %iota3A = tpu.iota {dimensions = array<i32: 1>} : vector<1024x640xi32>
    %broadcast_in_dim3A = vector.shape_cast %get3A_10 : vector<1024xi32> to vector<1024x1xi32>
    %eq3A = vector.broadcast %broadcast_in_dim3A : vector<1024x1xi32> to vector<1024x640xi32>
    %eq3A_26 = arith.cmpi eq, %iota3A, %eq3A : vector<1024x640xi32>
    %convert_element_type3A = arith.extui %eq3A_26 : vector<1024x640xi1> to vector<1024x640xi32>
    %convert_element_type3A_27 = arith.sitofp %convert_element_type3A : vector<1024x640xi32> to vector<1024x640xf32>
    %broadcast_in_dim3A_28 = vector.shape_cast %get3A_15 : vector<1024xi32> to vector<1024x1xi32>
    %add3A = arith.constant 512 : i32
    %add3A_29 = vector.broadcast %add3A : i32 to vector<1024x1xi32>
    %add3A_30 = arith.addi %broadcast_in_dim3A_28, %add3A_29 : vector<1024x1xi32>
    %eq3A_31 = vector.broadcast %add3A_30 : vector<1024x1xi32> to vector<1024x640xi32>
    %eq3A_32 = arith.cmpi eq, %iota3A, %eq3A_31 : vector<1024x640xi32>
    %convert_element_type3A_33 = arith.extui %eq3A_32 : vector<1024x640xi1> to vector<1024x640xi32>
    %convert_element_type3A_34 = arith.sitofp %convert_element_type3A_33 : vector<1024x640xi32> to vector<1024x640xf32>
    %add3A_35 = arith.addf %convert_element_type3A_27, %convert_element_type3A_34 : vector<1024x640xf32>
    %broadcast_in_dim3A_36 = vector.shape_cast %get3A_20 : vector<1024xi32> to vector<1024x1xi32>
    %add3A_37 = arith.constant 576 : i32
    %add3A_38 = vector.broadcast %add3A_37 : i32 to vector<1024x1xi32>
    %add3A_39 = arith.addi %broadcast_in_dim3A_36, %add3A_38 : vector<1024x1xi32>
    %eq3A_40 = vector.broadcast %add3A_39 : vector<1024x1xi32> to vector<1024x640xi32>
    %eq3A_41 = arith.cmpi eq, %iota3A, %eq3A_40 : vector<1024x640xi32>
    %convert_element_type3A_42 = arith.extui %eq3A_41 : vector<1024x640xi1> to vector<1024x640xi32>
    %convert_element_type3A_43 = arith.sitofp %convert_element_type3A_42 : vector<1024x640xi32> to vector<1024x640xf32>
    %add3A_44 = arith.addf %add3A_35, %convert_element_type3A_43 : vector<1024x640xf32>
    %get3A_45 = arith.constant 0 : index
    %get3A_46 = arith.constant 0 : index
    %get3A_47 = vector.load %arg7[%get3A_45, %get3A_46] : memref<640x1024xf32, #tpu.memory_space<vmem>>, vector<640x1024xf32>
    %dot_general3A_48 = arith.constant dense<0.000000e+00> : vector<1024x1024xf32>
    %dot_general3A_49 = tpu.matmul %add3A_44, %get3A_47, %dot_general3A_48 {dimension_numbers = #tpu.dot_dimension_numbers<[1], [0], [0], [1], [0, 0, 1, 1], [], []>, transpose_lhs_hint = false} : vector<1024x640xf32>, vector<640x1024xf32>, vector<1024x1024xf32> -> vector<1024x1024xf32>
    %add3A_50 = arith.addf %dot_general3A_5, %dot_general3A_49 : vector<1024x1024xf32>
    %get3A_51 = arith.constant 0 : index
    %get3A_52 = arith.constant 0 : index
    %get3A_53 = vector.load %arg8[%get3A_51, %get3A_52] : memref<8x1024xf32, #tpu.memory_space<vmem>>, vector<1x1024xf32>
    %get3A_54 = vector.shape_cast %get3A_53 : vector<1x1024xf32> to vector<1024xf32>
    %broadcast_in_dim3A_55 = vector.shape_cast %get3A_54 : vector<1024xf32> to vector<1x1024xf32>
    %get3A_56 = arith.constant 1 : index
    %get3A_57 = arith.constant 0 : index
    %get3A_58 = vector.load %arg8[%get3A_56, %get3A_57] : memref<8x1024xf32, #tpu.memory_space<vmem>>, vector<1x1024xf32>
    %get3A_59 = vector.shape_cast %get3A_58 : vector<1x1024xf32> to vector<1024xf32>
    %broadcast_in_dim3A_60 = vector.shape_cast %get3A_59 : vector<1024xf32> to vector<1x1024xf32>
    %broadcast_in_dim3A_61 = vector.shape_cast %get3A_25 : vector<1024xi32> to vector<1024x1xi32>
    %eq3A_62 = arith.constant 1 : i32
    %eq3A_63 = vector.broadcast %eq3A_62 : i32 to vector<1024x1xi32>
    %eq3A_64 = arith.cmpi eq, %broadcast_in_dim3A_61, %eq3A_63 : vector<1024x1xi32>
    %broadcast_in_dim3A_65 = vector.shape_cast %eq3A_64 : vector<1024x1xi1> to vector<1024x1xi1>
    %broadcast_in_dim3A_66 = vector.broadcast %broadcast_in_dim3A_65 : vector<1024x1xi1> to vector<1024x1024xi1>
    %broadcast_in_dim3A_67 = vector.shape_cast %broadcast_in_dim3A_60 : vector<1x1024xf32> to vector<1x1024xf32>
    %broadcast_in_dim3A_68 = vector.broadcast %broadcast_in_dim3A_67 : vector<1x1024xf32> to vector<1024x1024xf32>
    %broadcast_in_dim3A_69 = vector.shape_cast %broadcast_in_dim3A_55 : vector<1x1024xf32> to vector<1x1024xf32>
    %broadcast_in_dim3A_70 = vector.broadcast %broadcast_in_dim3A_69 : vector<1x1024xf32> to vector<1024x1024xf32>
    %select_n3A = arith.select %broadcast_in_dim3A_66, %broadcast_in_dim3A_68, %broadcast_in_dim3A_70 : vector<1024x1024xi1>, vector<1024x1024xf32>
    %add3A_71 = arith.addf %add3A_50, %select_n3A : vector<1024x1024xf32>
    %reduce_sum3A = arith.constant dense<0.000000e+00> : vector<1024xf32>
    %reduce_sum3A_72 = vector.multi_reduction <add>, %add3A_71, %reduce_sum3A [1] : vector<1024x1024xf32> to vector<1024xf32>
    %broadcast_in_dim3A_73 = vector.shape_cast %reduce_sum3A_72 : vector<1024xf32> to vector<1024x1xf32>
    %div3A = arith.constant 1.024000e+03 : f32
    %div3A_74 = vector.broadcast %div3A : f32 to vector<1024x1xf32>
    %div3A_75 = arith.divf %broadcast_in_dim3A_73, %div3A_74 : vector<1024x1xf32>
    %sub3A = vector.broadcast %div3A_75 : vector<1024x1xf32> to vector<1024x1024xf32>
    %sub3A_76 = arith.subf %add3A_71, %sub3A : vector<1024x1024xf32>
    %mul3A = arith.mulf %sub3A_76, %sub3A_76 : vector<1024x1024xf32>
    %reduce_sum3A_77 = arith.constant dense<0.000000e+00> : vector<1024xf32>
    %reduce_sum3A_78 = vector.multi_reduction <add>, %mul3A, %reduce_sum3A_77 [1] : vector<1024x1024xf32> to vector<1024xf32>
    %broadcast_in_dim3A_79 = vector.shape_cast %reduce_sum3A_78 : vector<1024xf32> to vector<1024x1xf32>
    %div3A_80 = arith.constant 1.024000e+03 : f32
    %div3A_81 = vector.broadcast %div3A_80 : f32 to vector<1024x1xf32>
    %div3A_82 = arith.divf %broadcast_in_dim3A_79, %div3A_81 : vector<1024x1xf32>
    %add3A_83 = arith.constant 9.99999996E-13 : f32
    %add3A_84 = vector.broadcast %add3A_83 : f32 to vector<1024x1xf32>
    %add3A_85 = arith.addf %div3A_82, %add3A_84 : vector<1024x1xf32>
    %rsqrt3A = math.rsqrt %add3A_85 : vector<1024x1xf32>
    %mul3A_86 = vector.broadcast %rsqrt3A : vector<1024x1xf32> to vector<1024x1024xf32>
    %mul3A_87 = arith.mulf %sub3A_76, %mul3A_86 : vector<1024x1024xf32>
    %get3A_88 = arith.constant 0 : index
    %get3A_89 = arith.constant 0 : index
    %get3A_90 = vector.load %arg9[%get3A_88, %get3A_89] : memref<1x1024xf32, #tpu.memory_space<vmem>>, vector<1x1024xf32>
    %mul3A_91 = vector.broadcast %get3A_90 : vector<1x1024xf32> to vector<1024x1024xf32>
    %mul3A_92 = arith.mulf %mul3A_87, %mul3A_91 : vector<1024x1024xf32>
    %get3A_93 = arith.constant 0 : index
    %get3A_94 = arith.constant 0 : index
    %get3A_95 = vector.load %arg10[%get3A_93, %get3A_94] : memref<1x1024xf32, #tpu.memory_space<vmem>>, vector<1x1024xf32>
    %add3A_96 = vector.broadcast %get3A_95 : vector<1x1024xf32> to vector<1024x1024xf32>
    %add3A_97 = arith.addf %mul3A_92, %add3A_96 : vector<1024x1024xf32>
    %swap3A = arith.constant 0 : index
    %swap3A_98 = arith.constant 0 : index
    %swap3A_99 = arith.constant 0 : index
    %swap3A_100 = vector.load %arg12[%swap3A, %swap3A_98, %swap3A_99] : memref<1x1024x1024xf32, #tpu.memory_space<vmem>>, vector<1x1024x1024xf32>
    %swap3A_101 = vector.shape_cast %swap3A_100 : vector<1x1024x1024xf32> to vector<1024x1024xf32>
    %swap3A_102 = vector.shape_cast %add3A_97 : vector<1024x1024xf32> to vector<1x1024x1024xf32>
    tpu.vector_store %arg12[%swap3A, %swap3A_98, %swap3A_99], %swap3A_102 {strides = array<i32>} : memref<1x1024x1024xf32, #tpu.memory_space<vmem>>, vector<1x1024x1024xf32>,
    return
  }
  func.func @transform_0(%arg0: i32) -> (i32, i32, i32) {
    %c0_i32 = arith.constant 0 : i32
    %c0_i32_0 = arith.constant 0 : i32
    %c0_i32_1 = arith.constant 0 : i32
    return %arg0, %c0_i32, %c0_i32_0 : i32, i32, i32
  }
  func.func @transform_1(%arg0: i32) -> (i32, i32, i32) {
    %c0_i32 = arith.constant 0 : i32
    %c0_i32_0 = arith.constant 0 : i32
    %c0_i32_1 = arith.constant 0 : i32
    return %arg0, %c0_i32, %c0_i32_0 : i32, i32, i32
  }
  func.func @transform_2(%arg0: i32) -> (i32, i32, i32) {
    %c0_i32 = arith.constant 0 : i32
    %c0_i32_0 = arith.constant 0 : i32
    %c0_i32_1 = arith.constant 0 : i32
    return %arg0, %c0_i32, %c0_i32_0 : i32, i32, i32
  }
  func.func @transform_3(%arg0: i32) -> (i32, i32, i32) {
    %c0_i32 = arith.constant 0 : i32
    %c0_i32_0 = arith.constant 0 : i32
    %c0_i32_1 = arith.constant 0 : i32
    return %arg0, %c0_i32, %c0_i32_0 : i32, i32, i32
  }
  func.func @transform_4(%arg0: i32) -> (i32, i32) {
    %c0_i32 = arith.constant 0 : i32
    %c0_i32_0 = arith.constant 0 : i32
    return %arg0, %c0_i32 : i32, i32
  }
  func.func @transform_5(%arg0: i32) -> (i32, i32) {
    %c0_i32 = arith.constant 0 : i32
    %c0_i32_0 = arith.constant 0 : i32
    %c0_i32_1 = arith.constant 0 : i32
    return %c0_i32, %c0_i32_0 : i32, i32
  }
  func.func @transform_6(%arg0: i32) -> (i32, i32) {
    %c0_i32 = arith.constant 0 : i32
    %c0_i32_0 = arith.constant 0 : i32
    %c0_i32_1 = arith.constant 0 : i32
    return %c0_i32, %c0_i32_0 : i32, i32
  }
  func.func @transform_7(%arg0: i32) -> (i32, i32) {
    %c0_i32 = arith.constant 0 : i32
    %c0_i32_0 = arith.constant 0 : i32
    %c0_i32_1 = arith.constant 0 : i32
    return %c0_i32, %c0_i32_0 : i32, i32
  }
  func.func @transform_8(%arg0: i32) -> (i32, i32) {
    %c0_i32 = arith.constant 0 : i32
    %c0_i32_0 = arith.constant 0 : i32
    %c0_i32_1 = arith.constant 0 : i32
    return %c0_i32, %c0_i32_0 : i32, i32
  }
  func.func @transform_9(%arg0: i32) -> (i32, i32) {
    %c0_i32 = arith.constant 0 : i32
    %c0_i32_0 = arith.constant 0 : i32
    %c0_i32_1 = arith.constant 0 : i32
    return %c0_i32, %c0_i32_0 : i32, i32
  }
  func.func @transform_11(%arg0: i32) -> (i32, i32, i32) {
    %jit3A = arith.constant 4 : i32
    %div3A = arith.divsi %arg0, %jit3A : i32
    %sign3A = arith.constant 0 : i32
    %sign3A_0 = arith.cmpi sgt, %arg0, %sign3A : i32
    %sign3A_1 = arith.extui %sign3A_0 : i1 to i32
    %sign3A_2 = arith.constant 0 : i32
    %sign3A_3 = arith.cmpi slt, %arg0, %sign3A_2 : i32
    %sign3A_4 = arith.extui %sign3A_3 : i1 to i32
    %sign3A_5 = arith.subi %sign3A_1, %sign3A_4 : i32
    %sign3A_6 = arith.constant 0 : i32
    %sign3A_7 = arith.cmpi sgt, %jit3A, %sign3A_6 : i32
    %sign3A_8 = arith.extui %sign3A_7 : i1 to i32
    %sign3A_9 = arith.constant 0 : i32
    %sign3A_10 = arith.cmpi slt, %jit3A, %sign3A_9 : i32
    %sign3A_11 = arith.extui %sign3A_10 : i1 to i32
    %sign3A_12 = arith.subi %sign3A_8, %sign3A_11 : i32
    %ne3A = arith.cmpi ne, %sign3A_5, %sign3A_12 : i32
    %rem3A = arith.remsi %arg0, %jit3A : i32
    %ne3A_13 = arith.constant 0 : i32
    %ne3A_14 = arith.cmpi ne, %rem3A, %ne3A_13 : i32
    %and3A = arith.andi %ne3A, %ne3A_14 : i1
    %sub3A = arith.constant 1 : i32
    %sub3A_15 = arith.subi %div3A, %sub3A : i32
    %select_n3A = arith.select %and3A, %sub3A_15, %div3A : i32
    %add3A = arith.constant 20 : i32
    %add3A_16 = arith.addi %add3A, %select_n3A : i32
    %jit3A_17 = arith.constant 4 : i32
    %eq3A = arith.constant 0 : i32
    %eq3A_18 = arith.cmpi eq, %jit3A_17, %eq3A : i32
    %jit3A_19 = arith.constant 1 : i32
    %select_n3A_20 = arith.select %eq3A_18, %jit3A_19, %jit3A_17 : i32
    %rem3A_21 = arith.remsi %arg0, %select_n3A_20 : i32
    %ne3A_22 = arith.constant 0 : i32
    %ne3A_23 = arith.cmpi ne, %rem3A_21, %ne3A_22 : i32
    %lt3A = arith.constant 0 : i32
    %lt3A_24 = arith.cmpi slt, %rem3A_21, %lt3A : i32
    %lt3A_25 = arith.constant 0 : i32
    %lt3A_26 = arith.cmpi slt, %select_n3A_20, %lt3A_25 : i32
    %ne3A_27 = arith.xori %lt3A_24, %lt3A_26 : i1
    %and3A_28 = arith.andi %ne3A_27, %ne3A_23 : i1
    %add3A_29 = arith.addi %rem3A_21, %select_n3A_20 : i32
    %select_n3A_30 = arith.select %and3A_28, %add3A_29, %rem3A_21 : i32
    %c0_i32 = arith.constant 0 : i32
    %c0_i32_31 = arith.constant 0 : i32
    return %add3A_16, %select_n3A_30, %c0_i32 : i32, i32, i32
  }
}

module attributes {stable_mosaic.version = 14 : i64} {
  func.func @_tc_body(%arg0: i32, %arg1: memref<1x1x1024xi32, #tpu.memory_space<vmem>>, %arg2: memref<1x1x1024xi32, #tpu.memory_space<vmem>>, %arg3: memref<1x1x1024xi32, #tpu.memory_space<vmem>>, %arg4: memref<1x1x1024xi32, #tpu.memory_space<vmem>>, %arg5: memref<1024x256xf32, #tpu.memory_space<vmem>>, %arg6: memref<256x1024xf32, #tpu.memory_space<vmem>>, %arg7: memref<640x1024xf32, #tpu.memory_space<vmem>>, %arg8: memref<8x1024xf32, #tpu.memory_space<vmem>>, %arg9: memref<1x1024xf32, #tpu.memory_space<vmem>>, %arg10: memref<1x1024xf32, #tpu.memory_space<vmem>>, %arg11: memref<50x4096x1024xf32, #tpu.memory_space<any>>, %arg12: memref<1x1024x1024xf32, #tpu.memory_space<vmem>>) attributes {dimension_semantics = [#tpu.dimension_semantics<arbitrary>], iteration_bounds = array<i64: 40>, scalar_prefetch = 0 : i64, scratch_operands = 0 : i64, tpu.core_type = #tpu.core_type<tc>, window_params = [{transform_indices = @transform_0, window_bounds = array<i64: 1, 1, 1024>}, {transform_indices = @transform_1, window_bounds = array<i64: 1, 1, 1024>}, {transform_indices = @transform_2, window_bounds = array<i64: 1, 1, 1024>}, {transform_indices = @transform_3, window_bounds = array<i64: 1, 1, 1024>}, {transform_indices = @transform_4, window_bounds = array<i64: 1024, 256>}, {pipeline_mode = #tpu.pipeline_mode<synchronous>, transform_indices = @transform_5, window_bounds = array<i64: 256, 1024>}, {pipeline_mode = #tpu.pipeline_mode<synchronous>, transform_indices = @transform_6, window_bounds = array<i64: 640, 1024>}, {pipeline_mode = #tpu.pipeline_mode<synchronous>, transform_indices = @transform_7, window_bounds = array<i64: 8, 1024>}, {pipeline_mode = #tpu.pipeline_mode<synchronous>, transform_indices = @transform_8, window_bounds = array<i64: 1, 1024>}, {pipeline_mode = #tpu.pipeline_mode<synchronous>, transform_indices = @transform_9, window_bounds = array<i64: 1, 1024>}, {}, {transform_indices = @transform_11, window_bounds = array<i64: 1, 1024, 1024>}]} {
    %get3A = arith.constant 0 : index
    %get3A_0 = arith.constant 0 : index
    %get3A_1 = vector.load %arg5[%get3A, %get3A_0] : memref<1024x256xf32, #tpu.memory_space<vmem>>, vector<1024x256xf32>
    %get3A_2 = arith.constant 0 : index
    %get3A_3 = arith.constant 0 : index
    %get3A_4 = vector.load %arg6[%get3A_2, %get3A_3] : memref<256x1024xf32, #tpu.memory_space<vmem>>, vector<256x1024xf32>
    %dot_general3A = arith.constant dense<0.000000e+00> : vector<1024x1024xf32>
    %dot_general3A_5 = tpu.matmul %get3A_1, %get3A_4, %dot_general3A {dimension_numbers = #tpu.dot_dimension_numbers<[1], [0], [0], [1], [0, 0, 1, 1], [], []>, transpose_lhs_hint = false} : vector<1024x256xf32>, vector<256x1024xf32>, vector<1024x1024xf32> -> vector<1024x1024xf32>
    %get3A_6 = arith.constant 0 : index
    %get3A_7 = arith.constant 0 : index
    %get3A_8 = arith.constant 0 : index
    %get3A_9 = vector.load %arg1[%get3A_6, %get3A_7, %get3A_8] : memref<1x1x1024xi32, #tpu.memory_space<vmem>>, vector<1x1x1024xi32>
    %get3A_10 = vector.shape_cast %get3A_9 : vector<1x1x1024xi32> to vector<1024xi32>
    %get3A_11 = arith.constant 0 : index
    %get3A_12 = arith.constant 0 : index
    %get3A_13 = arith.constant 0 : index
    %get3A_14 = vector.load %arg2[%get3A_11, %get3A_12, %get3A_13] : memref<1x1x1024xi32, #tpu.memory_space<vmem>>, vector<1x1x1024xi32>
    %get3A_15 = vector.shape_cast %get3A_14 : vector<1x1x1024xi32> to vector<1024xi32>
    %get3A_16 = arith.constant 0 : index
    %get3A_17 = arith.constant 0 : index
    %get3A_18 = arith.constant 0 : index
    %get3A_19 = vector.load %arg3[%get3A_16, %get3A_17, %get3A_18] : memref<1x1x1024xi32, #tpu.memory_space<vmem>>, vector<1x1x1024xi32>
    %get3A_20 = vector.shape_cast %get3A_19 : vector<1x1x1024xi32> to vector<1024xi32>
    %get3A_21 = arith.constant 0 : index
    %get3A_22 = arith.constant 0 : index
    %get3A_23 = arith.constant 0 : index
    %get3A_24 = vector.load %arg4[%get3A_21, %get3A_22, %get3A_23] : memref<1x1x1024xi32, #tpu.memory_space<vmem>>, vector<1x1x1024xi32>
    %get3A_25 = vector.shape_cast %get3A_24 : vector<1x1x1024xi32> to vector<1024xi32>
    %iota3A = tpu.iota {dimensions = array<i32: 1>} : vector<1024x640xi32>
    %broadcast_in_dim3A = vector.shape_cast %get3A_10 : vector<1024xi32> to vector<1024x1xi32>
    %eq3A = vector.broadcast %broadcast_in_dim3A : vector<1024x1xi32> to vector<1024x640xi32>
    %eq3A_26 = arith.cmpi eq, %iota3A, %eq3A : vector<1024x640xi32>
    %convert_element_type3A = arith.extui %eq3A_26 : vector<1024x640xi1> to vector<1024x640xi32>
    %convert_element_type3A_27 = arith.sitofp %convert_element_type3A : vector<1024x640xi32> to vector<1024x640xf32>
    %broadcast_in_dim3A_28 = vector.shape_cast %get3A_15 : vector<1024xi32> to vector<1024x1xi32>
    %add3A = arith.constant 512 : i32
    %add3A_29 = vector.broadcast %add3A : i32 to vector<1024x1xi32>
    %add3A_30 = arith.addi %broadcast_in_dim3A_28, %add3A_29 : vector<1024x1xi32>
    %eq3A_31 = vector.broadcast %add3A_30 : vector<1024x1xi32> to vector<1024x640xi32>
    %eq3A_32 = arith.cmpi eq, %iota3A, %eq3A_31 : vector<1024x640xi32>
    %convert_element_type3A_33 = arith.extui %eq3A_32 : vector<1024x640xi1> to vector<1024x640xi32>
    %convert_element_type3A_34 = arith.sitofp %convert_element_type3A_33 : vector<1024x640xi32> to vector<1024x640xf32>
    %add3A_35 = arith.addf %convert_element_type3A_27, %convert_element_type3A_34 : vector<1024x640xf32>
    %broadcast_in_dim3A_36 = vector.shape_cast %get3A_20 : vector<1024xi32> to vector<1024x1xi32>
    %add3A_37 = arith.constant 576 : i32
    %add3A_38 = vector.broadcast %add3A_37 : i32 to vector<1024x1xi32>
    %add3A_39 = arith.addi %broadcast_in_dim3A_36, %add3A_38 : vector<1024x1xi32>
    %eq3A_40 = vector.broadcast %add3A_39 : vector<1024x1xi32> to vector<1024x640xi32>
    %eq3A_41 = arith.cmpi eq, %iota3A, %eq3A_40 : vector<1024x640xi32>
    %convert_element_type3A_42 = arith.extui %eq3A_41 : vector<1024x640xi1> to vector<1024x640xi32>
    %convert_element_type3A_43 = arith.sitofp %convert_element_type3A_42 : vector<1024x640xi32> to vector<1024x640xf32>
    %add3A_44 = arith.addf %add3A_35, %convert_element_type3A_43 : vector<1024x640xf32>
    %get3A_45 = arith.constant 0 : index
    %get3A_46 = arith.constant 0 : index
    %get3A_47 = vector.load %arg7[%get3A_45, %get3A_46] : memref<640x1024xf32, #tpu.memory_space<vmem>>, vector<640x1024xf32>
    %dot_general3A_48 = arith.constant dense<0.000000e+00> : vector<1024x1024xf32>
    %dot_general3A_49 = tpu.matmul %add3A_44, %get3A_47, %dot_general3A_48 {dimension_numbers = #tpu.dot_dimension_numbers<[1], [0], [0], [1], [0, 0, 1, 1], [], []>, transpose_lhs_hint = false} : vector<1024x640xf32>, vector<640x1024xf32>, vector<1024x1024xf32> -> vector<1024x1024xf32>
    %add3A_50 = arith.addf %dot_general3A_5, %dot_general3A_49 : vector<1024x1024xf32>
    %get3A_51 = arith.constant 0 : index
    %get3A_52 = arith.constant 0 : index
    %get3A_53 = vector.load %arg8[%get3A_51, %get3A_52] : memref<8x1024xf32, #tpu.memory_space<vmem>>, vector<1x1024xf32>
    %get3A_54 = vector.shape_cast %get3A_53 : vector<1x1024xf32> to vector<1024xf32>
    %broadcast_in_dim3A_55 = vector.shape_cast %get3A_54 : vector<1024xf32> to vector<1x1024xf32>
    %get3A_56 = arith.constant 1 : index
    %get3A_57 = arith.constant 0 : index
    %get3A_58 = vector.load %arg8[%get3A_56, %get3A_57] : memref<8x1024xf32, #tpu.memory_space<vmem>>, vector<1x1024xf32>
    %get3A_59 = vector.shape_cast %get3A_58 : vector<1x1024xf32> to vector<1024xf32>
    %broadcast_in_dim3A_60 = vector.shape_cast %get3A_59 : vector<1024xf32> to vector<1x1024xf32>
    %broadcast_in_dim3A_61 = vector.shape_cast %get3A_25 : vector<1024xi32> to vector<1024x1xi32>
    %eq3A_62 = arith.constant 1 : i32
    %eq3A_63 = vector.broadcast %eq3A_62 : i32 to vector<1024x1xi32>
    %eq3A_64 = arith.cmpi eq, %broadcast_in_dim3A_61, %eq3A_63 : vector<1024x1xi32>
    %broadcast_in_dim3A_65 = vector.shape_cast %eq3A_64 : vector<1024x1xi1> to vector<1024x1xi1>
    %broadcast_in_dim3A_66 = vector.broadcast %broadcast_in_dim3A_65 : vector<1024x1xi1> to vector<1024x1024xi1>
    %broadcast_in_dim3A_67 = vector.shape_cast %broadcast_in_dim3A_60 : vector<1x1024xf32> to vector<1x1024xf32>
    %broadcast_in_dim3A_68 = vector.broadcast %broadcast_in_dim3A_67 : vector<1x1024xf32> to vector<1024x1024xf32>
    %broadcast_in_dim3A_69 = vector.shape_cast %broadcast_in_dim3A_55 : vector<1x1024xf32> to vector<1x1024xf32>
    %broadcast_in_dim3A_70 = vector.broadcast %broadcast_in_dim3A_69 : vector<1x1024xf32> to vector<1024x1024xf32>
    %select_n3A = arith.select %broadcast_in_dim3A_66, %broadcast_in_dim3A_68, %broadcast_in_dim3A_70 : vector<1024x1024xi1>, vector<1024x1024xf32>
    %add3A_71 = arith.addf %add3A_50, %select_n3A : vector<1024x1024xf32>
    %reduce_sum3A = arith.constant dense<0.000000e+00> : vector<1024xf32>
    %reduce_sum3A_72 = vector.multi_reduction <add>, %add3A_71, %reduce_sum3A [1] : vector<1024x1024xf32> to vector<1024xf32>
    %broadcast_in_dim3A_73 = vector.shape_cast %reduce_sum3A_72 : vector<1024xf32> to vector<1024x1xf32>
    %div3A = arith.constant 1.024000e+03 : f32
    %div3A_74 = vector.broadcast %div3A : f32 to vector<1024x1xf32>
    %div3A_75 = arith.divf %broadcast_in_dim3A_73, %div3A_74 : vector<1024x1xf32>
    %sub3A = vector.broadcast %div3A_75 : vector<1024x1xf32> to vector<1024x1024xf32>
    %sub3A_76 = arith.subf %add3A_71, %sub3A : vector<1024x1024xf32>
    %mul3A = arith.mulf %sub3A_76, %sub3A_76 : vector<1024x1024xf32>
    %reduce_sum3A_77 = arith.constant dense<0.000000e+00> : vector<1024xf32>
    %reduce_sum3A_78 = vector.multi_reduction <add>, %mul3A, %reduce_sum3A_77 [1] : vector<1024x1024xf32> to vector<1024xf32>
    %broadcast_in_dim3A_79 = vector.shape_cast %reduce_sum3A_78 : vector<1024xf32> to vector<1024x1xf32>
    %div3A_80 = arith.constant 1.024000e+03 : f32
    %div3A_81 = vector.broadcast %div3A_80 : f32 to vector<1024x1xf32>
    %div3A_82 = arith.divf %broadcast_in_dim3A_79, %div3A_81 : vector<1024x1xf32>
    %add3A_83 = arith.constant 9.99999996E-13 : f32
    %add3A_84 = vector.broadcast %add3A_83 : f32 to vector<1024x1xf32>
    %add3A_85 = arith.addf %div3A_82, %add3A_84 : vector<1024x1xf32>
    %rsqrt3A = math.rsqrt %add3A_85 : vector<1024x1xf32>
    %mul3A_86 = vector.broadcast %rsqrt3A : vector<1024x1xf32> to vector<1024x1024xf32>
    %mul3A_87 = arith.mulf %sub3A_76, %mul3A_86 : vector<1024x1024xf32>
    %get3A_88 = arith.constant 0 : index
    %get3A_89 = arith.constant 0 : index
    %get3A_90 = vector.load %arg9[%get3A_88, %get3A_89] : memref<1x1024xf32, #tpu.memory_space<vmem>>, vector<1x1024xf32>
    %mul3A_91 = vector.broadcast %get3A_90 : vector<1x1024xf32> to vector<1024x1024xf32>
    %mul3A_92 = arith.mulf %mul3A_87, %mul3A_91 : vector<1024x1024xf32>
    %get3A_93 = arith.constant 0 : index
    %get3A_94 = arith.constant 0 : index
    %get3A_95 = vector.load %arg10[%get3A_93, %get3A_94] : memref<1x1024xf32, #tpu.memory_space<vmem>>, vector<1x1024xf32>
    %add3A_96 = vector.broadcast %get3A_95 : vector<1x1024xf32> to vector<1024x1024xf32>
    %add3A_97 = arith.addf %mul3A_92, %add3A_96 : vector<1024x1024xf32>
    %swap3A = arith.constant 0 : index
    %swap3A_98 = arith.constant 0 : index
    %swap3A_99 = arith.constant 0 : index
    %swap3A_100 = vector.load %arg12[%swap3A, %swap3A_98, %swap3A_99] : memref<1x1024x1024xf32, #tpu.memory_space<vmem>>, vector<1x1024x1024xf32>
    %swap3A_101 = vector.shape_cast %swap3A_100 : vector<1x1024x1024xf32> to vector<1024x1024xf32>
    %swap3A_102 = vector.shape_cast %add3A_97 : vector<1024x1024xf32> to vector<1x1024x1024xf32>
    tpu.vector_store %arg12[%swap3A, %swap3A_98, %swap3A_99], %swap3A_102 {strides = array<i32>} : memref<1x1024x1024xf32, #tpu.memory_space<vmem>>, vector<1x1024x1024xf32>,
    return
  }
  func.func @transform_0(%arg0: i32) -> (i32, i32, i32) {
    %c0_i32 = arith.constant 0 : i32
    %c0_i32_0 = arith.constant 0 : i32
    %c0_i32_1 = arith.constant 0 : i32
    return %arg0, %c0_i32, %c0_i32_0 : i32, i32, i32
  }
  func.func @transform_1(%arg0: i32) -> (i32, i32, i32) {
    %c0_i32 = arith.constant 0 : i32
    %c0_i32_0 = arith.constant 0 : i32
    %c0_i32_1 = arith.constant 0 : i32
    return %arg0, %c0_i32, %c0_i32_0 : i32, i32, i32
  }
  func.func @transform_2(%arg0: i32) -> (i32, i32, i32) {
    %c0_i32 = arith.constant 0 : i32
    %c0_i32_0 = arith.constant 0 : i32
    %c0_i32_1 = arith.constant 0 : i32
    return %arg0, %c0_i32, %c0_i32_0 : i32, i32, i32
  }
  func.func @transform_3(%arg0: i32) -> (i32, i32, i32) {
    %c0_i32 = arith.constant 0 : i32
    %c0_i32_0 = arith.constant 0 : i32
    %c0_i32_1 = arith.constant 0 : i32
    return %arg0, %c0_i32, %c0_i32_0 : i32, i32, i32
  }
  func.func @transform_4(%arg0: i32) -> (i32, i32) {
    %c0_i32 = arith.constant 0 : i32
    %c0_i32_0 = arith.constant 0 : i32
    return %arg0, %c0_i32 : i32, i32
  }
  func.func @transform_5(%arg0: i32) -> (i32, i32) {
    %c0_i32 = arith.constant 0 : i32
    %c0_i32_0 = arith.constant 0 : i32
    %c0_i32_1 = arith.constant 0 : i32
    return %c0_i32, %c0_i32_0 : i32, i32
  }
  func.func @transform_6(%arg0: i32) -> (i32, i32) {
    %c0_i32 = arith.constant 0 : i32
    %c0_i32_0 = arith.constant 0 : i32
    %c0_i32_1 = arith.constant 0 : i32
    return %c0_i32, %c0_i32_0 : i32, i32
  }
  func.func @transform_7(%arg0: i32) -> (i32, i32) {
    %c0_i32 = arith.constant 0 : i32
    %c0_i32_0 = arith.constant 0 : i32
    %c0_i32_1 = arith.constant 0 : i32
    return %c0_i32, %c0_i32_0 : i32, i32
  }
  func.func @transform_8(%arg0: i32) -> (i32, i32) {
    %c0_i32 = arith.constant 0 : i32
    %c0_i32_0 = arith.constant 0 : i32
    %c0_i32_1 = arith.constant 0 : i32
    return %c0_i32, %c0_i32_0 : i32, i32
  }
  func.func @transform_9(%arg0: i32) -> (i32, i32) {
    %c0_i32 = arith.constant 0 : i32
    %c0_i32_0 = arith.constant 0 : i32
    %c0_i32_1 = arith.constant 0 : i32
    return %c0_i32, %c0_i32_0 : i32, i32
  }
  func.func @transform_11(%arg0: i32) -> (i32, i32, i32) {
    %jit3A = arith.constant 4 : i32
    %div3A = arith.divsi %arg0, %jit3A : i32
    %sign3A = arith.constant 0 : i32
    %sign3A_0 = arith.cmpi sgt, %arg0, %sign3A : i32
    %sign3A_1 = arith.extui %sign3A_0 : i1 to i32
    %sign3A_2 = arith.constant 0 : i32
    %sign3A_3 = arith.cmpi slt, %arg0, %sign3A_2 : i32
    %sign3A_4 = arith.extui %sign3A_3 : i1 to i32
    %sign3A_5 = arith.subi %sign3A_1, %sign3A_4 : i32
    %sign3A_6 = arith.constant 0 : i32
    %sign3A_7 = arith.cmpi sgt, %jit3A, %sign3A_6 : i32
    %sign3A_8 = arith.extui %sign3A_7 : i1 to i32
    %sign3A_9 = arith.constant 0 : i32
    %sign3A_10 = arith.cmpi slt, %jit3A, %sign3A_9 : i32
    %sign3A_11 = arith.extui %sign3A_10 : i1 to i32
    %sign3A_12 = arith.subi %sign3A_8, %sign3A_11 : i32
    %ne3A = arith.cmpi ne, %sign3A_5, %sign3A_12 : i32
    %rem3A = arith.remsi %arg0, %jit3A : i32
    %ne3A_13 = arith.constant 0 : i32
    %ne3A_14 = arith.cmpi ne, %rem3A, %ne3A_13 : i32
    %and3A = arith.andi %ne3A, %ne3A_14 : i1
    %sub3A = arith.constant 1 : i32
    %sub3A_15 = arith.subi %div3A, %sub3A : i32
    %select_n3A = arith.select %and3A, %sub3A_15, %div3A : i32
    %add3A = arith.constant 30 : i32
    %add3A_16 = arith.addi %add3A, %select_n3A : i32
    %jit3A_17 = arith.constant 4 : i32
    %eq3A = arith.constant 0 : i32
    %eq3A_18 = arith.cmpi eq, %jit3A_17, %eq3A : i32
    %jit3A_19 = arith.constant 1 : i32
    %select_n3A_20 = arith.select %eq3A_18, %jit3A_19, %jit3A_17 : i32
    %rem3A_21 = arith.remsi %arg0, %select_n3A_20 : i32
    %ne3A_22 = arith.constant 0 : i32
    %ne3A_23 = arith.cmpi ne, %rem3A_21, %ne3A_22 : i32
    %lt3A = arith.constant 0 : i32
    %lt3A_24 = arith.cmpi slt, %rem3A_21, %lt3A : i32
    %lt3A_25 = arith.constant 0 : i32
    %lt3A_26 = arith.cmpi slt, %select_n3A_20, %lt3A_25 : i32
    %ne3A_27 = arith.xori %lt3A_24, %lt3A_26 : i1
    %and3A_28 = arith.andi %ne3A_27, %ne3A_23 : i1
    %add3A_29 = arith.addi %rem3A_21, %select_n3A_20 : i32
    %select_n3A_30 = arith.select %and3A_28, %add3A_29, %rem3A_21 : i32
    %c0_i32 = arith.constant 0 : i32
    %c0_i32_31 = arith.constant 0 : i32
    return %add3A_16, %select_n3A_30, %c0_i32 : i32, i32, i32
  }
}

module attributes {stable_mosaic.version = 14 : i64} {
  func.func @_tc_body(%arg0: i32, %arg1: memref<1x1x1024xi32, #tpu.memory_space<vmem>>, %arg2: memref<1x1x1024xi32, #tpu.memory_space<vmem>>, %arg3: memref<1x1x1024xi32, #tpu.memory_space<vmem>>, %arg4: memref<1x1x1024xi32, #tpu.memory_space<vmem>>, %arg5: memref<1024x256xf32, #tpu.memory_space<vmem>>, %arg6: memref<256x1024xf32, #tpu.memory_space<vmem>>, %arg7: memref<640x1024xf32, #tpu.memory_space<vmem>>, %arg8: memref<8x1024xf32, #tpu.memory_space<vmem>>, %arg9: memref<1x1024xf32, #tpu.memory_space<vmem>>, %arg10: memref<1x1024xf32, #tpu.memory_space<vmem>>, %arg11: memref<50x4096x1024xf32, #tpu.memory_space<any>>, %arg12: memref<1x1024x1024xf32, #tpu.memory_space<vmem>>) attributes {dimension_semantics = [#tpu.dimension_semantics<arbitrary>], iteration_bounds = array<i64: 40>, scalar_prefetch = 0 : i64, scratch_operands = 0 : i64, tpu.core_type = #tpu.core_type<tc>, window_params = [{transform_indices = @transform_0, window_bounds = array<i64: 1, 1, 1024>}, {transform_indices = @transform_1, window_bounds = array<i64: 1, 1, 1024>}, {transform_indices = @transform_2, window_bounds = array<i64: 1, 1, 1024>}, {transform_indices = @transform_3, window_bounds = array<i64: 1, 1, 1024>}, {transform_indices = @transform_4, window_bounds = array<i64: 1024, 256>}, {pipeline_mode = #tpu.pipeline_mode<synchronous>, transform_indices = @transform_5, window_bounds = array<i64: 256, 1024>}, {pipeline_mode = #tpu.pipeline_mode<synchronous>, transform_indices = @transform_6, window_bounds = array<i64: 640, 1024>}, {pipeline_mode = #tpu.pipeline_mode<synchronous>, transform_indices = @transform_7, window_bounds = array<i64: 8, 1024>}, {pipeline_mode = #tpu.pipeline_mode<synchronous>, transform_indices = @transform_8, window_bounds = array<i64: 1, 1024>}, {pipeline_mode = #tpu.pipeline_mode<synchronous>, transform_indices = @transform_9, window_bounds = array<i64: 1, 1024>}, {}, {transform_indices = @transform_11, window_bounds = array<i64: 1, 1024, 1024>}]} {
    %get3A = arith.constant 0 : index
    %get3A_0 = arith.constant 0 : index
    %get3A_1 = vector.load %arg5[%get3A, %get3A_0] : memref<1024x256xf32, #tpu.memory_space<vmem>>, vector<1024x256xf32>
    %get3A_2 = arith.constant 0 : index
    %get3A_3 = arith.constant 0 : index
    %get3A_4 = vector.load %arg6[%get3A_2, %get3A_3] : memref<256x1024xf32, #tpu.memory_space<vmem>>, vector<256x1024xf32>
    %dot_general3A = arith.constant dense<0.000000e+00> : vector<1024x1024xf32>
    %dot_general3A_5 = tpu.matmul %get3A_1, %get3A_4, %dot_general3A {dimension_numbers = #tpu.dot_dimension_numbers<[1], [0], [0], [1], [0, 0, 1, 1], [], []>, transpose_lhs_hint = false} : vector<1024x256xf32>, vector<256x1024xf32>, vector<1024x1024xf32> -> vector<1024x1024xf32>
    %get3A_6 = arith.constant 0 : index
    %get3A_7 = arith.constant 0 : index
    %get3A_8 = arith.constant 0 : index
    %get3A_9 = vector.load %arg1[%get3A_6, %get3A_7, %get3A_8] : memref<1x1x1024xi32, #tpu.memory_space<vmem>>, vector<1x1x1024xi32>
    %get3A_10 = vector.shape_cast %get3A_9 : vector<1x1x1024xi32> to vector<1024xi32>
    %get3A_11 = arith.constant 0 : index
    %get3A_12 = arith.constant 0 : index
    %get3A_13 = arith.constant 0 : index
    %get3A_14 = vector.load %arg2[%get3A_11, %get3A_12, %get3A_13] : memref<1x1x1024xi32, #tpu.memory_space<vmem>>, vector<1x1x1024xi32>
    %get3A_15 = vector.shape_cast %get3A_14 : vector<1x1x1024xi32> to vector<1024xi32>
    %get3A_16 = arith.constant 0 : index
    %get3A_17 = arith.constant 0 : index
    %get3A_18 = arith.constant 0 : index
    %get3A_19 = vector.load %arg3[%get3A_16, %get3A_17, %get3A_18] : memref<1x1x1024xi32, #tpu.memory_space<vmem>>, vector<1x1x1024xi32>
    %get3A_20 = vector.shape_cast %get3A_19 : vector<1x1x1024xi32> to vector<1024xi32>
    %get3A_21 = arith.constant 0 : index
    %get3A_22 = arith.constant 0 : index
    %get3A_23 = arith.constant 0 : index
    %get3A_24 = vector.load %arg4[%get3A_21, %get3A_22, %get3A_23] : memref<1x1x1024xi32, #tpu.memory_space<vmem>>, vector<1x1x1024xi32>
    %get3A_25 = vector.shape_cast %get3A_24 : vector<1x1x1024xi32> to vector<1024xi32>
    %iota3A = tpu.iota {dimensions = array<i32: 1>} : vector<1024x640xi32>
    %broadcast_in_dim3A = vector.shape_cast %get3A_10 : vector<1024xi32> to vector<1024x1xi32>
    %eq3A = vector.broadcast %broadcast_in_dim3A : vector<1024x1xi32> to vector<1024x640xi32>
    %eq3A_26 = arith.cmpi eq, %iota3A, %eq3A : vector<1024x640xi32>
    %convert_element_type3A = arith.extui %eq3A_26 : vector<1024x640xi1> to vector<1024x640xi32>
    %convert_element_type3A_27 = arith.sitofp %convert_element_type3A : vector<1024x640xi32> to vector<1024x640xf32>
    %broadcast_in_dim3A_28 = vector.shape_cast %get3A_15 : vector<1024xi32> to vector<1024x1xi32>
    %add3A = arith.constant 512 : i32
    %add3A_29 = vector.broadcast %add3A : i32 to vector<1024x1xi32>
    %add3A_30 = arith.addi %broadcast_in_dim3A_28, %add3A_29 : vector<1024x1xi32>
    %eq3A_31 = vector.broadcast %add3A_30 : vector<1024x1xi32> to vector<1024x640xi32>
    %eq3A_32 = arith.cmpi eq, %iota3A, %eq3A_31 : vector<1024x640xi32>
    %convert_element_type3A_33 = arith.extui %eq3A_32 : vector<1024x640xi1> to vector<1024x640xi32>
    %convert_element_type3A_34 = arith.sitofp %convert_element_type3A_33 : vector<1024x640xi32> to vector<1024x640xf32>
    %add3A_35 = arith.addf %convert_element_type3A_27, %convert_element_type3A_34 : vector<1024x640xf32>
    %broadcast_in_dim3A_36 = vector.shape_cast %get3A_20 : vector<1024xi32> to vector<1024x1xi32>
    %add3A_37 = arith.constant 576 : i32
    %add3A_38 = vector.broadcast %add3A_37 : i32 to vector<1024x1xi32>
    %add3A_39 = arith.addi %broadcast_in_dim3A_36, %add3A_38 : vector<1024x1xi32>
    %eq3A_40 = vector.broadcast %add3A_39 : vector<1024x1xi32> to vector<1024x640xi32>
    %eq3A_41 = arith.cmpi eq, %iota3A, %eq3A_40 : vector<1024x640xi32>
    %convert_element_type3A_42 = arith.extui %eq3A_41 : vector<1024x640xi1> to vector<1024x640xi32>
    %convert_element_type3A_43 = arith.sitofp %convert_element_type3A_42 : vector<1024x640xi32> to vector<1024x640xf32>
    %add3A_44 = arith.addf %add3A_35, %convert_element_type3A_43 : vector<1024x640xf32>
    %get3A_45 = arith.constant 0 : index
    %get3A_46 = arith.constant 0 : index
    %get3A_47 = vector.load %arg7[%get3A_45, %get3A_46] : memref<640x1024xf32, #tpu.memory_space<vmem>>, vector<640x1024xf32>
    %dot_general3A_48 = arith.constant dense<0.000000e+00> : vector<1024x1024xf32>
    %dot_general3A_49 = tpu.matmul %add3A_44, %get3A_47, %dot_general3A_48 {dimension_numbers = #tpu.dot_dimension_numbers<[1], [0], [0], [1], [0, 0, 1, 1], [], []>, transpose_lhs_hint = false} : vector<1024x640xf32>, vector<640x1024xf32>, vector<1024x1024xf32> -> vector<1024x1024xf32>
    %add3A_50 = arith.addf %dot_general3A_5, %dot_general3A_49 : vector<1024x1024xf32>
    %get3A_51 = arith.constant 0 : index
    %get3A_52 = arith.constant 0 : index
    %get3A_53 = vector.load %arg8[%get3A_51, %get3A_52] : memref<8x1024xf32, #tpu.memory_space<vmem>>, vector<1x1024xf32>
    %get3A_54 = vector.shape_cast %get3A_53 : vector<1x1024xf32> to vector<1024xf32>
    %broadcast_in_dim3A_55 = vector.shape_cast %get3A_54 : vector<1024xf32> to vector<1x1024xf32>
    %get3A_56 = arith.constant 1 : index
    %get3A_57 = arith.constant 0 : index
    %get3A_58 = vector.load %arg8[%get3A_56, %get3A_57] : memref<8x1024xf32, #tpu.memory_space<vmem>>, vector<1x1024xf32>
    %get3A_59 = vector.shape_cast %get3A_58 : vector<1x1024xf32> to vector<1024xf32>
    %broadcast_in_dim3A_60 = vector.shape_cast %get3A_59 : vector<1024xf32> to vector<1x1024xf32>
    %broadcast_in_dim3A_61 = vector.shape_cast %get3A_25 : vector<1024xi32> to vector<1024x1xi32>
    %eq3A_62 = arith.constant 1 : i32
    %eq3A_63 = vector.broadcast %eq3A_62 : i32 to vector<1024x1xi32>
    %eq3A_64 = arith.cmpi eq, %broadcast_in_dim3A_61, %eq3A_63 : vector<1024x1xi32>
    %broadcast_in_dim3A_65 = vector.shape_cast %eq3A_64 : vector<1024x1xi1> to vector<1024x1xi1>
    %broadcast_in_dim3A_66 = vector.broadcast %broadcast_in_dim3A_65 : vector<1024x1xi1> to vector<1024x1024xi1>
    %broadcast_in_dim3A_67 = vector.shape_cast %broadcast_in_dim3A_60 : vector<1x1024xf32> to vector<1x1024xf32>
    %broadcast_in_dim3A_68 = vector.broadcast %broadcast_in_dim3A_67 : vector<1x1024xf32> to vector<1024x1024xf32>
    %broadcast_in_dim3A_69 = vector.shape_cast %broadcast_in_dim3A_55 : vector<1x1024xf32> to vector<1x1024xf32>
    %broadcast_in_dim3A_70 = vector.broadcast %broadcast_in_dim3A_69 : vector<1x1024xf32> to vector<1024x1024xf32>
    %select_n3A = arith.select %broadcast_in_dim3A_66, %broadcast_in_dim3A_68, %broadcast_in_dim3A_70 : vector<1024x1024xi1>, vector<1024x1024xf32>
    %add3A_71 = arith.addf %add3A_50, %select_n3A : vector<1024x1024xf32>
    %reduce_sum3A = arith.constant dense<0.000000e+00> : vector<1024xf32>
    %reduce_sum3A_72 = vector.multi_reduction <add>, %add3A_71, %reduce_sum3A [1] : vector<1024x1024xf32> to vector<1024xf32>
    %broadcast_in_dim3A_73 = vector.shape_cast %reduce_sum3A_72 : vector<1024xf32> to vector<1024x1xf32>
    %div3A = arith.constant 1.024000e+03 : f32
    %div3A_74 = vector.broadcast %div3A : f32 to vector<1024x1xf32>
    %div3A_75 = arith.divf %broadcast_in_dim3A_73, %div3A_74 : vector<1024x1xf32>
    %sub3A = vector.broadcast %div3A_75 : vector<1024x1xf32> to vector<1024x1024xf32>
    %sub3A_76 = arith.subf %add3A_71, %sub3A : vector<1024x1024xf32>
    %mul3A = arith.mulf %sub3A_76, %sub3A_76 : vector<1024x1024xf32>
    %reduce_sum3A_77 = arith.constant dense<0.000000e+00> : vector<1024xf32>
    %reduce_sum3A_78 = vector.multi_reduction <add>, %mul3A, %reduce_sum3A_77 [1] : vector<1024x1024xf32> to vector<1024xf32>
    %broadcast_in_dim3A_79 = vector.shape_cast %reduce_sum3A_78 : vector<1024xf32> to vector<1024x1xf32>
    %div3A_80 = arith.constant 1.024000e+03 : f32
    %div3A_81 = vector.broadcast %div3A_80 : f32 to vector<1024x1xf32>
    %div3A_82 = arith.divf %broadcast_in_dim3A_79, %div3A_81 : vector<1024x1xf32>
    %add3A_83 = arith.constant 9.99999996E-13 : f32
    %add3A_84 = vector.broadcast %add3A_83 : f32 to vector<1024x1xf32>
    %add3A_85 = arith.addf %div3A_82, %add3A_84 : vector<1024x1xf32>
    %rsqrt3A = math.rsqrt %add3A_85 : vector<1024x1xf32>
    %mul3A_86 = vector.broadcast %rsqrt3A : vector<1024x1xf32> to vector<1024x1024xf32>
    %mul3A_87 = arith.mulf %sub3A_76, %mul3A_86 : vector<1024x1024xf32>
    %get3A_88 = arith.constant 0 : index
    %get3A_89 = arith.constant 0 : index
    %get3A_90 = vector.load %arg9[%get3A_88, %get3A_89] : memref<1x1024xf32, #tpu.memory_space<vmem>>, vector<1x1024xf32>
    %mul3A_91 = vector.broadcast %get3A_90 : vector<1x1024xf32> to vector<1024x1024xf32>
    %mul3A_92 = arith.mulf %mul3A_87, %mul3A_91 : vector<1024x1024xf32>
    %get3A_93 = arith.constant 0 : index
    %get3A_94 = arith.constant 0 : index
    %get3A_95 = vector.load %arg10[%get3A_93, %get3A_94] : memref<1x1024xf32, #tpu.memory_space<vmem>>, vector<1x1024xf32>
    %add3A_96 = vector.broadcast %get3A_95 : vector<1x1024xf32> to vector<1024x1024xf32>
    %add3A_97 = arith.addf %mul3A_92, %add3A_96 : vector<1024x1024xf32>
    %swap3A = arith.constant 0 : index
    %swap3A_98 = arith.constant 0 : index
    %swap3A_99 = arith.constant 0 : index
    %swap3A_100 = vector.load %arg12[%swap3A, %swap3A_98, %swap3A_99] : memref<1x1024x1024xf32, #tpu.memory_space<vmem>>, vector<1x1024x1024xf32>
    %swap3A_101 = vector.shape_cast %swap3A_100 : vector<1x1024x1024xf32> to vector<1024x1024xf32>
    %swap3A_102 = vector.shape_cast %add3A_97 : vector<1024x1024xf32> to vector<1x1024x1024xf32>
    tpu.vector_store %arg12[%swap3A, %swap3A_98, %swap3A_99], %swap3A_102 {strides = array<i32>} : memref<1x1024x1024xf32, #tpu.memory_space<vmem>>, vector<1x1024x1024xf32>,
    return
  }
  func.func @transform_0(%arg0: i32) -> (i32, i32, i32) {
    %c0_i32 = arith.constant 0 : i32
    %c0_i32_0 = arith.constant 0 : i32
    %c0_i32_1 = arith.constant 0 : i32
    return %arg0, %c0_i32, %c0_i32_0 : i32, i32, i32
  }
  func.func @transform_1(%arg0: i32) -> (i32, i32, i32) {
    %c0_i32 = arith.constant 0 : i32
    %c0_i32_0 = arith.constant 0 : i32
    %c0_i32_1 = arith.constant 0 : i32
    return %arg0, %c0_i32, %c0_i32_0 : i32, i32, i32
  }
  func.func @transform_2(%arg0: i32) -> (i32, i32, i32) {
    %c0_i32 = arith.constant 0 : i32
    %c0_i32_0 = arith.constant 0 : i32
    %c0_i32_1 = arith.constant 0 : i32
    return %arg0, %c0_i32, %c0_i32_0 : i32, i32, i32
  }
  func.func @transform_3(%arg0: i32) -> (i32, i32, i32) {
    %c0_i32 = arith.constant 0 : i32
    %c0_i32_0 = arith.constant 0 : i32
    %c0_i32_1 = arith.constant 0 : i32
    return %arg0, %c0_i32, %c0_i32_0 : i32, i32, i32
  }
  func.func @transform_4(%arg0: i32) -> (i32, i32) {
    %c0_i32 = arith.constant 0 : i32
    %c0_i32_0 = arith.constant 0 : i32
    return %arg0, %c0_i32 : i32, i32
  }
  func.func @transform_5(%arg0: i32) -> (i32, i32) {
    %c0_i32 = arith.constant 0 : i32
    %c0_i32_0 = arith.constant 0 : i32
    %c0_i32_1 = arith.constant 0 : i32
    return %c0_i32, %c0_i32_0 : i32, i32
  }
  func.func @transform_6(%arg0: i32) -> (i32, i32) {
    %c0_i32 = arith.constant 0 : i32
    %c0_i32_0 = arith.constant 0 : i32
    %c0_i32_1 = arith.constant 0 : i32
    return %c0_i32, %c0_i32_0 : i32, i32
  }
  func.func @transform_7(%arg0: i32) -> (i32, i32) {
    %c0_i32 = arith.constant 0 : i32
    %c0_i32_0 = arith.constant 0 : i32
    %c0_i32_1 = arith.constant 0 : i32
    return %c0_i32, %c0_i32_0 : i32, i32
  }
  func.func @transform_8(%arg0: i32) -> (i32, i32) {
    %c0_i32 = arith.constant 0 : i32
    %c0_i32_0 = arith.constant 0 : i32
    %c0_i32_1 = arith.constant 0 : i32
    return %c0_i32, %c0_i32_0 : i32, i32
  }
  func.func @transform_9(%arg0: i32) -> (i32, i32) {
    %c0_i32 = arith.constant 0 : i32
    %c0_i32_0 = arith.constant 0 : i32
    %c0_i32_1 = arith.constant 0 : i32
    return %c0_i32, %c0_i32_0 : i32, i32
  }
  func.func @transform_11(%arg0: i32) -> (i32, i32, i32) {
    %jit3A = arith.constant 4 : i32
    %div3A = arith.divsi %arg0, %jit3A : i32
    %sign3A = arith.constant 0 : i32
    %sign3A_0 = arith.cmpi sgt, %arg0, %sign3A : i32
    %sign3A_1 = arith.extui %sign3A_0 : i1 to i32
    %sign3A_2 = arith.constant 0 : i32
    %sign3A_3 = arith.cmpi slt, %arg0, %sign3A_2 : i32
    %sign3A_4 = arith.extui %sign3A_3 : i1 to i32
    %sign3A_5 = arith.subi %sign3A_1, %sign3A_4 : i32
    %sign3A_6 = arith.constant 0 : i32
    %sign3A_7 = arith.cmpi sgt, %jit3A, %sign3A_6 : i32
    %sign3A_8 = arith.extui %sign3A_7 : i1 to i32
    %sign3A_9 = arith.constant 0 : i32
    %sign3A_10 = arith.cmpi slt, %jit3A, %sign3A_9 : i32
    %sign3A_11 = arith.extui %sign3A_10 : i1 to i32
    %sign3A_12 = arith.subi %sign3A_8, %sign3A_11 : i32
    %ne3A = arith.cmpi ne, %sign3A_5, %sign3A_12 : i32
    %rem3A = arith.remsi %arg0, %jit3A : i32
    %ne3A_13 = arith.constant 0 : i32
    %ne3A_14 = arith.cmpi ne, %rem3A, %ne3A_13 : i32
    %and3A = arith.andi %ne3A, %ne3A_14 : i1
    %sub3A = arith.constant 1 : i32
    %sub3A_15 = arith.subi %div3A, %sub3A : i32
    %select_n3A = arith.select %and3A, %sub3A_15, %div3A : i32
    %add3A = arith.constant 40 : i32
    %add3A_16 = arith.addi %add3A, %select_n3A : i32
    %jit3A_17 = arith.constant 4 : i32
    %eq3A = arith.constant 0 : i32
    %eq3A_18 = arith.cmpi eq, %jit3A_17, %eq3A : i32
    %jit3A_19 = arith.constant 1 : i32
    %select_n3A_20 = arith.select %eq3A_18, %jit3A_19, %jit3A_17 : i32
    %rem3A_21 = arith.remsi %arg0, %select_n3A_20 : i32
    %ne3A_22 = arith.constant 0 : i32
    %ne3A_23 = arith.cmpi ne, %rem3A_21, %ne3A_22 : i32
    %lt3A = arith.constant 0 : i32
    %lt3A_24 = arith.cmpi slt, %rem3A_21, %lt3A : i32
    %lt3A_25 = arith.constant 0 : i32
    %lt3A_26 = arith.cmpi slt, %select_n3A_20, %lt3A_25 : i32
    %ne3A_27 = arith.xori %lt3A_24, %lt3A_26 : i1
    %and3A_28 = arith.andi %ne3A_27, %ne3A_23 : i1
    %add3A_29 = arith.addi %rem3A_21, %select_n3A_20 : i32
    %select_n3A_30 = arith.select %and3A_28, %add3A_29, %rem3A_21 : i32
    %c0_i32 = arith.constant 0 : i32
    %c0_i32_31 = arith.constant 0 : i32
    return %add3A_16, %select_n3A_30, %c0_i32 : i32, i32, i32
  }
}

</mosaic_0001>

<sc_bundles>
// kernel: kernel.12.cloned.1.call-start
scs
__scs_entry_jumppad:
0x0: {  	(pc) =	sbr.rel $0x88, $3  }
0x1: {  	(tag) =	ssettag $0x0;
	lr =	simm.s32 $0x1  }
0x2: {  	[smem:$0x3F94] =	sst lr;
	_ =	strace $0xD0000000  }
0x3: {  	_ = 	snop  }
0x4: {  	_ = 	snop  }
0x5: {  	_ = 	snop  }
0x6: {  	_ = 	snop  }
0x7: {  	_ = 	snop  }
__scs_overlays_trampoline_lowered:
0x8: {  	[smem:$0x3FA3] =	sst s0  }
0x9: {  	[smem:$0x3FA4] =	sst s1  }
0xa: {  	[smem:$0x3FA5] =	sst s2  }
0xb: {  	[smem:$0x3FA6] =	sst s3  }
0xc: {  	[smem:$0x3FA7] =	sst s4  }
0xd: {  	[smem:$0x3FA8] =	sst s5  }
0xe: {  	[smem:$0x3FA9] =	sst s6  }
0xf: {  	[smem:$0x3FAA] =	sst s7  }
0x10: {  	[smem:$0x3FAB] =	sst s8  }
0x11: {  	[smem:$0x3FAC] =	sst s9;
	s0 =	simm.s32 @!p0 $0x0  }
0x12: {  	s1 =	sld [smem:$0x3F92];
	s0 =	simm.s32 @p0 $0x1  }
0x13: {  	[smem:$0x3FAD] =	sst s0;
	s0 =	simm.s32 @!p1 $0x0  }
0x14: {  	s2 =	sld [smem:$0x3F91];
	s0 =	simm.s32 @p1 $0x1  }
0x15: {  	[smem:$0x3FAE] =	sst s0;
	s0 =	simm.s32 @!p2 $0x0  }
0x16: {  	s3 =	sld [smem:$0x3FDB];
	s0 =	simm.s32 @p2 $0x1  }
0x17: {  	s4 =	simm.s32 $0x1BF5;
	[smem:$0x3FB0] =	sst s0  }
0x18: {  	s0 =	sld [smem:$0x3F93];
	_ =	swait.ge [sflag:s4], $0x0  }
0x19: {  	s7 =	sld [smem:$0x3F94]  }
0x1a: {  	s8 =	sadd.s32 $0xFFFFE003, lr  }
0x1b: {  	s9 =	sadd.s32 $0xFFFFFEF7, lr;
	s5 =	simm.s32 $0xFFFFFFFF;
	p2 =	slt.u32 s8, $0xFFFFF086  }
0x1c: {  	p1 =	slt.u32 s9, $0xF7A;
	s5 =	simm.s32 @!p2 $0x0  }
0x1d: {  	s5 =	simm.s32 @p1 $0x1;
	p0 =	seq.s32 s7, s2  }
0x1e: {  	s7 =	smul.u32 @!p0 $0xF7A, s2;
	p2 =	seq.s32 @!p0 s5, $0x0  }
0x1f: {  	s9 =	smul.u32 $0xF7A, s1;
	s8 =	simm.s32 @!p0 $0x1BF5;
	p2 =	por !p2, p0  }
0x20: {  	[sflag:s8] =	ssyncset.s32 @!p0 $0xFFFFF086;
	s6 =	sadd.s32 @!p0 s3, s7;
	s7 =	simm.s32 @!p0 $0x108  }
0x21: {  	s3 =	sadd.s32 s3, s9;
	s6 =	sadd.s32 @!p0 $0x88, s6;
	s7 =	simm.s32 @p2 $0x1082  }
0x22: {  	[simem:s7], [sflag:s8] =	dma.local @!p0 [hbm:s6], $0xF7A  }
0x23: {  	s9 =	sor.u32 $0xD0000000, s2;
	s6 =	simm.s32 $0x108;
	_ =	swait.ge @!p0 [sflag:s8], $0x0  }
0x24: {  	s3 =	sadd.s32 $0x88, s3;
	s6 =	simm.s32 @!p1 $0x1082;
	[sflag:s4] =	ssyncset.s32 $0xFFFFF086  }
0x25: {  	[simem:s6], [sflag:s4] =	dma.local [hbm:s3], $0xF7A  }
0x26: {  	[smem:$0x3F94] =	sst s1;
	(tag) =	ssettag s2;
	_ =	strace s9  }
0x27: {  	s1 =	sld [smem:$0x3FA4]  }
0x28: {  	s2 =	sld [smem:$0x3FA5]  }
0x29: {  	s4 =	sld [smem:$0x3FA7]  }
0x2a: {  	p0 =	seq.s32 s5, $0x0;
	s5 =	sld [smem:$0x3FA8]  }
0x2b: {  	s6 =	sld [smem:$0x3FA9]  }
0x2c: {  	s7 =	sld [smem:$0x3FAA]  }
0x2d: {  	s3 =	simm.s32 $0x108;
	s8 =	sld [smem:$0x3FAB]  }
0x2e: {  	s3 =	simm.s32 @!p0 $0x1082;
	s9 =	sld [smem:$0x3FAC]  }
0x2f: {  	lr =	sadd.s32 s0, s3;
	s0 =	sld [smem:$0x3FA3]  }
0x30: {  	s3 =	sld [smem:$0x3FA6]  }
0x31: {  	[smem:$0x3FAF] =	sst s10  }
0x32: {  	s10 =	sld [smem:$0x3FAD];
	_ =	sdelay $0x3  }
0x33: {  	p0 =	seq.s32 s10, $0x1;
	s10 =	sld [smem:$0x3FAF];
	_ =	sdelay $0x3  }
0x34: {  	[smem:$0x3FAF] =	sst s10  }
0x35: {  	s10 =	sld [smem:$0x3FAE];
	_ =	sdelay $0x3  }
0x36: {  	p1 =	seq.s32 s10, $0x1;
	s10 =	sld [smem:$0x3FAF];
	_ =	sdelay $0x3  }
0x37: {  	[smem:$0x3FAF] =	sst s10  }
0x38: {  	s10 =	sld [smem:$0x3FB0]  }
0x39: {  	_ = 	snop;
	(pc) =	sbr.ind lr, $3  }
0x3a: {  	_ = 	snop  }
0x3b: {  	_ = 	snop  }
0x3c: {  	p2 =	seq.s32 s10, $0x1;
	s10 =	sld [smem:$0x3FAF]  }
0x3d: {  	_ =	shalt  }
0x3e: {  	_ =	shalt  }
0x3f: {  	_ =	shalt  }
0x40: {  	_ =	shalt  }
0x41: {  	_ =	shalt  }
0x42: {  	_ =	shalt  }
0x43: {  	_ =	shalt  }
0x44: {  	_ =	shalt  }
0x45: {  	_ =	shalt  }
0x46: {  	_ =	shalt  }
0x47: {  	_ =	shalt  }
0x48: {  	_ =	shalt  }
0x49: {  	_ =	shalt  }
0x4a: {  	_ =	shalt  }
0x4b: {  	_ =	shalt  }
0x4c: {  	_ =	shalt  }
0x4d: {  	_ =	shalt  }
0x4e: {  	_ =	shalt  }
0x4f: {  	_ =	shalt  }
0x50: {  	_ =	shalt  }
0x51: {  	_ =	shalt  }
0x52: {  	_ =	shalt  }
0x53: {  	_ =	shalt  }
0x54: {  	_ =	shalt  }
0x55: {  	_ =	shalt  }
0x56: {  	_ =	shalt  }
0x57: {  	_ =	shalt  }
0x58: {  	_ =	shalt  }
0x59: {  	_ =	shalt  }
0x5a: {  	_ =	shalt  }
0x5b: {  	_ =	shalt  }
0x5c: {  	_ =	shalt  }
0x5d: {  	_ =	shalt  }
0x5e: {  	_ =	shalt  }
0x5f: {  	_ =	shalt  }
0x60: {  	_ =	shalt  }
0x61: {  	_ =	shalt  }
0x62: {  	_ =	shalt  }
0x63: {  	_ =	shalt  }
0x64: {  	_ =	shalt  }
0x65: {  	_ =	shalt  }
0x66: {  	_ =	shalt  }
0x67: {  	_ =	shalt  }
0x68: {  	_ =	shalt  }
0x69: {  	_ =	shalt  }
0x6a: {  	_ =	shalt  }
0x6b: {  	_ =	shalt  }
0x6c: {  	_ =	shalt  }
0x6d: {  	_ =	shalt  }
0x6e: {  	_ =	shalt  }
0x6f: {  	_ =	shalt  }
0x70: {  	_ =	shalt  }
0x71: {  	_ =	shalt  }
0x72: {  	_ =	shalt  }
0x73: {  	_ =	shalt  }
0x74: {  	_ =	shalt  }
0x75: {  	_ =	shalt  }
0x76: {  	_ =	shalt  }
0x77: {  	_ =	shalt  }
0x78: {  	_ =	shalt  }
0x79: {  	_ =	shalt  }
0x7a: {  	_ =	shalt  }
0x7b: {  	_ =	shalt  }
0x7c: {  	_ =	shalt  }
0x7d: {  	_ =	shalt  }
0x7e: {  	_ =	shalt  }
0x7f: {  	_ =	shalt  }
0x80: {  	_ =	shalt  }
0x81: {  	_ =	shalt  }
0x82: {  	_ =	shalt  }
0x83: {  	_ =	shalt  }
0x84: {  	_ =	shalt  }
0x85: {  	_ =	shalt  }
0x86: {  	_ =	shalt  }
0x87: {  	_ =	shalt  }
.Lfunc_end0:
.L_simem_size_0:
called_computation_lowered:
.L_overlay_start_0:
0x88: {  	s2 =	sld [smem:$0x3FD9]  }
0x89: {  	s3 =	sld [smem:$0x3FFE];
	_ =	sdelay $0x1  }
0x8a: {  	s1 =	srdreg.scid  }
0x8b: {  	s0 =	sand.u32 $0x1, s1  }
0x8c: {  	s17 =	sshll.u32 s0, $0xA;
	s2 =	sadd.s32 s3, s2  }
0x8d: {  	s2 =	sadd.s32 s2, s17  }
0x8e: {  	[smem:$0x3FBB] =	sst s2  }
0x8f: {  	_ = 	snop  }
0x90: {  	s2 =	sld [smem:$0x3FC4]  }
0x91: {  	s18 =	sld [smem:$0x3FD0];
	(tm) =	ssettm $0x1  }
0x92: {  	s4 =	sld [smem:$0x3FFB];
	_ =	sdelay $0x3  }
0x93: {  	_ =	strace s4  }
0x94: {  	s4 =	sld [smem:$0x3FFC];
	_ =	sdelay $0x3  }
0x95: {  	_ =	strace s4  }
0x96: {  	s4 =	sld [smem:$0x3FFD];
	_ =	sdelay $0x3  }
0x97: {  	_ =	strace s4  }
0x98: {  	_ =	strace $0x8FFFFFFF  }
0x99: {  	s19 =	sld [smem:$0x3FDB];
	_ =	sdelay $0x1  }
0x9a: {  	s5 =	simm.s32 $_scs_section_size  }
0x9b: {  	s6 =	simm.s32 $_size__tile_overlayer_lowered;
	s7 =	simm.s32 $_tile_overlayer_lowered  }
0x9c: {  	s22 =	simm.s32 $0x1BFF;
	s21 =	sshll.u32 s7, $0x1;
	s4 =	sadd.s32 s5, s19  }
0x9d: {  	s8 =	simm.s32 $0x0;
	s20 =	sshll.u32 s6, $0x1;
	s6 =	sadd.s32 s21, s4  }
0x9e: {  	[timem:s8], [sflag:s22] =	dma.local [hbm:s6], s20  }
0x9f: {  	_ =	swait.ge [sflag:s22], s20  }
0xa0: {  	s5 =	ssub.s32 $0x0, s20;
	[sflag:s22] =	ssyncset.done $0x0  }
0xa1: {  	[sflag:s22] =	ssyncadd.s32 s5;
	_ =	sdelay $0x1  }
0xa2: {  	s23 =	simm.s32 $0x1B8B  }
0xa3: {  	_ =	swait.ge [sflag:s23], $0x1  }
0xa4: {  	[sflag:s23] =	ssyncset.done $0x0  }
0xa5: {  	s25 =	simm.s32 $0x1B8E;
	s24 =	sld [smem:$0x3FFE];
	[sflag:s23] =	ssyncadd.s32 $0xFFFFFFFF  }
0xa6: {  	s26 =	simm.s32 $execute0_lowered;
	[smem:$0x3FD2] =	sst s25  }
0xa7: {  	s6 =	sshll.u32 s26, $0x1;
	_ =	strace $0x80000046;
	[dreg:$0x1] =	wrdreg $0xFFFFFFFF  }
0xa8: {  	s28 =	simm.s32 $_size_execute0_lowered;
	s4 =	sadd.s32 s4, s6;
	[dreg:$0x0] =	wrdreg $0x0  }
0xa9: {  	s6 =	sshll.u32 s28, $0x1;
	[dreg:$0x2] =	wrdreg s4  }
0xaa: {  	[dreg:$0x3] =	wrdreg s6  }
0xab: {  	[dreg:$0x4] =	wrdreg $0xC0  }
0xac: {  	_ =	task [dreg:s8], $0x5FFFF  }
0xad: {  	[dreg:$0x1] =	wrdreg $0xFFFFFFFF  }
0xae: {  	[dreg:$0x0] =	wrdreg $0x60  }
0xaf: {  	[dreg:$0x2] =	wrdreg s2  }
0xb0: {  	[dreg:$0x3] =	wrdreg s18  }
0xb1: {  	[dreg:$0x4] =	wrdreg s24  }
0xb2: {  	[dreg:$0x5] =	wrdreg $0x9  }
0xb3: {  	_ =	task.clear_ibuf [dreg:s8], $0x6FFFF;
	_ =	strace $0x90000046  }
0xb4: {  	s29 =	simm.s32 $0x9;
	_ =	strace $0x80000048  }
0xb5: {  	_ =	swait.ge [sflag:s29], $0x1  }
0xb6: {  	[sflag:s29] =	ssyncadd.s32 $0xFFFFFFFF  }
0xb7: {  	_ =	strace $0x90000048  }
0xb8: {  	_ =	sfence  }
0xb9: {  	s30 =	sld [smem:$0x0];
	_ =	sdelay $0x2  }
0xba: {  	s31 =	sshll.u32 s1, $0xD;
	s1 =	sshrl.u32 s1, $0x2  }
0xbb: {  	s3 =	sand.u32 $0x4000, s31;
	s1 =	sadd.s32 s1, s30  }
0xbc: {  	s0 =	sor.u32 s3, s0;
	s1 =	sshll.u32 s1, $0x11  }
0xbd: {  	s0 =	sor.u32 s1, s0  }
0xbe: {  	s0 =	sadd.s32 $0x8F2B, s0  }
0xbf: {  	[sflag:s0] =	ssyncadd.remote.s32 $0x1  }
0xc0: {  	_ =	sfence.sel $0xFFFF  }
0xc1: {  	[dreg:$0x0] =	wrdreg $0xFFFFFFFF;
	(pc) =	sbr.abs _section_cstart, $3  }
0xc2: {  	[dreg:$0x1] =	wrdreg $0xFFFFFFFF  }
0xc3: {  	_ =	task.clear_ibuf [dreg:s8], $0x2FFFF;
	_ =	strace $0x9FFFFFFF  }
0xc4: {  	(tm) =	ssettm $0x7FFFFFFF  }
0xc5: {  	_ =	shalt  }
tec
execute0_lowered:
.L_overlay_start_1:
0x0: {  	(tag) =	ssettag $0x1  }
0x1: {  	s2 =	rddreg [dreg:$0x0]  }
0x2: {  	s4 =	rddreg [dreg:$0x1]  }
0x3: {  	s5 =	rddreg [dreg:$0x2];
	s3 =	srdreg.scid  }
0x4: {  	s1 =	stileid.u32;
	s0 =	rddreg [dreg:$0x3];
	s10 =	simm.s32 $0x1500  }
0x5: {  	s11 =	simm.s32 $0x1D00;
	s12 =	simm.s32 $0x2500;
	s13 =	simm.s32 $0x2D00  }
0x6: {  	s14 =	simm.s32 $0x3500;
	s15 =	simm.s32 $0x3D00;
	s16 =	simm.s32 $0x4500  }
0x7: {  	s17 =	simm.s32 $0x4D00;
	s18 =	simm.s32 $0x5500;
	s19 =	simm.s32 $0x5D00  }
0x8: {  	s20 =	simm.s32 $0x6500;
	s21 =	simm.s32 $0x6D00;
	s22 =	simm.s32 $0x7500  }
0x9: {  	s23 =	simm.s32 $0x7D00;
	s24 =	simm.s32 $0x1;
	s25 =	simm.s32 $0x0  }
0xa: {  	s6 =	sand.u32 $0x1, s3;
	s7 =	smul.u32 $0xA0000, s1;
	s9 =	sshll.u32 s1, $0x1  }
0xb: {  	s3 =	simm.s32 $0x0;
	s8 =	smul.u32 $0x50000, s6;
	s9 =	sor.u32 s6, s9  }
0xc: {  	[smem:$0x7FF] =	sst s3;
	s6 =	ssub.s32 $0x2, s6;
	s29 =	smul.u32 $0xA0, s9  }
0xd: {  	_ =	strace $0x80000047;
	s30 =	sshrl.u32 s6, $0x1;
	s7 =	sadd.s32 s8, s7  }
0xe: {  	v2 =	vlaneseq.u32;
	s9 =	simm.s32 $0xD00;
	s31 =	ssub.s32 s6, s30;
	s7 =	sshrl.u32 s7, $0x3  }
0xf: {  	vm0 =	vmmov $0xffff;
	v1 =	vshrl.u32 v2, $0x3;
	s8 =	simm.s32 $0x500;
	s4 =	sadd.s32 s4, s29;
	s7 =	sadd.s32 s7, s5  }
0x10: {  	v0 =	vand.u32 $0x7, v2;
	v2 =	vor.u32 $0x8, v2;
	v1 =	vmul.u32 $0x8, v1;
	s5 =	smax.u32 s31, $0x1;
	s6 =	sadd.s32 $0x5200, s7;
	s7 =	simm.s32 $0x2  }
.LBB2_1:
0x11: {  	[tilespmem:s3], [sflag:$0x2] =	stream.linear.gather [hbm4b:s4+s3], $0x500, $0x38;
	[tilespmem:$0x8500] =	vst v63  }
0x12: {  	_ =	swait.ge [sflag:s7], $0x500  }
0x13: {  	[sflag:s7] =	ssyncset.done $0x0  }
0x14: {  	s26 =	simm.s32 $0x40;
	s28 =	simm.s32 $0x0;
	[sflag:s7] =	ssyncadd.s32 $0xFFFFFB00  }
.LBB2_2:
0x15: {  	v3 =	vld [tilespmem:s26+$0xFFFFFFC0];
	_ =	sdelay $0x4  }
0x16: {  	v4 =	vshll.u32 v3, $0x1  }
0x17: {  	v3 =	vand.u32 $0x7, v3;
	v4 =	vand.u32 $0xFFFFFFF0, v4  }
0x18: {  	v3 =	vor.u32 v3, v4  }
0x19: {  	v4 =	vperm.xlane v3, v0;
	_ =	sdelay $0x1  }
0x1a: {  	v3 =	vperm.xlane v3, v2;
	v4 =	vadd.s32 v1, v4;
	_ =	sdelay $0x1  }
0x1b: {  	v3 =	vadd.s32 v1, v3;
	_ =	sdelay $0x2  }
0x1c: {  	[tilespmem:s8], [sflag:$0x1] =	stream.indirect_vreg.gather [hbm4b:s2+s3], $0x80, v4, vm0, $0xb8;
	[tilespmem:$0x8500] =	vst v63  }
0x1d: {  	_ = 	snop  }
0x1e: {  	[tilespmem:s9], [sflag:$0x1] =	stream.indirect_vreg.gather [hbm4b:s2+s3], $0x80, v3, vm0, $0xb8;
	[tilespmem:$0x8500] =	vst v63  }
0x1f: {  	v3 =	vld [tilespmem:s26+$0xFFFFFFD0];
	_ =	sdelay $0x4  }
0x20: {  	v57 =	vshll.u32 v3, $0x1  }
0x21: {  	v3 =	vand.u32 $0x7, v3;
	v4 =	vand.u32 $0xFFFFFFF0, v57  }
0x22: {  	v3 =	vor.u32 v3, v4  }
0x23: {  	v4 =	vperm.xlane v3, v0;
	_ =	sdelay $0x1  }
0x24: {  	v3 =	vperm.xlane v3, v2;
	v4 =	vadd.s32 v1, v4;
	_ =	sdelay $0x1  }
0x25: {  	v3 =	vadd.s32 v1, v3;
	_ =	sdelay $0x2  }
0x26: {  	[tilespmem:s10], [sflag:$0x1] =	stream.indirect_vreg.gather [hbm4b:s2+s3], $0x80, v4, vm0, $0xb8;
	[tilespmem:$0x8500] =	vst v63  }
0x27: {  	_ = 	snop  }
0x28: {  	[tilespmem:s11], [sflag:$0x1] =	stream.indirect_vreg.gather [hbm4b:s2+s3], $0x80, v3, vm0, $0xb8;
	[tilespmem:$0x8500] =	vst v63  }
0x29: {  	v3 =	vld [tilespmem:s26+$0xFFFFFFE0];
	_ =	sdelay $0x4  }
0x2a: {  	v58 =	vshll.u32 v3, $0x1  }
0x2b: {  	v3 =	vand.u32 $0x7, v3;
	v4 =	vand.u32 $0xFFFFFFF0, v58  }
0x2c: {  	v3 =	vor.u32 v3, v4  }
0x2d: {  	v4 =	vperm.xlane v3, v0;
	_ =	sdelay $0x1  }
0x2e: {  	v3 =	vperm.xlane v3, v2;
	v4 =	vadd.s32 v1, v4;
	_ =	sdelay $0x1  }
0x2f: {  	v3 =	vadd.s32 v1, v3;
	_ =	sdelay $0x2  }
0x30: {  	[tilespmem:s12], [sflag:$0x1] =	stream.indirect_vreg.gather [hbm4b:s2+s3], $0x80, v4, vm0, $0xb8;
	[tilespmem:$0x8500] =	vst v63  }
0x31: {  	_ = 	snop  }
0x32: {  	[tilespmem:s13], [sflag:$0x1] =	stream.indirect_vreg.gather [hbm4b:s2+s3], $0x80, v3, vm0, $0xb8;
	[tilespmem:$0x8500] =	vst v63  }
0x33: {  	v3 =	vld [tilespmem:s26+$0xFFFFFFF0];
	_ =	sdelay $0x4  }
0x34: {  	v59 =	vshll.u32 v3, $0x1  }
0x35: {  	v3 =	vand.u32 $0x7, v3;
	v4 =	vand.u32 $0xFFFFFFF0, v59  }
0x36: {  	v3 =	vor.u32 v3, v4  }
0x37: {  	v4 =	vperm.xlane v3, v0;
	_ =	sdelay $0x1  }
0x38: {  	v3 =	vperm.xlane v3, v2;
	v4 =	vadd.s32 v1, v4;
	_ =	sdelay $0x1  }
0x39: {  	v3 =	vadd.s32 v1, v3;
	_ =	sdelay $0x2  }
0x3a: {  	[tilespmem:s14], [sflag:$0x1] =	stream.indirect_vreg.gather [hbm4b:s2+s3], $0x80, v4, vm0, $0xb8;
	[tilespmem:$0x8500] =	vst v63  }
0x3b: {  	_ = 	snop  }
0x3c: {  	[tilespmem:s15], [sflag:$0x1] =	stream.indirect_vreg.gather [hbm4b:s2+s3], $0x80, v3, vm0, $0xb8;
	[tilespmem:$0x8500] =	vst v63  }
0x3d: {  	v3 =	vld [tilespmem:s26+$0x0];
	_ =	sdelay $0x4  }
0x3e: {  	v60 =	vshll.u32 v3, $0x1  }
0x3f: {  	v3 =	vand.u32 $0x7, v3;
	v4 =	vand.u32 $0xFFFFFFF0, v60  }
0x40: {  	v3 =	vor.u32 v3, v4  }
0x41: {  	v4 =	vperm.xlane v3, v0;
	_ =	sdelay $0x1  }
0x42: {  	v3 =	vperm.xlane v3, v2;
	v4 =	vadd.s32 v1, v4;
	_ =	sdelay $0x1  }
0x43: {  	v3 =	vadd.s32 v1, v3;
	_ =	sdelay $0x2  }
0x44: {  	[tilespmem:s16], [sflag:$0x1] =	stream.indirect_vreg.gather [hbm4b:s2+s3], $0x80, v4, vm0, $0xb8;
	[tilespmem:$0x8500] =	vst v63  }
0x45: {  	_ = 	snop  }
0x46: {  	[tilespmem:s17], [sflag:$0x1] =	stream.indirect_vreg.gather [hbm4b:s2+s3], $0x80, v3, vm0, $0xb8;
	[tilespmem:$0x8500] =	vst v63  }
0x47: {  	v3 =	vld [tilespmem:s26+$0x10];
	_ =	sdelay $0x4  }
0x48: {  	v61 =	vshll.u32 v3, $0x1  }
0x49: {  	v3 =	vand.u32 $0x7, v3;
	v4 =	vand.u32 $0xFFFFFFF0, v61  }
0x4a: {  	v3 =	vor.u32 v3, v4  }
0x4b: {  	v4 =	vperm.xlane v3, v0;
	_ =	sdelay $0x1  }
0x4c: {  	v3 =	vperm.xlane v3, v2;
	v4 =	vadd.s32 v1, v4;
	_ =	sdelay $0x1  }
0x4d: {  	v3 =	vadd.s32 v1, v3;
	_ =	sdelay $0x2  }
0x4e: {  	[tilespmem:s18], [sflag:$0x1] =	stream.indirect_vreg.gather [hbm4b:s2+s3], $0x80, v4, vm0, $0xb8;
	[tilespmem:$0x8500] =	vst v63  }
0x4f: {  	_ = 	snop  }
0x50: {  	[tilespmem:s19], [sflag:$0x1] =	stream.indirect_vreg.gather [hbm4b:s2+s3], $0x80, v3, vm0, $0xb8;
	[tilespmem:$0x8500] =	vst v63  }
0x51: {  	v3 =	vld [tilespmem:s26+$0x20];
	_ =	sdelay $0x4  }
0x52: {  	v62 =	vshll.u32 v3, $0x1  }
0x53: {  	v3 =	vand.u32 $0x7, v3;
	v4 =	vand.u32 $0xFFFFFFF0, v62  }
0x54: {  	v3 =	vor.u32 v3, v4  }
0x55: {  	v4 =	vperm.xlane v3, v0;
	_ =	sdelay $0x1  }
0x56: {  	v3 =	vperm.xlane v3, v2;
	v4 =	vadd.s32 v1, v4;
	_ =	sdelay $0x1  }
0x57: {  	v3 =	vadd.s32 v1, v3;
	_ =	sdelay $0x2  }
0x58: {  	[tilespmem:s20], [sflag:$0x1] =	stream.indirect_vreg.gather [hbm4b:s2+s3], $0x80, v4, vm0, $0xb8;
	[tilespmem:$0x8500] =	vst v63  }
0x59: {  	_ = 	snop  }
0x5a: {  	[tilespmem:s21], [sflag:$0x1] =	stream.indirect_vreg.gather [hbm4b:s2+s3], $0x80, v3, vm0, $0xb8;
	[tilespmem:$0x8500] =	vst v63  }
0x5b: {  	v3 =	vld [tilespmem:s26+$0x30];
	_ =	sdelay $0x4  }
0x5c: {  	v63 =	vshll.u32 v3, $0x1  }
0x5d: {  	v3 =	vand.u32 $0x7, v3;
	v4 =	vand.u32 $0xFFFFFFF0, v63  }
0x5e: {  	v3 =	vor.u32 v3, v4  }
0x5f: {  	v4 =	vperm.xlane v3, v0;
	_ =	sdelay $0x1  }
0x60: {  	v3 =	vperm.xlane v3, v2;
	v4 =	vadd.s32 v1, v4;
	_ =	sdelay $0x1  }
0x61: {  	v3 =	vadd.s32 v1, v3;
	_ =	sdelay $0x2  }
0x62: {  	[tilespmem:s22], [sflag:$0x1] =	stream.indirect_vreg.gather [hbm4b:s2+s3], $0x80, v4, vm0, $0xb8;
	[tilespmem:$0x8500] =	vst v63  }
0x63: {  	_ = 	snop  }
0x64: {  	[tilespmem:s23], [sflag:$0x1] =	stream.indirect_vreg.gather [hbm4b:s2+s3], $0x80, v3, vm0, $0xb8;
	[tilespmem:$0x8500] =	vst v63  }
0x65: {  	_ =	swait.ge [sflag:s24], $0x8000  }
0x66: {  	p0 =	sne.s32 s28, $0x9000;
	[sflag:s24] =	ssyncset.done $0x0  }
.Ltmp0:
0x67: {  	s29 =	sadd.s32 s28, s6;
	[sflag:s24] =	ssyncadd.s32 $0xFFFF8000;
	(pc) =	sbr.rel @p0 .LBB2_2-.Ltmp0, $4  }
0x68: {  	[hbm4b:s29+s3] =	stream.linear.scatter [tilespmem:s8], [sflag:$0x2], $0x8000, $0x38;
	[tilespmem:$0x8500] =	vst v63  }
0x69: {  	_ =	swait.ge [sflag:s7], $0x8000  }
0x6a: {  	[sflag:s7] =	ssyncset.done $0x0  }
0x6b: {  	s28 =	sadd.s32 $0x1000, s28;
	s26 =	sadd.s32 $0x80, s26;
	[sflag:s7] =	ssyncadd.s32 $0xFFFF8000  }
0x6c: {  	s25 =	sadd.s32 $0x1, s25  }
0x6d: {  	p0 =	sne.s32 s25, s5  }
.Ltmp1:
0x6e: {  	_ = 	snop;
	(pc) =	sbr.rel @p0 .LBB2_1-.Ltmp1, $1  }
0x6f: {  	_ =	sdelay $0x3  }
0x70: {  	_ =	sfence.sel $0x180000  }
0x71: {  	[bflag:$0x0] =	sbarrier.arrive $0xFFFF  }
0x72: {  	p0 =	sne.s32 s1, $0x0;
	_ =	strace $0x90000047  }
0x73: {  	s0 =	sadd.s32 @!p0 $0x100000, s0;
	[bflag:$0x2] =	sbarrier.arrive $0xFFFF  }
0x74: {  	[sflag:s0] =	ssyncadd.tile.s32 @!p0 $0x1;
	_ =	shalt  }
.Lfunc_end2:
_tile_overlayer_lowered:
.L_overlay_start_2:
0x75: {  	(tag) =	ssettag $0x2  }
0x76: {  	s0 =	rddreg [dreg:$0x0];
	s2 =	stileid.u32  }
0x77: {  	s1 =	rddreg [dreg:$0x1];
	p0 =	sne.s32 s2, $0x0  }
0x78: {  	s3 =	rddreg [dreg:$0x2];
	[bflag:$0x3] =	sbarrier.arrive $0xFFFF;
	s2 =	simm.s32 @!p0 $0x1C02  }
0x79: {  	[timem:s3], [sflag:s2] =	dma.local @!p0 [hbm:s0], s1  }
0x7a: {  	s0 =	simm.s32 @!p0 $0x2  }
0x7b: {  	_ =	swait.ge @!p0 [sflag:s0], s1  }
0x7c: {  	s1 =	ssub.s32 @!p0 $0x0, s1;
	[sflag:s0] =	ssyncset.done @!p0 $0x0  }
0x7d: {  	[sflag:s0] =	ssyncadd.s32 @!p0 s1  }
0x7e: {  	[bflag:$0x3] =	sbarrier.arrive $0xFFFF  }
0x7f: {  	_ =	shalt  }

// kernel: kernel.15.cloned.1.call-start
scs
__scs_entry_jumppad:
0x0: {  	(pc) =	sbr.rel $0x88, $3  }
0x1: {  	(tag) =	ssettag $0x0;
	lr =	simm.s32 $0x1  }
0x2: {  	[smem:$0x3F94] =	sst lr;
	_ =	strace $0xD0000000  }
0x3: {  	_ = 	snop  }
0x4: {  	_ = 	snop  }
0x5: {  	_ = 	snop  }
0x6: {  	_ = 	snop  }
0x7: {  	_ = 	snop  }
__scs_overlays_trampoline_lowered:
0x8: {  	[smem:$0x3FA3] =	sst s0  }
0x9: {  	[smem:$0x3FA4] =	sst s1  }
0xa: {  	[smem:$0x3FA5] =	sst s2  }
0xb: {  	[smem:$0x3FA6] =	sst s3  }
0xc: {  	[smem:$0x3FA7] =	sst s4  }
0xd: {  	[smem:$0x3FA8] =	sst s5  }
0xe: {  	[smem:$0x3FA9] =	sst s6  }
0xf: {  	[smem:$0x3FAA] =	sst s7  }
0x10: {  	[smem:$0x3FAB] =	sst s8  }
0x11: {  	[smem:$0x3FAC] =	sst s9;
	s0 =	simm.s32 @!p0 $0x0  }
0x12: {  	s1 =	sld [smem:$0x3F92];
	s0 =	simm.s32 @p0 $0x1  }
0x13: {  	[smem:$0x3FAD] =	sst s0;
	s0 =	simm.s32 @!p1 $0x0  }
0x14: {  	s2 =	sld [smem:$0x3F91];
	s0 =	simm.s32 @p1 $0x1  }
0x15: {  	[smem:$0x3FAE] =	sst s0;
	s0 =	simm.s32 @!p2 $0x0  }
0x16: {  	s3 =	sld [smem:$0x3FDB];
	s0 =	simm.s32 @p2 $0x1  }
0x17: {  	s4 =	simm.s32 $0x1BF5;
	[smem:$0x3FB0] =	sst s0  }
0x18: {  	s0 =	sld [smem:$0x3F93];
	_ =	swait.ge [sflag:s4], $0x0  }
0x19: {  	s7 =	sld [smem:$0x3F94]  }
0x1a: {  	s8 =	sadd.s32 $0xFFFFE003, lr  }
0x1b: {  	s9 =	sadd.s32 $0xFFFFFEF7, lr;
	s5 =	simm.s32 $0xFFFFFFFF;
	p2 =	slt.u32 s8, $0xFFFFF086  }
0x1c: {  	p1 =	slt.u32 s9, $0xF7A;
	s5 =	simm.s32 @!p2 $0x0  }
0x1d: {  	s5 =	simm.s32 @p1 $0x1;
	p0 =	seq.s32 s7, s2  }
0x1e: {  	s7 =	smul.u32 @!p0 $0xF7A, s2;
	p2 =	seq.s32 @!p0 s5, $0x0  }
0x1f: {  	s9 =	smul.u32 $0xF7A, s1;
	s8 =	simm.s32 @!p0 $0x1BF5;
	p2 =	por !p2, p0  }
0x20: {  	[sflag:s8] =	ssyncset.s32 @!p0 $0xFFFFF086;
	s6 =	sadd.s32 @!p0 s3, s7;
	s7 =	simm.s32 @!p0 $0x108  }
0x21: {  	s3 =	sadd.s32 s3, s9;
	s6 =	sadd.s32 @!p0 $0x88, s6;
	s7 =	simm.s32 @p2 $0x1082  }
0x22: {  	[simem:s7], [sflag:s8] =	dma.local @!p0 [hbm:s6], $0xF7A  }
0x23: {  	s9 =	sor.u32 $0xD0000000, s2;
	s6 =	simm.s32 $0x108;
	_ =	swait.ge @!p0 [sflag:s8], $0x0  }
0x24: {  	s3 =	sadd.s32 $0x88, s3;
	s6 =	simm.s32 @!p1 $0x1082;
	[sflag:s4] =	ssyncset.s32 $0xFFFFF086  }
0x25: {  	[simem:s6], [sflag:s4] =	dma.local [hbm:s3], $0xF7A  }
0x26: {  	[smem:$0x3F94] =	sst s1;
	(tag) =	ssettag s2;
	_ =	strace s9  }
0x27: {  	s1 =	sld [smem:$0x3FA4]  }
0x28: {  	s2 =	sld [smem:$0x3FA5]  }
0x29: {  	s4 =	sld [smem:$0x3FA7]  }
0x2a: {  	p0 =	seq.s32 s5, $0x0;
	s5 =	sld [smem:$0x3FA8]  }
0x2b: {  	s6 =	sld [smem:$0x3FA9]  }
0x2c: {  	s7 =	sld [smem:$0x3FAA]  }
0x2d: {  	s3 =	simm.s32 $0x108;
	s8 =	sld [smem:$0x3FAB]  }
0x2e: {  	s3 =	simm.s32 @!p0 $0x1082;
	s9 =	sld [smem:$0x3FAC]  }
0x2f: {  	lr =	sadd.s32 s0, s3;
	s0 =	sld [smem:$0x3FA3]  }
0x30: {  	s3 =	sld [smem:$0x3FA6]  }
0x31: {  	[smem:$0x3FAF] =	sst s10  }
0x32: {  	s10 =	sld [smem:$0x3FAD];
	_ =	sdelay $0x3  }
0x33: {  	p0 =	seq.s32 s10, $0x1;
	s10 =	sld [smem:$0x3FAF];
	_ =	sdelay $0x3  }
0x34: {  	[smem:$0x3FAF] =	sst s10  }
0x35: {  	s10 =	sld [smem:$0x3FAE];
	_ =	sdelay $0x3  }
0x36: {  	p1 =	seq.s32 s10, $0x1;
	s10 =	sld [smem:$0x3FAF];
	_ =	sdelay $0x3  }
0x37: {  	[smem:$0x3FAF] =	sst s10  }
0x38: {  	s10 =	sld [smem:$0x3FB0]  }
0x39: {  	_ = 	snop;
	(pc) =	sbr.ind lr, $3  }
0x3a: {  	_ = 	snop  }
0x3b: {  	_ = 	snop  }
0x3c: {  	p2 =	seq.s32 s10, $0x1;
	s10 =	sld [smem:$0x3FAF]  }
0x3d: {  	_ =	shalt  }
0x3e: {  	_ =	shalt  }
0x3f: {  	_ =	shalt  }
0x40: {  	_ =	shalt  }
0x41: {  	_ =	shalt  }
0x42: {  	_ =	shalt  }
0x43: {  	_ =	shalt  }
0x44: {  	_ =	shalt  }
0x45: {  	_ =	shalt  }
0x46: {  	_ =	shalt  }
0x47: {  	_ =	shalt  }
0x48: {  	_ =	shalt  }
0x49: {  	_ =	shalt  }
0x4a: {  	_ =	shalt  }
0x4b: {  	_ =	shalt  }
0x4c: {  	_ =	shalt  }
0x4d: {  	_ =	shalt  }
0x4e: {  	_ =	shalt  }
0x4f: {  	_ =	shalt  }
0x50: {  	_ =	shalt  }
0x51: {  	_ =	shalt  }
0x52: {  	_ =	shalt  }
0x53: {  	_ =	shalt  }
0x54: {  	_ =	shalt  }
0x55: {  	_ =	shalt  }
0x56: {  	_ =	shalt  }
0x57: {  	_ =	shalt  }
0x58: {  	_ =	shalt  }
0x59: {  	_ =	shalt  }
0x5a: {  	_ =	shalt  }
0x5b: {  	_ =	shalt  }
0x5c: {  	_ =	shalt  }
0x5d: {  	_ =	shalt  }
0x5e: {  	_ =	shalt  }
0x5f: {  	_ =	shalt  }
0x60: {  	_ =	shalt  }
0x61: {  	_ =	shalt  }
0x62: {  	_ =	shalt  }
0x63: {  	_ =	shalt  }
0x64: {  	_ =	shalt  }
0x65: {  	_ =	shalt  }
0x66: {  	_ =	shalt  }
0x67: {  	_ =	shalt  }
0x68: {  	_ =	shalt  }
0x69: {  	_ =	shalt  }
0x6a: {  	_ =	shalt  }
0x6b: {  	_ =	shalt  }
0x6c: {  	_ =	shalt  }
0x6d: {  	_ =	shalt  }
0x6e: {  	_ =	shalt  }
0x6f: {  	_ =	shalt  }
0x70: {  	_ =	shalt  }
0x71: {  	_ =	shalt  }
0x72: {  	_ =	shalt  }
0x73: {  	_ =	shalt  }
0x74: {  	_ =	shalt  }
0x75: {  	_ =	shalt  }
0x76: {  	_ =	shalt  }
0x77: {  	_ =	shalt  }
0x78: {  	_ =	shalt  }
0x79: {  	_ =	shalt  }
0x7a: {  	_ =	shalt  }
0x7b: {  	_ =	shalt  }
0x7c: {  	_ =	shalt  }
0x7d: {  	_ =	shalt  }
0x7e: {  	_ =	shalt  }
0x7f: {  	_ =	shalt  }
0x80: {  	_ =	shalt  }
0x81: {  	_ =	shalt  }
0x82: {  	_ =	shalt  }
0x83: {  	_ =	shalt  }
0x84: {  	_ =	shalt  }
0x85: {  	_ =	shalt  }
0x86: {  	_ =	shalt  }
0x87: {  	_ =	shalt  }
.Lfunc_end0:
.L_simem_size_0:
called_computation.1_lowered:
.L_overlay_start_0:
0x88: {  	s2 =	sld [smem:$0x3FD9]  }
0x89: {  	s3 =	sld [smem:$0x3FFE];
	_ =	sdelay $0x1  }
0x8a: {  	s1 =	srdreg.scid  }
0x8b: {  	s0 =	sand.u32 $0x1, s1  }
0x8c: {  	s17 =	sshll.u32 s0, $0xA;
	s2 =	sadd.s32 s3, s2  }
0x8d: {  	s2 =	sadd.s32 s2, s17  }
0x8e: {  	[smem:$0x3FBB] =	sst s2  }
0x8f: {  	_ = 	snop  }
0x90: {  	s18 =	sld [smem:$0x3FC4];
	(tm) =	ssettm $0x1  }
0x91: {  	s19 =	sld [smem:$0x3FFB];
	_ =	sdelay $0x3  }
0x92: {  	_ =	strace s19  }
0x93: {  	s2 =	sld [smem:$0x3FFC];
	_ =	sdelay $0x3  }
0x94: {  	_ =	strace s2  }
0x95: {  	s2 =	sld [smem:$0x3FFD];
	_ =	sdelay $0x3  }
0x96: {  	_ =	strace s2  }
0x97: {  	_ =	strace $0x8FFFFFFF  }
0x98: {  	s20 =	sld [smem:$0x3FDB];
	_ =	sdelay $0x1  }
0x99: {  	s4 =	simm.s32 $_scs_section_size  }
0x9a: {  	s5 =	simm.s32 $_size__tile_overlayer_lowered;
	s6 =	simm.s32 $_tile_overlayer_lowered  }
0x9b: {  	s7 =	simm.s32 $0x1BFF;
	s21 =	sshll.u32 s6, $0x1;
	s4 =	sadd.s32 s4, s20  }
0x9c: {  	s22 =	simm.s32 $0x0;
	s5 =	sshll.u32 s5, $0x1;
	s6 =	sadd.s32 s21, s4  }
0x9d: {  	[timem:s22], [sflag:s7] =	dma.local [hbm:s6], s5  }
0x9e: {  	_ =	swait.ge [sflag:s7], s5  }
0x9f: {  	s5 =	ssub.s32 $0x0, s5;
	[sflag:s7] =	ssyncset.done $0x0  }
0xa0: {  	[sflag:s7] =	ssyncadd.s32 s5;
	_ =	sdelay $0x1  }
0xa1: {  	s23 =	simm.s32 $0x1B8B  }
0xa2: {  	_ =	swait.ge [sflag:s23], $0x1  }
0xa3: {  	[sflag:s23] =	ssyncset.done $0x0  }
0xa4: {  	[sflag:s23] =	ssyncadd.s32 $0xFFFFFFFF  }
0xa5: {  	s5 =	sld [smem:$0x0]  }
0xa6: {  	s6 =	sand.u32 $0xFFFFFFFE, s1  }
0xa7: {  	p0 =	sne.s32 s1, s6  }
0xa8: {  	s6 =	sshll.u32 @p0 s6, $0xE  }
0xa9: {  	s6 =	sadd.s32 @p0 $0x11B8D, s6;
	s7 =	sshll.u32 @p0 s5, $0x11  }
0xaa: {  	s6 =	sor.u32 @p0 s7, s6  }
0xab: {  	[sflag:s6] =	ssyncadd.remote.s32 @p0 $0x1;
	_ =	sdelay $0x1  }
0xac: {  	s6 =	simm.s32 @p0 $0x1B8D  }
0xad: {  	_ =	swait.eq @p0 [sflag:s6], $0x1  }
0xae: {  	[sflag:s6] =	ssyncadd.s32 @p0 $0xFFFFFFFF  }
0xaf: {  	s7 =	sshll.u32 @!p0 s1, $0xE  }
0xb0: {  	s7 =	sor.u32 @!p0 $0x4000, s7;
	s6 =	simm.s32 @!p0 $0x1B8D  }
0xb1: {  	s5 =	sshll.u32 @!p0 s5, $0x11;
	s7 =	sadd.s32 @!p0 $0x11B8D, s7;
	_ =	swait.eq @!p0 [sflag:s6], $0x1  }
0xb2: {  	s5 =	sor.u32 @!p0 s5, s7;
	[sflag:s6] =	ssyncadd.s32 @!p0 $0xFFFFFFFF  }
0xb3: {  	s25 =	simm.s32 $0x1B8E;
	s24 =	sld [smem:$0x3FFE];
	[sflag:s5] =	ssyncadd.remote.s32 @!p0 $0x1  }
0xb4: {  	s26 =	simm.s32 $execute0_lowered;
	[smem:$0x3FD2] =	sst s25  }
0xb5: {  	s6 =	sshll.u32 s26, $0x1;
	_ =	strace $0x80000049;
	[dreg:$0x1] =	wrdreg $0xFFFFFFFF  }
0xb6: {  	s28 =	simm.s32 $_size_execute0_lowered;
	s4 =	sadd.s32 s4, s6;
	[dreg:$0x0] =	wrdreg $0x0  }
0xb7: {  	s6 =	sshll.u32 s28, $0x1;
	[dreg:$0x2] =	wrdreg s4  }
0xb8: {  	[dreg:$0x3] =	wrdreg s6  }
0xb9: {  	[dreg:$0x4] =	wrdreg $0xC0  }
0xba: {  	_ =	task [dreg:s22], $0x5FFFF  }
0xbb: {  	[dreg:$0x1] =	wrdreg $0xFFFFFFFF  }
0xbc: {  	[dreg:$0x0] =	wrdreg $0x60  }
0xbd: {  	[dreg:$0x2] =	wrdreg s18  }
0xbe: {  	[dreg:$0x3] =	wrdreg s24  }
0xbf: {  	[dreg:$0x4] =	wrdreg $0xA  }
0xc0: {  	_ =	task.clear_ibuf [dreg:s22], $0x5FFFF;
	_ =	strace $0x90000049  }
0xc1: {  	s29 =	simm.s32 $0xA;
	_ =	strace $0x8000004B  }
0xc2: {  	_ =	swait.ge [sflag:s29], $0x1  }
0xc3: {  	[sflag:s29] =	ssyncadd.s32 $0xFFFFFFFF  }
0xc4: {  	_ =	strace $0x9000004B  }
0xc5: {  	_ =	sfence  }
0xc6: {  	s30 =	sld [smem:$0x0];
	_ =	sdelay $0x2  }
0xc7: {  	s31 =	sshll.u32 s1, $0xD;
	s1 =	sshrl.u32 s1, $0x2  }
0xc8: {  	s4 =	sand.u32 $0x4000, s31;
	s1 =	sadd.s32 s1, s30  }
0xc9: {  	s0 =	sor.u32 s4, s0;
	s1 =	sshll.u32 s1, $0x11  }
0xca: {  	s0 =	sor.u32 s1, s0  }
0xcb: {  	s0 =	sadd.s32 $0x8F2B, s0  }
0xcc: {  	[sflag:s0] =	ssyncadd.remote.s32 $0x1  }
0xcd: {  	_ =	sfence.sel $0xFFFF  }
0xce: {  	[dreg:$0x0] =	wrdreg $0xFFFFFFFF;
	(pc) =	sbr.abs _section_cstart, $3  }
0xcf: {  	[dreg:$0x1] =	wrdreg $0xFFFFFFFF  }
0xd0: {  	_ =	task.clear_ibuf [dreg:s22], $0x2FFFF;
	_ =	strace $0x9FFFFFFF  }
0xd1: {  	(tm) =	ssettm $0x7FFFFFFF  }
tec
execute0_lowered:
.L_overlay_start_1:
0x0: {  	(tag) =	ssettag $0x1  }
0x1: {  	s2 =	rddreg [dreg:$0x0]  }
0x2: {  	s4 =	rddreg [dreg:$0x1]  }
0x3: {  	s0 =	rddreg [dreg:$0x2];
	s3 =	srdreg.scid  }
0x4: {  	s1 =	stileid.u32;
	s9 =	simm.s32 $0xD00;
	s10 =	simm.s32 $0x1500  }
0x5: {  	s11 =	simm.s32 $0x1D00;
	s12 =	simm.s32 $0x2500;
	s13 =	simm.s32 $0x2D00  }
0x6: {  	s14 =	simm.s32 $0x3500;
	s15 =	simm.s32 $0x3D00;
	s16 =	simm.s32 $0x4500  }
0x7: {  	s17 =	simm.s32 $0x4D00;
	s18 =	simm.s32 $0x5500;
	s19 =	simm.s32 $0x5D00  }
0x8: {  	s20 =	simm.s32 $0x6500;
	s21 =	simm.s32 $0x6D00;
	s22 =	simm.s32 $0x7500  }
0x9: {  	s23 =	simm.s32 $0x7D00;
	s24 =	simm.s32 $0x1;
	s25 =	simm.s32 $0x0  }
0xa: {  	s5 =	sand.u32 $0x1, s3;
	s6 =	sshll.u32 s1, $0x1;
	s7 =	smul.u32 $0xA0000, s1  }
0xb: {  	s3 =	simm.s32 $0x0;
	s6 =	sor.u32 s5, s6;
	s8 =	smul.u32 $0x50000, s5  }
0xc: {  	[smem:$0x7FF] =	sst s3;
	s5 =	ssub.s32 $0x2, s5;
	s6 =	smul.u32 $0xA0, s6  }
0xd: {  	_ =	strace $0x8000004A;
	s31 =	sshrl.u32 s5, $0x1;
	s7 =	sadd.s32 s8, s7  }
0xe: {  	v2 =	vlaneseq.u32;
	s5 =	ssub.s32 s5, s31;
	s8 =	simm.s32 $0x500;
	s7 =	sshrl.u32 s7, $0x3  }
0xf: {  	vm0 =	vmmov $0xffff;
	v1 =	vshrl.u32 v2, $0x3;
	s6 =	sadd.s32 s6, s4;
	s5 =	smax.u32 s5, $0x1;
	s7 =	sadd.s32 s7, s4  }
0x10: {  	v0 =	vand.u32 $0x7, v2;
	v2 =	vor.u32 $0x8, v2;
	v1 =	vmul.u32 $0x8, v1;
	s4 =	sadd.s32 $0x145200, s6;
	s6 =	sadd.s32 $0x14A200, s7;
	s7 =	simm.s32 $0x2  }
.LBB2_1:
0x11: {  	[tilespmem:s3], [sflag:$0x2] =	stream.linear.gather [hbm4b:s4+s3], $0x500, $0x38;
	[tilespmem:$0x8500] =	vst v63  }
0x12: {  	_ =	swait.ge [sflag:s7], $0x500  }
0x13: {  	[sflag:s7] =	ssyncset.done $0x0  }
0x14: {  	s26 =	simm.s32 $0x40;
	s28 =	simm.s32 $0x0;
	[sflag:s7] =	ssyncadd.s32 $0xFFFFFB00  }
.LBB2_2:
0x15: {  	v3 =	vld [tilespmem:s26+$0xFFFFFFC0];
	_ =	sdelay $0x4  }
0x16: {  	v4 =	vshll.u32 v3, $0x1  }
0x17: {  	v3 =	vand.u32 $0x7, v3;
	v4 =	vand.u32 $0xFFFFFFF0, v4  }
0x18: {  	v3 =	vor.u32 v3, v4  }
0x19: {  	v4 =	vperm.xlane v3, v0;
	_ =	sdelay $0x1  }
0x1a: {  	v3 =	vperm.xlane v3, v2;
	v4 =	vadd.s32 v1, v4;
	_ =	sdelay $0x1  }
0x1b: {  	v3 =	vadd.s32 v1, v3;
	_ =	sdelay $0x2  }
0x1c: {  	[tilespmem:s8], [sflag:$0x1] =	stream.indirect_vreg.gather [hbm4b:s2+s3], $0x80, v4, vm0, $0xb8;
	[tilespmem:$0x8500] =	vst v63  }
0x1d: {  	_ = 	snop  }
0x1e: {  	[tilespmem:s9], [sflag:$0x1] =	stream.indirect_vreg.gather [hbm4b:s2+s3], $0x80, v3, vm0, $0xb8;
	[tilespmem:$0x8500] =	vst v63  }
0x1f: {  	v3 =	vld [tilespmem:s26+$0xFFFFFFD0];
	_ =	sdelay $0x4  }
0x20: {  	v57 =	vshll.u32 v3, $0x1  }
0x21: {  	v3 =	vand.u32 $0x7, v3;
	v4 =	vand.u32 $0xFFFFFFF0, v57  }
0x22: {  	v3 =	vor.u32 v3, v4  }
0x23: {  	v4 =	vperm.xlane v3, v0;
	_ =	sdelay $0x1  }
0x24: {  	v3 =	vperm.xlane v3, v2;
	v4 =	vadd.s32 v1, v4;
	_ =	sdelay $0x1  }
0x25: {  	v3 =	vadd.s32 v1, v3;
	_ =	sdelay $0x2  }
0x26: {  	[tilespmem:s10], [sflag:$0x1] =	stream.indirect_vreg.gather [hbm4b:s2+s3], $0x80, v4, vm0, $0xb8;
	[tilespmem:$0x8500] =	vst v63  }
0x27: {  	_ = 	snop  }
0x28: {  	[tilespmem:s11], [sflag:$0x1] =	stream.indirect_vreg.gather [hbm4b:s2+s3], $0x80, v3, vm0, $0xb8;
	[tilespmem:$0x8500] =	vst v63  }
0x29: {  	v3 =	vld [tilespmem:s26+$0xFFFFFFE0];
	_ =	sdelay $0x4  }
0x2a: {  	v58 =	vshll.u32 v3, $0x1  }
0x2b: {  	v3 =	vand.u32 $0x7, v3;
	v4 =	vand.u32 $0xFFFFFFF0, v58  }
0x2c: {  	v3 =	vor.u32 v3, v4  }
0x2d: {  	v4 =	vperm.xlane v3, v0;
	_ =	sdelay $0x1  }
0x2e: {  	v3 =	vperm.xlane v3, v2;
	v4 =	vadd.s32 v1, v4;
	_ =	sdelay $0x1  }
0x2f: {  	v3 =	vadd.s32 v1, v3;
	_ =	sdelay $0x2  }
0x30: {  	[tilespmem:s12], [sflag:$0x1] =	stream.indirect_vreg.gather [hbm4b:s2+s3], $0x80, v4, vm0, $0xb8;
	[tilespmem:$0x8500] =	vst v63  }
0x31: {  	_ = 	snop  }
0x32: {  	[tilespmem:s13], [sflag:$0x1] =	stream.indirect_vreg.gather [hbm4b:s2+s3], $0x80, v3, vm0, $0xb8;
	[tilespmem:$0x8500] =	vst v63  }
0x33: {  	v3 =	vld [tilespmem:s26+$0xFFFFFFF0];
	_ =	sdelay $0x4  }
0x34: {  	v59 =	vshll.u32 v3, $0x1  }
0x35: {  	v3 =	vand.u32 $0x7, v3;
	v4 =	vand.u32 $0xFFFFFFF0, v59  }
0x36: {  	v3 =	vor.u32 v3, v4  }
0x37: {  	v4 =	vperm.xlane v3, v0;
	_ =	sdelay $0x1  }
0x38: {  	v3 =	vperm.xlane v3, v2;
	v4 =	vadd.s32 v1, v4;
	_ =	sdelay $0x1  }
0x39: {  	v3 =	vadd.s32 v1, v3;
	_ =	sdelay $0x2  }
0x3a: {  	[tilespmem:s14], [sflag:$0x1] =	stream.indirect_vreg.gather [hbm4b:s2+s3], $0x80, v4, vm0, $0xb8;
	[tilespmem:$0x8500] =	vst v63  }
0x3b: {  	_ = 	snop  }
0x3c: {  	[tilespmem:s15], [sflag:$0x1] =	stream.indirect_vreg.gather [hbm4b:s2+s3], $0x80, v3, vm0, $0xb8;
	[tilespmem:$0x8500] =	vst v63  }
0x3d: {  	v3 =	vld [tilespmem:s26+$0x0];
	_ =	sdelay $0x4  }
0x3e: {  	v60 =	vshll.u32 v3, $0x1  }
0x3f: {  	v3 =	vand.u32 $0x7, v3;
	v4 =	vand.u32 $0xFFFFFFF0, v60  }
0x40: {  	v3 =	vor.u32 v3, v4  }
0x41: {  	v4 =	vperm.xlane v3, v0;
	_ =	sdelay $0x1  }
0x42: {  	v3 =	vperm.xlane v3, v2;
	v4 =	vadd.s32 v1, v4;
	_ =	sdelay $0x1  }
0x43: {  	v3 =	vadd.s32 v1, v3;
	_ =	sdelay $0x2  }
0x44: {  	[tilespmem:s16], [sflag:$0x1] =	stream.indirect_vreg.gather [hbm4b:s2+s3], $0x80, v4, vm0, $0xb8;
	[tilespmem:$0x8500] =	vst v63  }
0x45: {  	_ = 	snop  }
0x46: {  	[tilespmem:s17], [sflag:$0x1] =	stream.indirect_vreg.gather [hbm4b:s2+s3], $0x80, v3, vm0, $0xb8;
	[tilespmem:$0x8500] =	vst v63  }
0x47: {  	v3 =	vld [tilespmem:s26+$0x10];
	_ =	sdelay $0x4  }
0x48: {  	v61 =	vshll.u32 v3, $0x1  }
0x49: {  	v3 =	vand.u32 $0x7, v3;
	v4 =	vand.u32 $0xFFFFFFF0, v61  }
0x4a: {  	v3 =	vor.u32 v3, v4  }
0x4b: {  	v4 =	vperm.xlane v3, v0;
	_ =	sdelay $0x1  }
0x4c: {  	v3 =	vperm.xlane v3, v2;
	v4 =	vadd.s32 v1, v4;
	_ =	sdelay $0x1  }
0x4d: {  	v3 =	vadd.s32 v1, v3;
	_ =	sdelay $0x2  }
0x4e: {  	[tilespmem:s18], [sflag:$0x1] =	stream.indirect_vreg.gather [hbm4b:s2+s3], $0x80, v4, vm0, $0xb8;
	[tilespmem:$0x8500] =	vst v63  }
0x4f: {  	_ = 	snop  }
0x50: {  	[tilespmem:s19], [sflag:$0x1] =	stream.indirect_vreg.gather [hbm4b:s2+s3], $0x80, v3, vm0, $0xb8;
	[tilespmem:$0x8500] =	vst v63  }
0x51: {  	v3 =	vld [tilespmem:s26+$0x20];
	_ =	sdelay $0x4  }
0x52: {  	v62 =	vshll.u32 v3, $0x1  }
0x53: {  	v3 =	vand.u32 $0x7, v3;
	v4 =	vand.u32 $0xFFFFFFF0, v62  }
0x54: {  	v3 =	vor.u32 v3, v4  }
0x55: {  	v4 =	vperm.xlane v3, v0;
	_ =	sdelay $0x1  }
0x56: {  	v3 =	vperm.xlane v3, v2;
	v4 =	vadd.s32 v1, v4;
	_ =	sdelay $0x1  }
0x57: {  	v3 =	vadd.s32 v1, v3;
	_ =	sdelay $0x2  }
0x58: {  	[tilespmem:s20], [sflag:$0x1] =	stream.indirect_vreg.gather [hbm4b:s2+s3], $0x80, v4, vm0, $0xb8;
	[tilespmem:$0x8500] =	vst v63  }
0x59: {  	_ = 	snop  }
0x5a: {  	[tilespmem:s21], [sflag:$0x1] =	stream.indirect_vreg.gather [hbm4b:s2+s3], $0x80, v3, vm0, $0xb8;
	[tilespmem:$0x8500] =	vst v63  }
0x5b: {  	v3 =	vld [tilespmem:s26+$0x30];
	_ =	sdelay $0x4  }
0x5c: {  	v63 =	vshll.u32 v3, $0x1  }
0x5d: {  	v3 =	vand.u32 $0x7, v3;
	v4 =	vand.u32 $0xFFFFFFF0, v63  }
0x5e: {  	v3 =	vor.u32 v3, v4  }
0x5f: {  	v4 =	vperm.xlane v3, v0;
	_ =	sdelay $0x1  }
0x60: {  	v3 =	vperm.xlane v3, v2;
	v4 =	vadd.s32 v1, v4;
	_ =	sdelay $0x1  }
0x61: {  	v3 =	vadd.s32 v1, v3;
	_ =	sdelay $0x2  }
0x62: {  	[tilespmem:s22], [sflag:$0x1] =	stream.indirect_vreg.gather [hbm4b:s2+s3], $0x80, v4, vm0, $0xb8;
	[tilespmem:$0x8500] =	vst v63  }
0x63: {  	_ = 	snop  }
0x64: {  	[tilespmem:s23], [sflag:$0x1] =	stream.indirect_vreg.gather [hbm4b:s2+s3], $0x80, v3, vm0, $0xb8;
	[tilespmem:$0x8500] =	vst v63  }
0x65: {  	_ =	swait.ge [sflag:s24], $0x8000  }
0x66: {  	p0 =	sne.s32 s28, $0x9000;
	[sflag:s24] =	ssyncset.done $0x0  }
.Ltmp0:
0x67: {  	s29 =	sadd.s32 s28, s6;
	[sflag:s24] =	ssyncadd.s32 $0xFFFF8000;
	(pc) =	sbr.rel @p0 .LBB2_2-.Ltmp0, $4  }
0x68: {  	[hbm4b:s29+s3] =	stream.linear.scatter [tilespmem:s8], [sflag:$0x2], $0x8000, $0x38;
	[tilespmem:$0x8500] =	vst v63  }
0x69: {  	_ =	swait.ge [sflag:s7], $0x8000  }
0x6a: {  	[sflag:s7] =	ssyncset.done $0x0  }
0x6b: {  	s28 =	sadd.s32 $0x1000, s28;
	s26 =	sadd.s32 $0x80, s26;
	[sflag:s7] =	ssyncadd.s32 $0xFFFF8000  }
0x6c: {  	s25 =	sadd.s32 $0x1, s25  }
0x6d: {  	p0 =	sne.s32 s25, s5  }
.Ltmp1:
0x6e: {  	_ = 	snop;
	(pc) =	sbr.rel @p0 .LBB2_1-.Ltmp1, $1  }
0x6f: {  	_ =	sdelay $0x3  }
0x70: {  	_ =	sfence.sel $0x180000  }
0x71: {  	[bflag:$0x0] =	sbarrier.arrive $0xFFFF  }
0x72: {  	p0 =	sne.s32 s1, $0x0;
	_ =	strace $0x9000004A  }
0x73: {  	s0 =	sadd.s32 @!p0 $0x100000, s0;
	[bflag:$0x2] =	sbarrier.arrive $0xFFFF  }
0x74: {  	[sflag:s0] =	ssyncadd.tile.s32 @!p0 $0x1;
	_ =	shalt  }
.Lfunc_end2:
_tile_overlayer_lowered:
.L_overlay_start_2:
0x75: {  	(tag) =	ssettag $0x2  }
0x76: {  	s0 =	rddreg [dreg:$0x0];
	s2 =	stileid.u32  }
0x77: {  	s1 =	rddreg [dreg:$0x1];
	p0 =	sne.s32 s2, $0x0  }
0x78: {  	s3 =	rddreg [dreg:$0x2];
	[bflag:$0x3] =	sbarrier.arrive $0xFFFF;
	s2 =	simm.s32 @!p0 $0x1C02  }
0x79: {  	[timem:s3], [sflag:s2] =	dma.local @!p0 [hbm:s0], s1  }
0x7a: {  	s0 =	simm.s32 @!p0 $0x2  }
0x7b: {  	_ =	swait.ge @!p0 [sflag:s0], s1  }
0x7c: {  	s1 =	ssub.s32 @!p0 $0x0, s1;
	[sflag:s0] =	ssyncset.done @!p0 $0x0  }
0x7d: {  	[sflag:s0] =	ssyncadd.s32 @!p0 s1  }
0x7e: {  	[bflag:$0x3] =	sbarrier.arrive $0xFFFF  }
0x7f: {  	_ =	shalt  }

// kernel: kernel.18.cloned.1.call-start
scs
__scs_entry_jumppad:
0x0: {  	(pc) =	sbr.rel $0x88, $3  }
0x1: {  	(tag) =	ssettag $0x0;
	lr =	simm.s32 $0x1  }
0x2: {  	[smem:$0x3F94] =	sst lr;
	_ =	strace $0xD0000000  }
0x3: {  	_ = 	snop  }
0x4: {  	_ = 	snop  }
0x5: {  	_ = 	snop  }
0x6: {  	_ = 	snop  }
0x7: {  	_ = 	snop  }
__scs_overlays_trampoline_lowered:
0x8: {  	[smem:$0x3FA3] =	sst s0  }
0x9: {  	[smem:$0x3FA4] =	sst s1  }
0xa: {  	[smem:$0x3FA5] =	sst s2  }
0xb: {  	[smem:$0x3FA6] =	sst s3  }
0xc: {  	[smem:$0x3FA7] =	sst s4  }
0xd: {  	[smem:$0x3FA8] =	sst s5  }
0xe: {  	[smem:$0x3FA9] =	sst s6  }
0xf: {  	[smem:$0x3FAA] =	sst s7  }
0x10: {  	[smem:$0x3FAB] =	sst s8  }
0x11: {  	[smem:$0x3FAC] =	sst s9;
	s0 =	simm.s32 @!p0 $0x0  }
0x12: {  	s1 =	sld [smem:$0x3F92];
	s0 =	simm.s32 @p0 $0x1  }
0x13: {  	[smem:$0x3FAD] =	sst s0;
	s0 =	simm.s32 @!p1 $0x0  }
0x14: {  	s2 =	sld [smem:$0x3F91];
	s0 =	simm.s32 @p1 $0x1  }
0x15: {  	[smem:$0x3FAE] =	sst s0;
	s0 =	simm.s32 @!p2 $0x0  }
0x16: {  	s3 =	sld [smem:$0x3FDB];
	s0 =	simm.s32 @p2 $0x1  }
0x17: {  	s4 =	simm.s32 $0x1BF5;
	[smem:$0x3FB0] =	sst s0  }
0x18: {  	s0 =	sld [smem:$0x3F93];
	_ =	swait.ge [sflag:s4], $0x0  }
0x19: {  	s7 =	sld [smem:$0x3F94]  }
0x1a: {  	s8 =	sadd.s32 $0xFFFFE003, lr  }
0x1b: {  	s9 =	sadd.s32 $0xFFFFFEF7, lr;
	s5 =	simm.s32 $0xFFFFFFFF;
	p2 =	slt.u32 s8, $0xFFFFF086  }
0x1c: {  	p1 =	slt.u32 s9, $0xF7A;
	s5 =	simm.s32 @!p2 $0x0  }
0x1d: {  	s5 =	simm.s32 @p1 $0x1;
	p0 =	seq.s32 s7, s2  }
0x1e: {  	s7 =	smul.u32 @!p0 $0xF7A, s2;
	p2 =	seq.s32 @!p0 s5, $0x0  }
0x1f: {  	s9 =	smul.u32 $0xF7A, s1;
	s8 =	simm.s32 @!p0 $0x1BF5;
	p2 =	por !p2, p0  }
0x20: {  	[sflag:s8] =	ssyncset.s32 @!p0 $0xFFFFF086;
	s6 =	sadd.s32 @!p0 s3, s7;
	s7 =	simm.s32 @!p0 $0x108  }
0x21: {  	s3 =	sadd.s32 s3, s9;
	s6 =	sadd.s32 @!p0 $0x88, s6;
	s7 =	simm.s32 @p2 $0x1082  }
0x22: {  	[simem:s7], [sflag:s8] =	dma.local @!p0 [hbm:s6], $0xF7A  }
0x23: {  	s9 =	sor.u32 $0xD0000000, s2;
	s6 =	simm.s32 $0x108;
	_ =	swait.ge @!p0 [sflag:s8], $0x0  }
0x24: {  	s3 =	sadd.s32 $0x88, s3;
	s6 =	simm.s32 @!p1 $0x1082;
	[sflag:s4] =	ssyncset.s32 $0xFFFFF086  }
0x25: {  	[simem:s6], [sflag:s4] =	dma.local [hbm:s3], $0xF7A  }
0x26: {  	[smem:$0x3F94] =	sst s1;
	(tag) =	ssettag s2;
	_ =	strace s9  }
0x27: {  	s1 =	sld [smem:$0x3FA4]  }
0x28: {  	s2 =	sld [smem:$0x3FA5]  }
0x29: {  	s4 =	sld [smem:$0x3FA7]  }
0x2a: {  	p0 =	seq.s32 s5, $0x0;
	s5 =	sld [smem:$0x3FA8]  }
0x2b: {  	s6 =	sld [smem:$0x3FA9]  }
0x2c: {  	s7 =	sld [smem:$0x3FAA]  }
0x2d: {  	s3 =	simm.s32 $0x108;
	s8 =	sld [smem:$0x3FAB]  }
0x2e: {  	s3 =	simm.s32 @!p0 $0x1082;
	s9 =	sld [smem:$0x3FAC]  }
0x2f: {  	lr =	sadd.s32 s0, s3;
	s0 =	sld [smem:$0x3FA3]  }
0x30: {  	s3 =	sld [smem:$0x3FA6]  }
0x31: {  	[smem:$0x3FAF] =	sst s10  }
0x32: {  	s10 =	sld [smem:$0x3FAD];
	_ =	sdelay $0x3  }
0x33: {  	p0 =	seq.s32 s10, $0x1;
	s10 =	sld [smem:$0x3FAF];
	_ =	sdelay $0x3  }
0x34: {  	[smem:$0x3FAF] =	sst s10  }
0x35: {  	s10 =	sld [smem:$0x3FAE];
	_ =	sdelay $0x3  }
0x36: {  	p1 =	seq.s32 s10, $0x1;
	s10 =	sld [smem:$0x3FAF];
	_ =	sdelay $0x3  }
0x37: {  	[smem:$0x3FAF] =	sst s10  }
0x38: {  	s10 =	sld [smem:$0x3FB0]  }
0x39: {  	_ = 	snop;
	(pc) =	sbr.ind lr, $3  }
0x3a: {  	_ = 	snop  }
0x3b: {  	_ = 	snop  }
0x3c: {  	p2 =	seq.s32 s10, $0x1;
	s10 =	sld [smem:$0x3FAF]  }
0x3d: {  	_ =	shalt  }
0x3e: {  	_ =	shalt  }
0x3f: {  	_ =	shalt  }
0x40: {  	_ =	shalt  }
0x41: {  	_ =	shalt  }
0x42: {  	_ =	shalt  }
0x43: {  	_ =	shalt  }
0x44: {  	_ =	shalt  }
0x45: {  	_ =	shalt  }
0x46: {  	_ =	shalt  }
0x47: {  	_ =	shalt  }
0x48: {  	_ =	shalt  }
0x49: {  	_ =	shalt  }
0x4a: {  	_ =	shalt  }
0x4b: {  	_ =	shalt  }
0x4c: {  	_ =	shalt  }
0x4d: {  	_ =	shalt  }
0x4e: {  	_ =	shalt  }
0x4f: {  	_ =	shalt  }
0x50: {  	_ =	shalt  }
0x51: {  	_ =	shalt  }
0x52: {  	_ =	shalt  }
0x53: {  	_ =	shalt  }
0x54: {  	_ =	shalt  }
0x55: {  	_ =	shalt  }
0x56: {  	_ =	shalt  }
0x57: {  	_ =	shalt  }
0x58: {  	_ =	shalt  }
0x59: {  	_ =	shalt  }
0x5a: {  	_ =	shalt  }
0x5b: {  	_ =	shalt  }
0x5c: {  	_ =	shalt  }
0x5d: {  	_ =	shalt  }
0x5e: {  	_ =	shalt  }
0x5f: {  	_ =	shalt  }
0x60: {  	_ =	shalt  }
0x61: {  	_ =	shalt  }
0x62: {  	_ =	shalt  }
0x63: {  	_ =	shalt  }
0x64: {  	_ =	shalt  }
0x65: {  	_ =	shalt  }
0x66: {  	_ =	shalt  }
0x67: {  	_ =	shalt  }
0x68: {  	_ =	shalt  }
0x69: {  	_ =	shalt  }
0x6a: {  	_ =	shalt  }
0x6b: {  	_ =	shalt  }
0x6c: {  	_ =	shalt  }
0x6d: {  	_ =	shalt  }
0x6e: {  	_ =	shalt  }
0x6f: {  	_ =	shalt  }
0x70: {  	_ =	shalt  }
0x71: {  	_ =	shalt  }
0x72: {  	_ =	shalt  }
0x73: {  	_ =	shalt  }
0x74: {  	_ =	shalt  }
0x75: {  	_ =	shalt  }
0x76: {  	_ =	shalt  }
0x77: {  	_ =	shalt  }
0x78: {  	_ =	shalt  }
0x79: {  	_ =	shalt  }
0x7a: {  	_ =	shalt  }
0x7b: {  	_ =	shalt  }
0x7c: {  	_ =	shalt  }
0x7d: {  	_ =	shalt  }
0x7e: {  	_ =	shalt  }
0x7f: {  	_ =	shalt  }
0x80: {  	_ =	shalt  }
0x81: {  	_ =	shalt  }
0x82: {  	_ =	shalt  }
0x83: {  	_ =	shalt  }
0x84: {  	_ =	shalt  }
0x85: {  	_ =	shalt  }
0x86: {  	_ =	shalt  }
0x87: {  	_ =	shalt  }
.Lfunc_end0:
.L_simem_size_0:
called_computation.2_lowered:
.L_overlay_start_0:
0x88: {  	s2 =	sld [smem:$0x3FD9]  }
0x89: {  	s3 =	sld [smem:$0x3FFE];
	_ =	sdelay $0x1  }
0x8a: {  	s1 =	srdreg.scid  }
0x8b: {  	s0 =	sand.u32 $0x1, s1  }
0x8c: {  	s17 =	sshll.u32 s0, $0xA;
	s2 =	sadd.s32 s3, s2  }
0x8d: {  	s2 =	sadd.s32 s2, s17  }
0x8e: {  	[smem:$0x3FBB] =	sst s2  }
0x8f: {  	_ = 	snop  }
0x90: {  	s18 =	sld [smem:$0x3FC4];
	(tm) =	ssettm $0x1  }
0x91: {  	s19 =	sld [smem:$0x3FFB];
	_ =	sdelay $0x3  }
0x92: {  	_ =	strace s19  }
0x93: {  	s2 =	sld [smem:$0x3FFC];
	_ =	sdelay $0x3  }
0x94: {  	_ =	strace s2  }
0x95: {  	s2 =	sld [smem:$0x3FFD];
	_ =	sdelay $0x3  }
0x96: {  	_ =	strace s2  }
0x97: {  	_ =	strace $0x8FFFFFFF  }
0x98: {  	s20 =	sld [smem:$0x3FDB];
	_ =	sdelay $0x1  }
0x99: {  	s4 =	simm.s32 $_scs_section_size  }
0x9a: {  	s5 =	simm.s32 $_size__tile_overlayer_lowered;
	s6 =	simm.s32 $_tile_overlayer_lowered  }
0x9b: {  	s7 =	simm.s32 $0x1BFF;
	s21 =	sshll.u32 s6, $0x1;
	s4 =	sadd.s32 s4, s20  }
0x9c: {  	s22 =	simm.s32 $0x0;
	s5 =	sshll.u32 s5, $0x1;
	s6 =	sadd.s32 s21, s4  }
0x9d: {  	[timem:s22], [sflag:s7] =	dma.local [hbm:s6], s5  }
0x9e: {  	_ =	swait.ge [sflag:s7], s5  }
0x9f: {  	s5 =	ssub.s32 $0x0, s5;
	[sflag:s7] =	ssyncset.done $0x0  }
0xa0: {  	[sflag:s7] =	ssyncadd.s32 s5;
	_ =	sdelay $0x1  }
0xa1: {  	s23 =	simm.s32 $0x1B8B  }
0xa2: {  	_ =	swait.ge [sflag:s23], $0x1  }
0xa3: {  	[sflag:s23] =	ssyncset.done $0x0  }
0xa4: {  	[sflag:s23] =	ssyncadd.s32 $0xFFFFFFFF  }
0xa5: {  	s5 =	sld [smem:$0x0]  }
0xa6: {  	s6 =	sand.u32 $0xFFFFFFFE, s1  }
0xa7: {  	p0 =	sne.s32 s1, s6  }
0xa8: {  	s6 =	sshll.u32 @p0 s6, $0xE  }
0xa9: {  	s6 =	sadd.s32 @p0 $0x11B8D, s6;
	s7 =	sshll.u32 @p0 s5, $0x11  }
0xaa: {  	s6 =	sor.u32 @p0 s7, s6  }
0xab: {  	[sflag:s6] =	ssyncadd.remote.s32 @p0 $0x1;
	_ =	sdelay $0x1  }
0xac: {  	s6 =	simm.s32 @p0 $0x1B8D  }
0xad: {  	_ =	swait.eq @p0 [sflag:s6], $0x1  }
0xae: {  	[sflag:s6] =	ssyncadd.s32 @p0 $0xFFFFFFFF  }
0xaf: {  	s7 =	sshll.u32 @!p0 s1, $0xE  }
0xb0: {  	s7 =	sor.u32 @!p0 $0x4000, s7;
	s6 =	simm.s32 @!p0 $0x1B8D  }
0xb1: {  	s5 =	sshll.u32 @!p0 s5, $0x11;
	s7 =	sadd.s32 @!p0 $0x11B8D, s7;
	_ =	swait.eq @!p0 [sflag:s6], $0x1  }
0xb2: {  	s5 =	sor.u32 @!p0 s5, s7;
	[sflag:s6] =	ssyncadd.s32 @!p0 $0xFFFFFFFF  }
0xb3: {  	s25 =	simm.s32 $0x1B8E;
	s24 =	sld [smem:$0x3FFE];
	[sflag:s5] =	ssyncadd.remote.s32 @!p0 $0x1  }
0xb4: {  	s26 =	simm.s32 $execute0_lowered;
	[smem:$0x3FD2] =	sst s25  }
0xb5: {  	s6 =	sshll.u32 s26, $0x1;
	_ =	strace $0x8000004C;
	[dreg:$0x1] =	wrdreg $0xFFFFFFFF  }
0xb6: {  	s28 =	simm.s32 $_size_execute0_lowered;
	s4 =	sadd.s32 s4, s6;
	[dreg:$0x0] =	wrdreg $0x0  }
0xb7: {  	s6 =	sshll.u32 s28, $0x1;
	[dreg:$0x2] =	wrdreg s4  }
0xb8: {  	[dreg:$0x3] =	wrdreg s6  }
0xb9: {  	[dreg:$0x4] =	wrdreg $0xC0  }
0xba: {  	_ =	task [dreg:s22], $0x5FFFF  }
0xbb: {  	[dreg:$0x1] =	wrdreg $0xFFFFFFFF  }
0xbc: {  	[dreg:$0x0] =	wrdreg $0x60  }
0xbd: {  	[dreg:$0x2] =	wrdreg s18  }
0xbe: {  	[dreg:$0x3] =	wrdreg s24  }
0xbf: {  	[dreg:$0x4] =	wrdreg $0xB  }
0xc0: {  	_ =	task.clear_ibuf [dreg:s22], $0x5FFFF;
	_ =	strace $0x9000004C  }
0xc1: {  	s29 =	simm.s32 $0xB;
	_ =	strace $0x8000004E  }
0xc2: {  	_ =	swait.ge [sflag:s29], $0x1  }
0xc3: {  	[sflag:s29] =	ssyncadd.s32 $0xFFFFFFFF  }
0xc4: {  	_ =	strace $0x9000004E  }
0xc5: {  	_ =	sfence  }
0xc6: {  	s30 =	sld [smem:$0x0];
	_ =	sdelay $0x2  }
0xc7: {  	s31 =	sshll.u32 s1, $0xD;
	s1 =	sshrl.u32 s1, $0x2  }
0xc8: {  	s4 =	sand.u32 $0x4000, s31;
	s1 =	sadd.s32 s1, s30  }
0xc9: {  	s0 =	sor.u32 s4, s0;
	s1 =	sshll.u32 s1, $0x11  }
0xca: {  	s0 =	sor.u32 s1, s0  }
0xcb: {  	s0 =	sadd.s32 $0x8F2B, s0  }
0xcc: {  	[sflag:s0] =	ssyncadd.remote.s32 $0x1  }
0xcd: {  	_ =	sfence.sel $0xFFFF  }
0xce: {  	[dreg:$0x0] =	wrdreg $0xFFFFFFFF;
	(pc) =	sbr.abs _section_cstart, $3  }
0xcf: {  	[dreg:$0x1] =	wrdreg $0xFFFFFFFF  }
0xd0: {  	_ =	task.clear_ibuf [dreg:s22], $0x2FFFF;
	_ =	strace $0x9FFFFFFF  }
0xd1: {  	(tm) =	ssettm $0x7FFFFFFF  }
tec
execute0_lowered:
.L_overlay_start_1:
0x0: {  	(tag) =	ssettag $0x1  }
0x1: {  	s2 =	rddreg [dreg:$0x0]  }
0x2: {  	s4 =	rddreg [dreg:$0x1]  }
0x3: {  	s0 =	rddreg [dreg:$0x2];
	s3 =	srdreg.scid  }
0x4: {  	s1 =	stileid.u32;
	s9 =	simm.s32 $0xD00;
	s10 =	simm.s32 $0x1500  }
0x5: {  	s11 =	simm.s32 $0x1D00;
	s12 =	simm.s32 $0x2500;
	s13 =	simm.s32 $0x2D00  }
0x6: {  	s14 =	simm.s32 $0x3500;
	s15 =	simm.s32 $0x3D00;
	s16 =	simm.s32 $0x4500  }
0x7: {  	s17 =	simm.s32 $0x4D00;
	s18 =	simm.s32 $0x5500;
	s19 =	simm.s32 $0x5D00  }
0x8: {  	s20 =	simm.s32 $0x6500;
	s21 =	simm.s32 $0x6D00;
	s22 =	simm.s32 $0x7500  }
0x9: {  	s23 =	simm.s32 $0x7D00;
	s24 =	simm.s32 $0x1;
	s25 =	simm.s32 $0x0  }
0xa: {  	s5 =	sand.u32 $0x1, s3;
	s6 =	sshll.u32 s1, $0x1;
	s7 =	smul.u32 $0xA0000, s1  }
0xb: {  	s3 =	simm.s32 $0x0;
	s6 =	sor.u32 s5, s6;
	s8 =	smul.u32 $0x50000, s5  }
0xc: {  	[smem:$0x7FF] =	sst s3;
	s5 =	ssub.s32 $0x2, s5;
	s6 =	smul.u32 $0xA0, s6  }
0xd: {  	_ =	strace $0x8000004D;
	s31 =	sshrl.u32 s5, $0x1;
	s7 =	sadd.s32 s8, s7  }
0xe: {  	v2 =	vlaneseq.u32;
	s5 =	ssub.s32 s5, s31;
	s8 =	simm.s32 $0x500;
	s7 =	sshrl.u32 s7, $0x3  }
0xf: {  	vm0 =	vmmov $0xffff;
	v1 =	vshrl.u32 v2, $0x3;
	s6 =	sadd.s32 s6, s4;
	s5 =	smax.u32 s5, $0x1;
	s7 =	sadd.s32 s7, s4  }
0x10: {  	v0 =	vand.u32 $0x7, v2;
	v2 =	vor.u32 $0x8, v2;
	v1 =	vmul.u32 $0x8, v1;
	s4 =	sadd.s32 $0x146600, s6;
	s6 =	sadd.s32 $0x28A200, s7;
	s7 =	simm.s32 $0x2  }
.LBB2_1:
0x11: {  	[tilespmem:s3], [sflag:$0x2] =	stream.linear.gather [hbm4b:s4+s3], $0x500, $0x38;
	[tilespmem:$0x8500] =	vst v63  }
0x12: {  	_ =	swait.ge [sflag:s7], $0x500  }
0x13: {  	[sflag:s7] =	ssyncset.done $0x0  }
0x14: {  	s26 =	simm.s32 $0x40;
	s28 =	simm.s32 $0x0;
	[sflag:s7] =	ssyncadd.s32 $0xFFFFFB00  }
.LBB2_2:
0x15: {  	v3 =	vld [tilespmem:s26+$0xFFFFFFC0];
	_ =	sdelay $0x4  }
0x16: {  	v4 =	vshll.u32 v3, $0x1  }
0x17: {  	v3 =	vand.u32 $0x7, v3;
	v4 =	vand.u32 $0xFFFFFFF0, v4  }
0x18: {  	v3 =	vor.u32 v3, v4  }
0x19: {  	v4 =	vperm.xlane v3, v0;
	_ =	sdelay $0x1  }
0x1a: {  	v3 =	vperm.xlane v3, v2;
	v4 =	vadd.s32 v1, v4;
	_ =	sdelay $0x1  }
0x1b: {  	v3 =	vadd.s32 v1, v3;
	_ =	sdelay $0x2  }
0x1c: {  	[tilespmem:s8], [sflag:$0x1] =	stream.indirect_vreg.gather [hbm4b:s2+s3], $0x80, v4, vm0, $0xb8;
	[tilespmem:$0x8500] =	vst v63  }
0x1d: {  	_ = 	snop  }
0x1e: {  	[tilespmem:s9], [sflag:$0x1] =	stream.indirect_vreg.gather [hbm4b:s2+s3], $0x80, v3, vm0, $0xb8;
	[tilespmem:$0x8500] =	vst v63  }
0x1f: {  	v3 =	vld [tilespmem:s26+$0xFFFFFFD0];
	_ =	sdelay $0x4  }
0x20: {  	v57 =	vshll.u32 v3, $0x1  }
0x21: {  	v3 =	vand.u32 $0x7, v3;
	v4 =	vand.u32 $0xFFFFFFF0, v57  }
0x22: {  	v3 =	vor.u32 v3, v4  }
0x23: {  	v4 =	vperm.xlane v3, v0;
	_ =	sdelay $0x1  }
0x24: {  	v3 =	vperm.xlane v3, v2;
	v4 =	vadd.s32 v1, v4;
	_ =	sdelay $0x1  }
0x25: {  	v3 =	vadd.s32 v1, v3;
	_ =	sdelay $0x2  }
0x26: {  	[tilespmem:s10], [sflag:$0x1] =	stream.indirect_vreg.gather [hbm4b:s2+s3], $0x80, v4, vm0, $0xb8;
	[tilespmem:$0x8500] =	vst v63  }
0x27: {  	_ = 	snop  }
0x28: {  	[tilespmem:s11], [sflag:$0x1] =	stream.indirect_vreg.gather [hbm4b:s2+s3], $0x80, v3, vm0, $0xb8;
	[tilespmem:$0x8500] =	vst v63  }
0x29: {  	v3 =	vld [tilespmem:s26+$0xFFFFFFE0];
	_ =	sdelay $0x4  }
0x2a: {  	v58 =	vshll.u32 v3, $0x1  }
0x2b: {  	v3 =	vand.u32 $0x7, v3;
	v4 =	vand.u32 $0xFFFFFFF0, v58  }
0x2c: {  	v3 =	vor.u32 v3, v4  }
0x2d: {  	v4 =	vperm.xlane v3, v0;
	_ =	sdelay $0x1  }
0x2e: {  	v3 =	vperm.xlane v3, v2;
	v4 =	vadd.s32 v1, v4;
	_ =	sdelay $0x1  }
0x2f: {  	v3 =	vadd.s32 v1, v3;
	_ =	sdelay $0x2  }
0x30: {  	[tilespmem:s12], [sflag:$0x1] =	stream.indirect_vreg.gather [hbm4b:s2+s3], $0x80, v4, vm0, $0xb8;
	[tilespmem:$0x8500] =	vst v63  }
0x31: {  	_ = 	snop  }
0x32: {  	[tilespmem:s13], [sflag:$0x1] =	stream.indirect_vreg.gather [hbm4b:s2+s3], $0x80, v3, vm0, $0xb8;
	[tilespmem:$0x8500] =	vst v63  }
0x33: {  	v3 =	vld [tilespmem:s26+$0xFFFFFFF0];
	_ =	sdelay $0x4  }
0x34: {  	v59 =	vshll.u32 v3, $0x1  }
0x35: {  	v3 =	vand.u32 $0x7, v3;
	v4 =	vand.u32 $0xFFFFFFF0, v59  }
0x36: {  	v3 =	vor.u32 v3, v4  }
0x37: {  	v4 =	vperm.xlane v3, v0;
	_ =	sdelay $0x1  }
0x38: {  	v3 =	vperm.xlane v3, v2;
	v4 =	vadd.s32 v1, v4;
	_ =	sdelay $0x1  }
0x39: {  	v3 =	vadd.s32 v1, v3;
	_ =	sdelay $0x2  }
0x3a: {  	[tilespmem:s14], [sflag:$0x1] =	stream.indirect_vreg.gather [hbm4b:s2+s3], $0x80, v4, vm0, $0xb8;
	[tilespmem:$0x8500] =	vst v63  }
0x3b: {  	_ = 	snop  }
0x3c: {  	[tilespmem:s15], [sflag:$0x1] =	stream.indirect_vreg.gather [hbm4b:s2+s3], $0x80, v3, vm0, $0xb8;
	[tilespmem:$0x8500] =	vst v63  }
0x3d: {  	v3 =	vld [tilespmem:s26+$0x0];
	_ =	sdelay $0x4  }
0x3e: {  	v60 =	vshll.u32 v3, $0x1  }
0x3f: {  	v3 =	vand.u32 $0x7, v3;
	v4 =	vand.u32 $0xFFFFFFF0, v60  }
0x40: {  	v3 =	vor.u32 v3, v4  }
0x41: {  	v4 =	vperm.xlane v3, v0;
	_ =	sdelay $0x1  }
0x42: {  	v3 =	vperm.xlane v3, v2;
	v4 =	vadd.s32 v1, v4;
	_ =	sdelay $0x1  }
0x43: {  	v3 =	vadd.s32 v1, v3;
	_ =	sdelay $0x2  }
0x44: {  	[tilespmem:s16], [sflag:$0x1] =	stream.indirect_vreg.gather [hbm4b:s2+s3], $0x80, v4, vm0, $0xb8;
	[tilespmem:$0x8500] =	vst v63  }
0x45: {  	_ = 	snop  }
0x46: {  	[tilespmem:s17], [sflag:$0x1] =	stream.indirect_vreg.gather [hbm4b:s2+s3], $0x80, v3, vm0, $0xb8;
	[tilespmem:$0x8500] =	vst v63  }
0x47: {  	v3 =	vld [tilespmem:s26+$0x10];
	_ =	sdelay $0x4  }
0x48: {  	v61 =	vshll.u32 v3, $0x1  }
0x49: {  	v3 =	vand.u32 $0x7, v3;
	v4 =	vand.u32 $0xFFFFFFF0, v61  }
0x4a: {  	v3 =	vor.u32 v3, v4  }
0x4b: {  	v4 =	vperm.xlane v3, v0;
	_ =	sdelay $0x1  }
0x4c: {  	v3 =	vperm.xlane v3, v2;
	v4 =	vadd.s32 v1, v4;
	_ =	sdelay $0x1  }
0x4d: {  	v3 =	vadd.s32 v1, v3;
	_ =	sdelay $0x2  }
0x4e: {  	[tilespmem:s18], [sflag:$0x1] =	stream.indirect_vreg.gather [hbm4b:s2+s3], $0x80, v4, vm0, $0xb8;
	[tilespmem:$0x8500] =	vst v63  }
0x4f: {  	_ = 	snop  }
0x50: {  	[tilespmem:s19], [sflag:$0x1] =	stream.indirect_vreg.gather [hbm4b:s2+s3], $0x80, v3, vm0, $0xb8;
	[tilespmem:$0x8500] =	vst v63  }
0x51: {  	v3 =	vld [tilespmem:s26+$0x20];
	_ =	sdelay $0x4  }
0x52: {  	v62 =	vshll.u32 v3, $0x1  }
0x53: {  	v3 =	vand.u32 $0x7, v3;
	v4 =	vand.u32 $0xFFFFFFF0, v62  }
0x54: {  	v3 =	vor.u32 v3, v4  }
0x55: {  	v4 =	vperm.xlane v3, v0;
	_ =	sdelay $0x1  }
0x56: {  	v3 =	vperm.xlane v3, v2;
	v4 =	vadd.s32 v1, v4;
	_ =	sdelay $0x1  }
0x57: {  	v3 =	vadd.s32 v1, v3;
	_ =	sdelay $0x2  }
0x58: {  	[tilespmem:s20], [sflag:$0x1] =	stream.indirect_vreg.gather [hbm4b:s2+s3], $0x80, v4, vm0, $0xb8;
	[tilespmem:$0x8500] =	vst v63  }
0x59: {  	_ = 	snop  }
0x5a: {  	[tilespmem:s21], [sflag:$0x1] =	stream.indirect_vreg.gather [hbm4b:s2+s3], $0x80, v3, vm0, $0xb8;
	[tilespmem:$0x8500] =	vst v63  }
0x5b: {  	v3 =	vld [tilespmem:s26+$0x30];
	_ =	sdelay $0x4  }
0x5c: {  	v63 =	vshll.u32 v3, $0x1  }
0x5d: {  	v3 =	vand.u32 $0x7, v3;
	v4 =	vand.u32 $0xFFFFFFF0, v63  }
0x5e: {  	v3 =	vor.u32 v3, v4  }
0x5f: {  	v4 =	vperm.xlane v3, v0;
	_ =	sdelay $0x1  }
0x60: {  	v3 =	vperm.xlane v3, v2;
	v4 =	vadd.s32 v1, v4;
	_ =	sdelay $0x1  }
0x61: {  	v3 =	vadd.s32 v1, v3;
	_ =	sdelay $0x2  }
0x62: {  	[tilespmem:s22], [sflag:$0x1] =	stream.indirect_vreg.gather [hbm4b:s2+s3], $0x80, v4, vm0, $0xb8;
	[tilespmem:$0x8500] =	vst v63  }
0x63: {  	_ = 	snop  }
0x64: {  	[tilespmem:s23], [sflag:$0x1] =	stream.indirect_vreg.gather [hbm4b:s2+s3], $0x80, v3, vm0, $0xb8;
	[tilespmem:$0x8500] =	vst v63  }
0x65: {  	_ =	swait.ge [sflag:s24], $0x8000  }
0x66: {  	p0 =	sne.s32 s28, $0x9000;
	[sflag:s24] =	ssyncset.done $0x0  }
.Ltmp0:
0x67: {  	s29 =	sadd.s32 s28, s6;
	[sflag:s24] =	ssyncadd.s32 $0xFFFF8000;
	(pc) =	sbr.rel @p0 .LBB2_2-.Ltmp0, $4  }
0x68: {  	[hbm4b:s29+s3] =	stream.linear.scatter [tilespmem:s8], [sflag:$0x2], $0x8000, $0x38;
	[tilespmem:$0x8500] =	vst v63  }
0x69: {  	_ =	swait.ge [sflag:s7], $0x8000  }
0x6a: {  	[sflag:s7] =	ssyncset.done $0x0  }
0x6b: {  	s28 =	sadd.s32 $0x1000, s28;
	s26 =	sadd.s32 $0x80, s26;
	[sflag:s7] =	ssyncadd.s32 $0xFFFF8000  }
0x6c: {  	s25 =	sadd.s32 $0x1, s25  }
0x6d: {  	p0 =	sne.s32 s25, s5  }
.Ltmp1:
0x6e: {  	_ = 	snop;
	(pc) =	sbr.rel @p0 .LBB2_1-.Ltmp1, $1  }
0x6f: {  	_ =	sdelay $0x3  }
0x70: {  	_ =	sfence.sel $0x180000  }
0x71: {  	[bflag:$0x0] =	sbarrier.arrive $0xFFFF  }
0x72: {  	p0 =	sne.s32 s1, $0x0;
	_ =	strace $0x9000004D  }
0x73: {  	s0 =	sadd.s32 @!p0 $0x100000, s0;
	[bflag:$0x2] =	sbarrier.arrive $0xFFFF  }
0x74: {  	[sflag:s0] =	ssyncadd.tile.s32 @!p0 $0x1;
	_ =	shalt  }
.Lfunc_end2:
_tile_overlayer_lowered:
.L_overlay_start_2:
0x75: {  	(tag) =	ssettag $0x2  }
0x76: {  	s0 =	rddreg [dreg:$0x0];
	s2 =	stileid.u32  }
0x77: {  	s1 =	rddreg [dreg:$0x1];
	p0 =	sne.s32 s2, $0x0  }
0x78: {  	s3 =	rddreg [dreg:$0x2];
	[bflag:$0x3] =	sbarrier.arrive $0xFFFF;
	s2 =	simm.s32 @!p0 $0x1C02  }
0x79: {  	[timem:s3], [sflag:s2] =	dma.local @!p0 [hbm:s0], s1  }
0x7a: {  	s0 =	simm.s32 @!p0 $0x2  }
0x7b: {  	_ =	swait.ge @!p0 [sflag:s0], s1  }
0x7c: {  	s1 =	ssub.s32 @!p0 $0x0, s1;
	[sflag:s0] =	ssyncset.done @!p0 $0x0  }
0x7d: {  	[sflag:s0] =	ssyncadd.s32 @!p0 s1  }
0x7e: {  	[bflag:$0x3] =	sbarrier.arrive $0xFFFF  }
0x7f: {  	_ =	shalt  }

// kernel: kernel.21.cloned.1.call-start
scs
__scs_entry_jumppad:
0x0: {  	(pc) =	sbr.rel $0x88, $3  }
0x1: {  	(tag) =	ssettag $0x0;
	lr =	simm.s32 $0x1  }
0x2: {  	[smem:$0x3F94] =	sst lr;
	_ =	strace $0xD0000000  }
0x3: {  	_ = 	snop  }
0x4: {  	_ = 	snop  }
0x5: {  	_ = 	snop  }
0x6: {  	_ = 	snop  }
0x7: {  	_ = 	snop  }
__scs_overlays_trampoline_lowered:
0x8: {  	[smem:$0x3FA3] =	sst s0  }
0x9: {  	[smem:$0x3FA4] =	sst s1  }
0xa: {  	[smem:$0x3FA5] =	sst s2  }
0xb: {  	[smem:$0x3FA6] =	sst s3  }
0xc: {  	[smem:$0x3FA7] =	sst s4  }
0xd: {  	[smem:$0x3FA8] =	sst s5  }
0xe: {  	[smem:$0x3FA9] =	sst s6  }
0xf: {  	[smem:$0x3FAA] =	sst s7  }
0x10: {  	[smem:$0x3FAB] =	sst s8  }
0x11: {  	[smem:$0x3FAC] =	sst s9;
	s0 =	simm.s32 @!p0 $0x0  }
0x12: {  	s1 =	sld [smem:$0x3F92];
	s0 =	simm.s32 @p0 $0x1  }
0x13: {  	[smem:$0x3FAD] =	sst s0;
	s0 =	simm.s32 @!p1 $0x0  }
0x14: {  	s2 =	sld [smem:$0x3F91];
	s0 =	simm.s32 @p1 $0x1  }
0x15: {  	[smem:$0x3FAE] =	sst s0;
	s0 =	simm.s32 @!p2 $0x0  }
0x16: {  	s3 =	sld [smem:$0x3FDB];
	s0 =	simm.s32 @p2 $0x1  }
0x17: {  	s4 =	simm.s32 $0x1BF5;
	[smem:$0x3FB0] =	sst s0  }
0x18: {  	s0 =	sld [smem:$0x3F93];
	_ =	swait.ge [sflag:s4], $0x0  }
0x19: {  	s7 =	sld [smem:$0x3F94]  }
0x1a: {  	s8 =	sadd.s32 $0xFFFFE003, lr  }
0x1b: {  	s9 =	sadd.s32 $0xFFFFFEF7, lr;
	s5 =	simm.s32 $0xFFFFFFFF;
	p2 =	slt.u32 s8, $0xFFFFF086  }
0x1c: {  	p1 =	slt.u32 s9, $0xF7A;
	s5 =	simm.s32 @!p2 $0x0  }
0x1d: {  	s5 =	simm.s32 @p1 $0x1;
	p0 =	seq.s32 s7, s2  }
0x1e: {  	s7 =	smul.u32 @!p0 $0xF7A, s2;
	p2 =	seq.s32 @!p0 s5, $0x0  }
0x1f: {  	s9 =	smul.u32 $0xF7A, s1;
	s8 =	simm.s32 @!p0 $0x1BF5;
	p2 =	por !p2, p0  }
0x20: {  	[sflag:s8] =	ssyncset.s32 @!p0 $0xFFFFF086;
	s6 =	sadd.s32 @!p0 s3, s7;
	s7 =	simm.s32 @!p0 $0x108  }
0x21: {  	s3 =	sadd.s32 s3, s9;
	s6 =	sadd.s32 @!p0 $0x88, s6;
	s7 =	simm.s32 @p2 $0x1082  }
0x22: {  	[simem:s7], [sflag:s8] =	dma.local @!p0 [hbm:s6], $0xF7A  }
0x23: {  	s9 =	sor.u32 $0xD0000000, s2;
	s6 =	simm.s32 $0x108;
	_ =	swait.ge @!p0 [sflag:s8], $0x0  }
0x24: {  	s3 =	sadd.s32 $0x88, s3;
	s6 =	simm.s32 @!p1 $0x1082;
	[sflag:s4] =	ssyncset.s32 $0xFFFFF086  }
0x25: {  	[simem:s6], [sflag:s4] =	dma.local [hbm:s3], $0xF7A  }
0x26: {  	[smem:$0x3F94] =	sst s1;
	(tag) =	ssettag s2;
	_ =	strace s9  }
0x27: {  	s1 =	sld [smem:$0x3FA4]  }
0x28: {  	s2 =	sld [smem:$0x3FA5]  }
0x29: {  	s4 =	sld [smem:$0x3FA7]  }
0x2a: {  	p0 =	seq.s32 s5, $0x0;
	s5 =	sld [smem:$0x3FA8]  }
0x2b: {  	s6 =	sld [smem:$0x3FA9]  }
0x2c: {  	s7 =	sld [smem:$0x3FAA]  }
0x2d: {  	s3 =	simm.s32 $0x108;
	s8 =	sld [smem:$0x3FAB]  }
0x2e: {  	s3 =	simm.s32 @!p0 $0x1082;
	s9 =	sld [smem:$0x3FAC]  }
0x2f: {  	lr =	sadd.s32 s0, s3;
	s0 =	sld [smem:$0x3FA3]  }
0x30: {  	s3 =	sld [smem:$0x3FA6]  }
0x31: {  	[smem:$0x3FAF] =	sst s10  }
0x32: {  	s10 =	sld [smem:$0x3FAD];
	_ =	sdelay $0x3  }
0x33: {  	p0 =	seq.s32 s10, $0x1;
	s10 =	sld [smem:$0x3FAF];
	_ =	sdelay $0x3  }
0x34: {  	[smem:$0x3FAF] =	sst s10  }
0x35: {  	s10 =	sld [smem:$0x3FAE];
	_ =	sdelay $0x3  }
0x36: {  	p1 =	seq.s32 s10, $0x1;
	s10 =	sld [smem:$0x3FAF];
	_ =	sdelay $0x3  }
0x37: {  	[smem:$0x3FAF] =	sst s10  }
0x38: {  	s10 =	sld [smem:$0x3FB0]  }
0x39: {  	_ = 	snop;
	(pc) =	sbr.ind lr, $3  }
0x3a: {  	_ = 	snop  }
0x3b: {  	_ = 	snop  }
0x3c: {  	p2 =	seq.s32 s10, $0x1;
	s10 =	sld [smem:$0x3FAF]  }
0x3d: {  	_ =	shalt  }
0x3e: {  	_ =	shalt  }
0x3f: {  	_ =	shalt  }
0x40: {  	_ =	shalt  }
0x41: {  	_ =	shalt  }
0x42: {  	_ =	shalt  }
0x43: {  	_ =	shalt  }
0x44: {  	_ =	shalt  }
0x45: {  	_ =	shalt  }
0x46: {  	_ =	shalt  }
0x47: {  	_ =	shalt  }
0x48: {  	_ =	shalt  }
0x49: {  	_ =	shalt  }
0x4a: {  	_ =	shalt  }
0x4b: {  	_ =	shalt  }
0x4c: {  	_ =	shalt  }
0x4d: {  	_ =	shalt  }
0x4e: {  	_ =	shalt  }
0x4f: {  	_ =	shalt  }
0x50: {  	_ =	shalt  }
0x51: {  	_ =	shalt  }
0x52: {  	_ =	shalt  }
0x53: {  	_ =	shalt  }
0x54: {  	_ =	shalt  }
0x55: {  	_ =	shalt  }
0x56: {  	_ =	shalt  }
0x57: {  	_ =	shalt  }
0x58: {  	_ =	shalt  }
0x59: {  	_ =	shalt  }
0x5a: {  	_ =	shalt  }
0x5b: {  	_ =	shalt  }
0x5c: {  	_ =	shalt  }
0x5d: {  	_ =	shalt  }
0x5e: {  	_ =	shalt  }
0x5f: {  	_ =	shalt  }
0x60: {  	_ =	shalt  }
0x61: {  	_ =	shalt  }
0x62: {  	_ =	shalt  }
0x63: {  	_ =	shalt  }
0x64: {  	_ =	shalt  }
0x65: {  	_ =	shalt  }
0x66: {  	_ =	shalt  }
0x67: {  	_ =	shalt  }
0x68: {  	_ =	shalt  }
0x69: {  	_ =	shalt  }
0x6a: {  	_ =	shalt  }
0x6b: {  	_ =	shalt  }
0x6c: {  	_ =	shalt  }
0x6d: {  	_ =	shalt  }
0x6e: {  	_ =	shalt  }
0x6f: {  	_ =	shalt  }
0x70: {  	_ =	shalt  }
0x71: {  	_ =	shalt  }
0x72: {  	_ =	shalt  }
0x73: {  	_ =	shalt  }
0x74: {  	_ =	shalt  }
0x75: {  	_ =	shalt  }
0x76: {  	_ =	shalt  }
0x77: {  	_ =	shalt  }
0x78: {  	_ =	shalt  }
0x79: {  	_ =	shalt  }
0x7a: {  	_ =	shalt  }
0x7b: {  	_ =	shalt  }
0x7c: {  	_ =	shalt  }
0x7d: {  	_ =	shalt  }
0x7e: {  	_ =	shalt  }
0x7f: {  	_ =	shalt  }
0x80: {  	_ =	shalt  }
0x81: {  	_ =	shalt  }
0x82: {  	_ =	shalt  }
0x83: {  	_ =	shalt  }
0x84: {  	_ =	shalt  }
0x85: {  	_ =	shalt  }
0x86: {  	_ =	shalt  }
0x87: {  	_ =	shalt  }
.Lfunc_end0:
.L_simem_size_0:
called_computation.3_lowered:
.L_overlay_start_0:
0x88: {  	s2 =	sld [smem:$0x3FD9]  }
0x89: {  	s3 =	sld [smem:$0x3FFE];
	_ =	sdelay $0x1  }
0x8a: {  	s1 =	srdreg.scid  }
0x8b: {  	s0 =	sand.u32 $0x1, s1  }
0x8c: {  	s17 =	sshll.u32 s0, $0xA;
	s2 =	sadd.s32 s3, s2  }
0x8d: {  	s2 =	sadd.s32 s2, s17  }
0x8e: {  	[smem:$0x3FBB] =	sst s2  }
0x8f: {  	_ = 	snop  }
0x90: {  	s18 =	sld [smem:$0x3FC4];
	(tm) =	ssettm $0x1  }
0x91: {  	s19 =	sld [smem:$0x3FFB];
	_ =	sdelay $0x3  }
0x92: {  	_ =	strace s19  }
0x93: {  	s2 =	sld [smem:$0x3FFC];
	_ =	sdelay $0x3  }
0x94: {  	_ =	strace s2  }
0x95: {  	s2 =	sld [smem:$0x3FFD];
	_ =	sdelay $0x3  }
0x96: {  	_ =	strace s2  }
0x97: {  	_ =	strace $0x8FFFFFFF  }
0x98: {  	s20 =	sld [smem:$0x3FDB];
	_ =	sdelay $0x1  }
0x99: {  	s4 =	simm.s32 $_scs_section_size  }
0x9a: {  	s5 =	simm.s32 $_size__tile_overlayer_lowered;
	s6 =	simm.s32 $_tile_overlayer_lowered  }
0x9b: {  	s7 =	simm.s32 $0x1BFF;
	s21 =	sshll.u32 s6, $0x1;
	s4 =	sadd.s32 s4, s20  }
0x9c: {  	s22 =	simm.s32 $0x0;
	s5 =	sshll.u32 s5, $0x1;
	s6 =	sadd.s32 s21, s4  }
0x9d: {  	[timem:s22], [sflag:s7] =	dma.local [hbm:s6], s5  }
0x9e: {  	_ =	swait.ge [sflag:s7], s5  }
0x9f: {  	s5 =	ssub.s32 $0x0, s5;
	[sflag:s7] =	ssyncset.done $0x0  }
0xa0: {  	[sflag:s7] =	ssyncadd.s32 s5;
	_ =	sdelay $0x1  }
0xa1: {  	s23 =	simm.s32 $0x1B8B  }
0xa2: {  	_ =	swait.ge [sflag:s23], $0x1  }
0xa3: {  	[sflag:s23] =	ssyncset.done $0x0  }
0xa4: {  	[sflag:s23] =	ssyncadd.s32 $0xFFFFFFFF  }
0xa5: {  	s5 =	sld [smem:$0x0]  }
0xa6: {  	s6 =	sand.u32 $0xFFFFFFFE, s1  }
0xa7: {  	p0 =	sne.s32 s1, s6  }
0xa8: {  	s6 =	sshll.u32 @p0 s6, $0xE  }
0xa9: {  	s6 =	sadd.s32 @p0 $0x11B8D, s6;
	s7 =	sshll.u32 @p0 s5, $0x11  }
0xaa: {  	s6 =	sor.u32 @p0 s7, s6  }
0xab: {  	[sflag:s6] =	ssyncadd.remote.s32 @p0 $0x1;
	_ =	sdelay $0x1  }
0xac: {  	s6 =	simm.s32 @p0 $0x1B8D  }
0xad: {  	_ =	swait.eq @p0 [sflag:s6], $0x1  }
0xae: {  	[sflag:s6] =	ssyncadd.s32 @p0 $0xFFFFFFFF  }
0xaf: {  	s7 =	sshll.u32 @!p0 s1, $0xE  }
0xb0: {  	s7 =	sor.u32 @!p0 $0x4000, s7;
	s6 =	simm.s32 @!p0 $0x1B8D  }
0xb1: {  	s5 =	sshll.u32 @!p0 s5, $0x11;
	s7 =	sadd.s32 @!p0 $0x11B8D, s7;
	_ =	swait.eq @!p0 [sflag:s6], $0x1  }
0xb2: {  	s5 =	sor.u32 @!p0 s5, s7;
	[sflag:s6] =	ssyncadd.s32 @!p0 $0xFFFFFFFF  }
0xb3: {  	s25 =	simm.s32 $0x1B8E;
	s24 =	sld [smem:$0x3FFE];
	[sflag:s5] =	ssyncadd.remote.s32 @!p0 $0x1  }
0xb4: {  	s26 =	simm.s32 $execute0_lowered;
	[smem:$0x3FD2] =	sst s25  }
0xb5: {  	s6 =	sshll.u32 s26, $0x1;
	_ =	strace $0x8000004F;
	[dreg:$0x1] =	wrdreg $0xFFFFFFFF  }
0xb6: {  	s28 =	simm.s32 $_size_execute0_lowered;
	s4 =	sadd.s32 s4, s6;
	[dreg:$0x0] =	wrdreg $0x0  }
0xb7: {  	s6 =	sshll.u32 s28, $0x1;
	[dreg:$0x2] =	wrdreg s4  }
0xb8: {  	[dreg:$0x3] =	wrdreg s6  }
0xb9: {  	[dreg:$0x4] =	wrdreg $0xC0  }
0xba: {  	_ =	task [dreg:s22], $0x5FFFF  }
0xbb: {  	[dreg:$0x1] =	wrdreg $0xFFFFFFFF  }
0xbc: {  	[dreg:$0x0] =	wrdreg $0x60  }
0xbd: {  	[dreg:$0x2] =	wrdreg s18  }
0xbe: {  	[dreg:$0x3] =	wrdreg s24  }
0xbf: {  	[dreg:$0x4] =	wrdreg $0xC  }
0xc0: {  	_ =	task.clear_ibuf [dreg:s22], $0x5FFFF;
	_ =	strace $0x9000004F  }
0xc1: {  	s29 =	simm.s32 $0xC;
	_ =	strace $0x80000051  }
0xc2: {  	_ =	swait.ge [sflag:s29], $0x1  }
0xc3: {  	[sflag:s29] =	ssyncadd.s32 $0xFFFFFFFF  }
0xc4: {  	_ =	strace $0x90000051  }
0xc5: {  	_ =	sfence  }
0xc6: {  	s30 =	sld [smem:$0x0];
	_ =	sdelay $0x2  }
0xc7: {  	s31 =	sshll.u32 s1, $0xD;
	s1 =	sshrl.u32 s1, $0x2  }
0xc8: {  	s4 =	sand.u32 $0x4000, s31;
	s1 =	sadd.s32 s1, s30  }
0xc9: {  	s0 =	sor.u32 s4, s0;
	s1 =	sshll.u32 s1, $0x11  }
0xca: {  	s0 =	sor.u32 s1, s0  }
0xcb: {  	s0 =	sadd.s32 $0x8F2B, s0  }
0xcc: {  	[sflag:s0] =	ssyncadd.remote.s32 $0x1  }
0xcd: {  	_ =	sfence.sel $0xFFFF  }
0xce: {  	[dreg:$0x0] =	wrdreg $0xFFFFFFFF;
	(pc) =	sbr.abs _section_cstart, $3  }
0xcf: {  	[dreg:$0x1] =	wrdreg $0xFFFFFFFF  }
0xd0: {  	_ =	task.clear_ibuf [dreg:s22], $0x2FFFF;
	_ =	strace $0x9FFFFFFF  }
0xd1: {  	(tm) =	ssettm $0x7FFFFFFF  }
tec
execute0_lowered:
.L_overlay_start_1:
0x0: {  	(tag) =	ssettag $0x1  }
0x1: {  	s2 =	rddreg [dreg:$0x0]  }
0x2: {  	s4 =	rddreg [dreg:$0x1]  }
0x3: {  	s0 =	rddreg [dreg:$0x2];
	s3 =	srdreg.scid  }
0x4: {  	s1 =	stileid.u32;
	s9 =	simm.s32 $0xD00;
	s10 =	simm.s32 $0x1500  }
0x5: {  	s11 =	simm.s32 $0x1D00;
	s12 =	simm.s32 $0x2500;
	s13 =	simm.s32 $0x2D00  }
0x6: {  	s14 =	simm.s32 $0x3500;
	s15 =	simm.s32 $0x3D00;
	s16 =	simm.s32 $0x4500  }
0x7: {  	s17 =	simm.s32 $0x4D00;
	s18 =	simm.s32 $0x5500;
	s19 =	simm.s32 $0x5D00  }
0x8: {  	s20 =	simm.s32 $0x6500;
	s21 =	simm.s32 $0x6D00;
	s22 =	simm.s32 $0x7500  }
0x9: {  	s23 =	simm.s32 $0x7D00;
	s24 =	simm.s32 $0x1;
	s25 =	simm.s32 $0x0  }
0xa: {  	s5 =	sand.u32 $0x1, s3;
	s6 =	sshll.u32 s1, $0x1;
	s7 =	smul.u32 $0xA0000, s1  }
0xb: {  	s3 =	simm.s32 $0x0;
	s6 =	sor.u32 s5, s6;
	s8 =	smul.u32 $0x50000, s5  }
0xc: {  	[smem:$0x7FF] =	sst s3;
	s5 =	ssub.s32 $0x2, s5;
	s6 =	smul.u32 $0xA0, s6  }
0xd: {  	_ =	strace $0x80000050;
	s31 =	sshrl.u32 s5, $0x1;
	s7 =	sadd.s32 s8, s7  }
0xe: {  	v2 =	vlaneseq.u32;
	s5 =	ssub.s32 s5, s31;
	s8 =	simm.s32 $0x500;
	s7 =	sshrl.u32 s7, $0x3  }
0xf: {  	vm0 =	vmmov $0xffff;
	v1 =	vshrl.u32 v2, $0x3;
	s6 =	sadd.s32 s6, s4;
	s5 =	smax.u32 s5, $0x1;
	s7 =	sadd.s32 s7, s4  }
0x10: {  	v0 =	vand.u32 $0x7, v2;
	v2 =	vor.u32 $0x8, v2;
	v1 =	vmul.u32 $0x8, v1;
	s4 =	sadd.s32 $0x147A00, s6;
	s6 =	sadd.s32 $0x3CA200, s7;
	s7 =	simm.s32 $0x2  }
.LBB2_1:
0x11: {  	[tilespmem:s3], [sflag:$0x2] =	stream.linear.gather [hbm4b:s4+s3], $0x500, $0x38;
	[tilespmem:$0x8500] =	vst v63  }
0x12: {  	_ =	swait.ge [sflag:s7], $0x500  }
0x13: {  	[sflag:s7] =	ssyncset.done $0x0  }
0x14: {  	s26 =	simm.s32 $0x40;
	s28 =	simm.s32 $0x0;
	[sflag:s7] =	ssyncadd.s32 $0xFFFFFB00  }
.LBB2_2:
0x15: {  	v3 =	vld [tilespmem:s26+$0xFFFFFFC0];
	_ =	sdelay $0x4  }
0x16: {  	v4 =	vshll.u32 v3, $0x1  }
0x17: {  	v3 =	vand.u32 $0x7, v3;
	v4 =	vand.u32 $0xFFFFFFF0, v4  }
0x18: {  	v3 =	vor.u32 v3, v4  }
0x19: {  	v4 =	vperm.xlane v3, v0;
	_ =	sdelay $0x1  }
0x1a: {  	v3 =	vperm.xlane v3, v2;
	v4 =	vadd.s32 v1, v4;
	_ =	sdelay $0x1  }
0x1b: {  	v3 =	vadd.s32 v1, v3;
	_ =	sdelay $0x2  }
0x1c: {  	[tilespmem:s8], [sflag:$0x1] =	stream.indirect_vreg.gather [hbm4b:s2+s3], $0x80, v4, vm0, $0xb8;
	[tilespmem:$0x8500] =	vst v63  }
0x1d: {  	_ = 	snop  }
0x1e: {  	[tilespmem:s9], [sflag:$0x1] =	stream.indirect_vreg.gather [hbm4b:s2+s3], $0x80, v3, vm0, $0xb8;
	[tilespmem:$0x8500] =	vst v63  }
0x1f: {  	v3 =	vld [tilespmem:s26+$0xFFFFFFD0];
	_ =	sdelay $0x4  }
0x20: {  	v57 =	vshll.u32 v3, $0x1  }
0x21: {  	v3 =	vand.u32 $0x7, v3;
	v4 =	vand.u32 $0xFFFFFFF0, v57  }
0x22: {  	v3 =	vor.u32 v3, v4  }
0x23: {  	v4 =	vperm.xlane v3, v0;
	_ =	sdelay $0x1  }
0x24: {  	v3 =	vperm.xlane v3, v2;
	v4 =	vadd.s32 v1, v4;
	_ =	sdelay $0x1  }
0x25: {  	v3 =	vadd.s32 v1, v3;
	_ =	sdelay $0x2  }
0x26: {  	[tilespmem:s10], [sflag:$0x1] =	stream.indirect_vreg.gather [hbm4b:s2+s3], $0x80, v4, vm0, $0xb8;
	[tilespmem:$0x8500] =	vst v63  }
0x27: {  	_ = 	snop  }
0x28: {  	[tilespmem:s11], [sflag:$0x1] =	stream.indirect_vreg.gather [hbm4b:s2+s3], $0x80, v3, vm0, $0xb8;
	[tilespmem:$0x8500] =	vst v63  }
0x29: {  	v3 =	vld [tilespmem:s26+$0xFFFFFFE0];
	_ =	sdelay $0x4  }
0x2a: {  	v58 =	vshll.u32 v3, $0x1  }
0x2b: {  	v3 =	vand.u32 $0x7, v3;
	v4 =	vand.u32 $0xFFFFFFF0, v58  }
0x2c: {  	v3 =	vor.u32 v3, v4  }
0x2d: {  	v4 =	vperm.xlane v3, v0;
	_ =	sdelay $0x1  }
0x2e: {  	v3 =	vperm.xlane v3, v2;
	v4 =	vadd.s32 v1, v4;
	_ =	sdelay $0x1  }
0x2f: {  	v3 =	vadd.s32 v1, v3;
	_ =	sdelay $0x2  }
0x30: {  	[tilespmem:s12], [sflag:$0x1] =	stream.indirect_vreg.gather [hbm4b:s2+s3], $0x80, v4, vm0, $0xb8;
	[tilespmem:$0x8500] =	vst v63  }
0x31: {  	_ = 	snop  }
0x32: {  	[tilespmem:s13], [sflag:$0x1] =	stream.indirect_vreg.gather [hbm4b:s2+s3], $0x80, v3, vm0, $0xb8;
	[tilespmem:$0x8500] =	vst v63  }
0x33: {  	v3 =	vld [tilespmem:s26+$0xFFFFFFF0];
	_ =	sdelay $0x4  }
0x34: {  	v59 =	vshll.u32 v3, $0x1  }
0x35: {  	v3 =	vand.u32 $0x7, v3;
	v4 =	vand.u32 $0xFFFFFFF0, v59  }
0x36: {  	v3 =	vor.u32 v3, v4  }
0x37: {  	v4 =	vperm.xlane v3, v0;
	_ =	sdelay $0x1  }
0x38: {  	v3 =	vperm.xlane v3, v2;
	v4 =	vadd.s32 v1, v4;
	_ =	sdelay $0x1  }
0x39: {  	v3 =	vadd.s32 v1, v3;
	_ =	sdelay $0x2  }
0x3a: {  	[tilespmem:s14], [sflag:$0x1] =	stream.indirect_vreg.gather [hbm4b:s2+s3], $0x80, v4, vm0, $0xb8;
	[tilespmem:$0x8500] =	vst v63  }
0x3b: {  	_ = 	snop  }
0x3c: {  	[tilespmem:s15], [sflag:$0x1] =	stream.indirect_vreg.gather [hbm4b:s2+s3], $0x80, v3, vm0, $0xb8;
	[tilespmem:$0x8500] =	vst v63  }
0x3d: {  	v3 =	vld [tilespmem:s26+$0x0];
	_ =	sdelay $0x4  }
0x3e: {  	v60 =	vshll.u32 v3, $0x1  }
0x3f: {  	v3 =	vand.u32 $0x7, v3;
	v4 =	vand.u32 $0xFFFFFFF0, v60  }
0x40: {  	v3 =	vor.u32 v3, v4  }
0x41: {  	v4 =	vperm.xlane v3, v0;
	_ =	sdelay $0x1  }
0x42: {  	v3 =	vperm.xlane v3, v2;
	v4 =	vadd.s32 v1, v4;
	_ =	sdelay $0x1  }
0x43: {  	v3 =	vadd.s32 v1, v3;
	_ =	sdelay $0x2  }
0x44: {  	[tilespmem:s16], [sflag:$0x1] =	stream.indirect_vreg.gather [hbm4b:s2+s3], $0x80, v4, vm0, $0xb8;
	[tilespmem:$0x8500] =	vst v63  }
0x45: {  	_ = 	snop  }
0x46: {  	[tilespmem:s17], [sflag:$0x1] =	stream.indirect_vreg.gather [hbm4b:s2+s3], $0x80, v3, vm0, $0xb8;
	[tilespmem:$0x8500] =	vst v63  }
0x47: {  	v3 =	vld [tilespmem:s26+$0x10];
	_ =	sdelay $0x4  }
0x48: {  	v61 =	vshll.u32 v3, $0x1  }
0x49: {  	v3 =	vand.u32 $0x7, v3;
	v4 =	vand.u32 $0xFFFFFFF0, v61  }
0x4a: {  	v3 =	vor.u32 v3, v4  }
0x4b: {  	v4 =	vperm.xlane v3, v0;
	_ =	sdelay $0x1  }
0x4c: {  	v3 =	vperm.xlane v3, v2;
	v4 =	vadd.s32 v1, v4;
	_ =	sdelay $0x1  }
0x4d: {  	v3 =	vadd.s32 v1, v3;
	_ =	sdelay $0x2  }
0x4e: {  	[tilespmem:s18], [sflag:$0x1] =	stream.indirect_vreg.gather [hbm4b:s2+s3], $0x80, v4, vm0, $0xb8;
	[tilespmem:$0x8500] =	vst v63  }
0x4f: {  	_ = 	snop  }
0x50: {  	[tilespmem:s19], [sflag:$0x1] =	stream.indirect_vreg.gather [hbm4b:s2+s3], $0x80, v3, vm0, $0xb8;
	[tilespmem:$0x8500] =	vst v63  }
0x51: {  	v3 =	vld [tilespmem:s26+$0x20];
	_ =	sdelay $0x4  }
0x52: {  	v62 =	vshll.u32 v3, $0x1  }
0x53: {  	v3 =	vand.u32 $0x7, v3;
	v4 =	vand.u32 $0xFFFFFFF0, v62  }
0x54: {  	v3 =	vor.u32 v3, v4  }
0x55: {  	v4 =	vperm.xlane v3, v0;
	_ =	sdelay $0x1  }
0x56: {  	v3 =	vperm.xlane v3, v2;
	v4 =	vadd.s32 v1, v4;
	_ =	sdelay $0x1  }
0x57: {  	v3 =	vadd.s32 v1, v3;
	_ =	sdelay $0x2  }
0x58: {  	[tilespmem:s20], [sflag:$0x1] =	stream.indirect_vreg.gather [hbm4b:s2+s3], $0x80, v4, vm0, $0xb8;
	[tilespmem:$0x8500] =	vst v63  }
0x59: {  	_ = 	snop  }
0x5a: {  	[tilespmem:s21], [sflag:$0x1] =	stream.indirect_vreg.gather [hbm4b:s2+s3], $0x80, v3, vm0, $0xb8;
	[tilespmem:$0x8500] =	vst v63  }
0x5b: {  	v3 =	vld [tilespmem:s26+$0x30];
	_ =	sdelay $0x4  }
0x5c: {  	v63 =	vshll.u32 v3, $0x1  }
0x5d: {  	v3 =	vand.u32 $0x7, v3;
	v4 =	vand.u32 $0xFFFFFFF0, v63  }
0x5e: {  	v3 =	vor.u32 v3, v4  }
0x5f: {  	v4 =	vperm.xlane v3, v0;
	_ =	sdelay $0x1  }
0x60: {  	v3 =	vperm.xlane v3, v2;
	v4 =	vadd.s32 v1, v4;
	_ =	sdelay $0x1  }
0x61: {  	v3 =	vadd.s32 v1, v3;
	_ =	sdelay $0x2  }
0x62: {  	[tilespmem:s22], [sflag:$0x1] =	stream.indirect_vreg.gather [hbm4b:s2+s3], $0x80, v4, vm0, $0xb8;
	[tilespmem:$0x8500] =	vst v63  }
0x63: {  	_ = 	snop  }
0x64: {  	[tilespmem:s23], [sflag:$0x1] =	stream.indirect_vreg.gather [hbm4b:s2+s3], $0x80, v3, vm0, $0xb8;
	[tilespmem:$0x8500] =	vst v63  }
0x65: {  	_ =	swait.ge [sflag:s24], $0x8000  }
0x66: {  	p0 =	sne.s32 s28, $0x9000;
	[sflag:s24] =	ssyncset.done $0x0  }
.Ltmp0:
0x67: {  	s29 =	sadd.s32 s28, s6;
	[sflag:s24] =	ssyncadd.s32 $0xFFFF8000;
	(pc) =	sbr.rel @p0 .LBB2_2-.Ltmp0, $4  }
0x68: {  	[hbm4b:s29+s3] =	stream.linear.scatter [tilespmem:s8], [sflag:$0x2], $0x8000, $0x38;
	[tilespmem:$0x8500] =	vst v63  }
0x69: {  	_ =	swait.ge [sflag:s7], $0x8000  }
0x6a: {  	[sflag:s7] =	ssyncset.done $0x0  }
0x6b: {  	s28 =	sadd.s32 $0x1000, s28;
	s26 =	sadd.s32 $0x80, s26;
	[sflag:s7] =	ssyncadd.s32 $0xFFFF8000  }
0x6c: {  	s25 =	sadd.s32 $0x1, s25  }
0x6d: {  	p0 =	sne.s32 s25, s5  }
.Ltmp1:
0x6e: {  	_ = 	snop;
	(pc) =	sbr.rel @p0 .LBB2_1-.Ltmp1, $1  }
0x6f: {  	_ =	sdelay $0x3  }
0x70: {  	_ =	sfence.sel $0x180000  }
0x71: {  	[bflag:$0x0] =	sbarrier.arrive $0xFFFF  }
0x72: {  	p0 =	sne.s32 s1, $0x0;
	_ =	strace $0x90000050  }
0x73: {  	s0 =	sadd.s32 @!p0 $0x100000, s0;
	[bflag:$0x2] =	sbarrier.arrive $0xFFFF  }
0x74: {  	[sflag:s0] =	ssyncadd.tile.s32 @!p0 $0x1;
	_ =	shalt  }
.Lfunc_end2:
_tile_overlayer_lowered:
.L_overlay_start_2:
0x75: {  	(tag) =	ssettag $0x2  }
0x76: {  	s0 =	rddreg [dreg:$0x0];
	s2 =	stileid.u32  }
0x77: {  	s1 =	rddreg [dreg:$0x1];
	p0 =	sne.s32 s2, $0x0  }
0x78: {  	s3 =	rddreg [dreg:$0x2];
	[bflag:$0x3] =	sbarrier.arrive $0xFFFF;
	s2 =	simm.s32 @!p0 $0x1C02  }
0x79: {  	[timem:s3], [sflag:s2] =	dma.local @!p0 [hbm:s0], s1  }
0x7a: {  	s0 =	simm.s32 @!p0 $0x2  }
0x7b: {  	_ =	swait.ge @!p0 [sflag:s0], s1  }
0x7c: {  	s1 =	ssub.s32 @!p0 $0x0, s1;
	[sflag:s0] =	ssyncset.done @!p0 $0x0  }
0x7d: {  	[sflag:s0] =	ssyncadd.s32 @!p0 s1  }
0x7e: {  	[bflag:$0x3] =	sbarrier.arrive $0xFFFF  }
0x7f: {  	_ =	shalt  }

// kernel: kernel.24.cloned.1.call-start
scs
__scs_entry_jumppad:
0x0: {  	(pc) =	sbr.rel $0x88, $3  }
0x1: {  	(tag) =	ssettag $0x0;
	lr =	simm.s32 $0x1  }
0x2: {  	[smem:$0x3F94] =	sst lr;
	_ =	strace $0xD0000000  }
0x3: {  	_ = 	snop  }
0x4: {  	_ = 	snop  }
0x5: {  	_ = 	snop  }
0x6: {  	_ = 	snop  }
0x7: {  	_ = 	snop  }
__scs_overlays_trampoline_lowered:
0x8: {  	[smem:$0x3FA3] =	sst s0  }
0x9: {  	[smem:$0x3FA4] =	sst s1  }
0xa: {  	[smem:$0x3FA5] =	sst s2  }
0xb: {  	[smem:$0x3FA6] =	sst s3  }
0xc: {  	[smem:$0x3FA7] =	sst s4  }
0xd: {  	[smem:$0x3FA8] =	sst s5  }
0xe: {  	[smem:$0x3FA9] =	sst s6  }
0xf: {  	[smem:$0x3FAA] =	sst s7  }
0x10: {  	[smem:$0x3FAB] =	sst s8  }
0x11: {  	[smem:$0x3FAC] =	sst s9;
	s0 =	simm.s32 @!p0 $0x0  }
0x12: {  	s1 =	sld [smem:$0x3F92];
	s0 =	simm.s32 @p0 $0x1  }
0x13: {  	[smem:$0x3FAD] =	sst s0;
	s0 =	simm.s32 @!p1 $0x0  }
0x14: {  	s2 =	sld [smem:$0x3F91];
	s0 =	simm.s32 @p1 $0x1  }
0x15: {  	[smem:$0x3FAE] =	sst s0;
	s0 =	simm.s32 @!p2 $0x0  }
0x16: {  	s3 =	sld [smem:$0x3FDB];
	s0 =	simm.s32 @p2 $0x1  }
0x17: {  	s4 =	simm.s32 $0x1BF5;
	[smem:$0x3FB0] =	sst s0  }
0x18: {  	s0 =	sld [smem:$0x3F93];
	_ =	swait.ge [sflag:s4], $0x0  }
0x19: {  	s7 =	sld [smem:$0x3F94]  }
0x1a: {  	s8 =	sadd.s32 $0xFFFFE003, lr  }
0x1b: {  	s9 =	sadd.s32 $0xFFFFFEF7, lr;
	s5 =	simm.s32 $0xFFFFFFFF;
	p2 =	slt.u32 s8, $0xFFFFF086  }
0x1c: {  	p1 =	slt.u32 s9, $0xF7A;
	s5 =	simm.s32 @!p2 $0x0  }
0x1d: {  	s5 =	simm.s32 @p1 $0x1;
	p0 =	seq.s32 s7, s2  }
0x1e: {  	s7 =	smul.u32 @!p0 $0xF7A, s2;
	p2 =	seq.s32 @!p0 s5, $0x0  }
0x1f: {  	s9 =	smul.u32 $0xF7A, s1;
	s8 =	simm.s32 @!p0 $0x1BF5;
	p2 =	por !p2, p0  }
0x20: {  	[sflag:s8] =	ssyncset.s32 @!p0 $0xFFFFF086;
	s6 =	sadd.s32 @!p0 s3, s7;
	s7 =	simm.s32 @!p0 $0x108  }
0x21: {  	s3 =	sadd.s32 s3, s9;
	s6 =	sadd.s32 @!p0 $0x88, s6;
	s7 =	simm.s32 @p2 $0x1082  }
0x22: {  	[simem:s7], [sflag:s8] =	dma.local @!p0 [hbm:s6], $0xF7A  }
0x23: {  	s9 =	sor.u32 $0xD0000000, s2;
	s6 =	simm.s32 $0x108;
	_ =	swait.ge @!p0 [sflag:s8], $0x0  }
0x24: {  	s3 =	sadd.s32 $0x88, s3;
	s6 =	simm.s32 @!p1 $0x1082;
	[sflag:s4] =	ssyncset.s32 $0xFFFFF086  }
0x25: {  	[simem:s6], [sflag:s4] =	dma.local [hbm:s3], $0xF7A  }
0x26: {  	[smem:$0x3F94] =	sst s1;
	(tag) =	ssettag s2;
	_ =	strace s9  }
0x27: {  	s1 =	sld [smem:$0x3FA4]  }
0x28: {  	s2 =	sld [smem:$0x3FA5]  }
0x29: {  	s4 =	sld [smem:$0x3FA7]  }
0x2a: {  	p0 =	seq.s32 s5, $0x0;
	s5 =	sld [smem:$0x3FA8]  }
0x2b: {  	s6 =	sld [smem:$0x3FA9]  }
0x2c: {  	s7 =	sld [smem:$0x3FAA]  }
0x2d: {  	s3 =	simm.s32 $0x108;
	s8 =	sld [smem:$0x3FAB]  }
0x2e: {  	s3 =	simm.s32 @!p0 $0x1082;
	s9 =	sld [smem:$0x3FAC]  }
0x2f: {  	lr =	sadd.s32 s0, s3;
	s0 =	sld [smem:$0x3FA3]  }
0x30: {  	s3 =	sld [smem:$0x3FA6]  }
0x31: {  	[smem:$0x3FAF] =	sst s10  }
0x32: {  	s10 =	sld [smem:$0x3FAD];
	_ =	sdelay $0x3  }
0x33: {  	p0 =	seq.s32 s10, $0x1;
	s10 =	sld [smem:$0x3FAF];
	_ =	sdelay $0x3  }
0x34: {  	[smem:$0x3FAF] =	sst s10  }
0x35: {  	s10 =	sld [smem:$0x3FAE];
	_ =	sdelay $0x3  }
0x36: {  	p1 =	seq.s32 s10, $0x1;
	s10 =	sld [smem:$0x3FAF];
	_ =	sdelay $0x3  }
0x37: {  	[smem:$0x3FAF] =	sst s10  }
0x38: {  	s10 =	sld [smem:$0x3FB0]  }
0x39: {  	_ = 	snop;
	(pc) =	sbr.ind lr, $3  }
0x3a: {  	_ = 	snop  }
0x3b: {  	_ = 	snop  }
0x3c: {  	p2 =	seq.s32 s10, $0x1;
	s10 =	sld [smem:$0x3FAF]  }
0x3d: {  	_ =	shalt  }
0x3e: {  	_ =	shalt  }
0x3f: {  	_ =	shalt  }
0x40: {  	_ =	shalt  }
0x41: {  	_ =	shalt  }
0x42: {  	_ =	shalt  }
0x43: {  	_ =	shalt  }
0x44: {  	_ =	shalt  }
0x45: {  	_ =	shalt  }
0x46: {  	_ =	shalt  }
0x47: {  	_ =	shalt  }
0x48: {  	_ =	shalt  }
0x49: {  	_ =	shalt  }
0x4a: {  	_ =	shalt  }
0x4b: {  	_ =	shalt  }
0x4c: {  	_ =	shalt  }
0x4d: {  	_ =	shalt  }
0x4e: {  	_ =	shalt  }
0x4f: {  	_ =	shalt  }
0x50: {  	_ =	shalt  }
0x51: {  	_ =	shalt  }
0x52: {  	_ =	shalt  }
0x53: {  	_ =	shalt  }
0x54: {  	_ =	shalt  }
0x55: {  	_ =	shalt  }
0x56: {  	_ =	shalt  }
0x57: {  	_ =	shalt  }
0x58: {  	_ =	shalt  }
0x59: {  	_ =	shalt  }
0x5a: {  	_ =	shalt  }
0x5b: {  	_ =	shalt  }
0x5c: {  	_ =	shalt  }
0x5d: {  	_ =	shalt  }
0x5e: {  	_ =	shalt  }
0x5f: {  	_ =	shalt  }
0x60: {  	_ =	shalt  }
0x61: {  	_ =	shalt  }
0x62: {  	_ =	shalt  }
0x63: {  	_ =	shalt  }
0x64: {  	_ =	shalt  }
0x65: {  	_ =	shalt  }
0x66: {  	_ =	shalt  }
0x67: {  	_ =	shalt  }
0x68: {  	_ =	shalt  }
0x69: {  	_ =	shalt  }
0x6a: {  	_ =	shalt  }
0x6b: {  	_ =	shalt  }
0x6c: {  	_ =	shalt  }
0x6d: {  	_ =	shalt  }
0x6e: {  	_ =	shalt  }
0x6f: {  	_ =	shalt  }
0x70: {  	_ =	shalt  }
0x71: {  	_ =	shalt  }
0x72: {  	_ =	shalt  }
0x73: {  	_ =	shalt  }
0x74: {  	_ =	shalt  }
0x75: {  	_ =	shalt  }
0x76: {  	_ =	shalt  }
0x77: {  	_ =	shalt  }
0x78: {  	_ =	shalt  }
0x79: {  	_ =	shalt  }
0x7a: {  	_ =	shalt  }
0x7b: {  	_ =	shalt  }
0x7c: {  	_ =	shalt  }
0x7d: {  	_ =	shalt  }
0x7e: {  	_ =	shalt  }
0x7f: {  	_ =	shalt  }
0x80: {  	_ =	shalt  }
0x81: {  	_ =	shalt  }
0x82: {  	_ =	shalt  }
0x83: {  	_ =	shalt  }
0x84: {  	_ =	shalt  }
0x85: {  	_ =	shalt  }
0x86: {  	_ =	shalt  }
0x87: {  	_ =	shalt  }
.Lfunc_end0:
.L_simem_size_0:
called_computation.4_lowered:
.L_overlay_start_0:
0x88: {  	s2 =	sld [smem:$0x3FD9]  }
0x89: {  	s3 =	sld [smem:$0x3FFE];
	_ =	sdelay $0x1  }
0x8a: {  	s1 =	srdreg.scid  }
0x8b: {  	s0 =	sand.u32 $0x1, s1  }
0x8c: {  	s17 =	sshll.u32 s0, $0xA;
	s2 =	sadd.s32 s3, s2  }
0x8d: {  	s2 =	sadd.s32 s2, s17  }
0x8e: {  	[smem:$0x3FBB] =	sst s2  }
0x8f: {  	_ = 	snop  }
0x90: {  	s18 =	sld [smem:$0x3FC4];
	(tm) =	ssettm $0x1  }
0x91: {  	s19 =	sld [smem:$0x3FFB];
	_ =	sdelay $0x3  }
0x92: {  	_ =	strace s19  }
0x93: {  	s2 =	sld [smem:$0x3FFC];
	_ =	sdelay $0x3  }
0x94: {  	_ =	strace s2  }
0x95: {  	s2 =	sld [smem:$0x3FFD];
	_ =	sdelay $0x3  }
0x96: {  	_ =	strace s2  }
0x97: {  	_ =	strace $0x8FFFFFFF  }
0x98: {  	s20 =	sld [smem:$0x3FDB];
	_ =	sdelay $0x1  }
0x99: {  	s4 =	simm.s32 $_scs_section_size  }
0x9a: {  	s5 =	simm.s32 $_size__tile_overlayer_lowered;
	s6 =	simm.s32 $_tile_overlayer_lowered  }
0x9b: {  	s7 =	simm.s32 $0x1BFF;
	s21 =	sshll.u32 s6, $0x1;
	s4 =	sadd.s32 s4, s20  }
0x9c: {  	s22 =	simm.s32 $0x0;
	s5 =	sshll.u32 s5, $0x1;
	s6 =	sadd.s32 s21, s4  }
0x9d: {  	[timem:s22], [sflag:s7] =	dma.local [hbm:s6], s5  }
0x9e: {  	_ =	swait.ge [sflag:s7], s5  }
0x9f: {  	s5 =	ssub.s32 $0x0, s5;
	[sflag:s7] =	ssyncset.done $0x0  }
0xa0: {  	[sflag:s7] =	ssyncadd.s32 s5;
	_ =	sdelay $0x1  }
0xa1: {  	s23 =	simm.s32 $0x1B8B  }
0xa2: {  	_ =	swait.ge [sflag:s23], $0x1  }
0xa3: {  	[sflag:s23] =	ssyncset.done $0x0  }
0xa4: {  	[sflag:s23] =	ssyncadd.s32 $0xFFFFFFFF  }
0xa5: {  	s5 =	sld [smem:$0x0]  }
0xa6: {  	s6 =	sand.u32 $0xFFFFFFFE, s1  }
0xa7: {  	p0 =	sne.s32 s1, s6  }
0xa8: {  	s6 =	sshll.u32 @p0 s6, $0xE  }
0xa9: {  	s6 =	sadd.s32 @p0 $0x11B8D, s6;
	s7 =	sshll.u32 @p0 s5, $0x11  }
0xaa: {  	s6 =	sor.u32 @p0 s7, s6  }
0xab: {  	[sflag:s6] =	ssyncadd.remote.s32 @p0 $0x1;
	_ =	sdelay $0x1  }
0xac: {  	s6 =	simm.s32 @p0 $0x1B8D  }
0xad: {  	_ =	swait.eq @p0 [sflag:s6], $0x1  }
0xae: {  	[sflag:s6] =	ssyncadd.s32 @p0 $0xFFFFFFFF  }
0xaf: {  	s7 =	sshll.u32 @!p0 s1, $0xE  }
0xb0: {  	s7 =	sor.u32 @!p0 $0x4000, s7;
	s6 =	simm.s32 @!p0 $0x1B8D  }
0xb1: {  	s5 =	sshll.u32 @!p0 s5, $0x11;
	s7 =	sadd.s32 @!p0 $0x11B8D, s7;
	_ =	swait.eq @!p0 [sflag:s6], $0x1  }
0xb2: {  	s5 =	sor.u32 @!p0 s5, s7;
	[sflag:s6] =	ssyncadd.s32 @!p0 $0xFFFFFFFF  }
0xb3: {  	s25 =	simm.s32 $0x1B8E;
	s24 =	sld [smem:$0x3FFE];
	[sflag:s5] =	ssyncadd.remote.s32 @!p0 $0x1  }
0xb4: {  	s26 =	simm.s32 $execute0_lowered;
	[smem:$0x3FD2] =	sst s25  }
0xb5: {  	s6 =	sshll.u32 s26, $0x1;
	_ =	strace $0x80000052;
	[dreg:$0x1] =	wrdreg $0xFFFFFFFF  }
0xb6: {  	s28 =	simm.s32 $_size_execute0_lowered;
	s4 =	sadd.s32 s4, s6;
	[dreg:$0x0] =	wrdreg $0x0  }
0xb7: {  	s6 =	sshll.u32 s28, $0x1;
	[dreg:$0x2] =	wrdreg s4  }
0xb8: {  	[dreg:$0x3] =	wrdreg s6  }
0xb9: {  	[dreg:$0x4] =	wrdreg $0xC0  }
0xba: {  	_ =	task [dreg:s22], $0x5FFFF  }
0xbb: {  	[dreg:$0x1] =	wrdreg $0xFFFFFFFF  }
0xbc: {  	[dreg:$0x0] =	wrdreg $0x60  }
0xbd: {  	[dreg:$0x2] =	wrdreg s18  }
0xbe: {  	[dreg:$0x3] =	wrdreg s24  }
0xbf: {  	[dreg:$0x4] =	wrdreg $0xD  }
0xc0: {  	_ =	task.clear_ibuf [dreg:s22], $0x5FFFF;
	_ =	strace $0x90000052  }
0xc1: {  	s29 =	simm.s32 $0xD;
	_ =	strace $0x80000054  }
0xc2: {  	_ =	swait.ge [sflag:s29], $0x1  }
0xc3: {  	[sflag:s29] =	ssyncadd.s32 $0xFFFFFFFF  }
0xc4: {  	_ =	strace $0x90000054  }
0xc5: {  	_ =	sfence  }
0xc6: {  	s30 =	sld [smem:$0x0];
	_ =	sdelay $0x2  }
0xc7: {  	s31 =	sshll.u32 s1, $0xD;
	s1 =	sshrl.u32 s1, $0x2  }
0xc8: {  	s4 =	sand.u32 $0x4000, s31;
	s1 =	sadd.s32 s1, s30  }
0xc9: {  	s0 =	sor.u32 s4, s0;
	s1 =	sshll.u32 s1, $0x11  }
0xca: {  	s0 =	sor.u32 s1, s0  }
0xcb: {  	s0 =	sadd.s32 $0x8F2B, s0  }
0xcc: {  	[sflag:s0] =	ssyncadd.remote.s32 $0x1  }
0xcd: {  	_ =	sfence.sel $0xFFFF  }
0xce: {  	[dreg:$0x0] =	wrdreg $0xFFFFFFFF;
	(pc) =	sbr.abs _section_cstart, $3  }
0xcf: {  	[dreg:$0x1] =	wrdreg $0xFFFFFFFF  }
0xd0: {  	_ =	task.clear_ibuf [dreg:s22], $0x2FFFF;
	_ =	strace $0x9FFFFFFF  }
0xd1: {  	(tm) =	ssettm $0x7FFFFFFF  }
tec
execute0_lowered:
.L_overlay_start_1:
0x0: {  	(tag) =	ssettag $0x1  }
0x1: {  	s2 =	rddreg [dreg:$0x0]  }
0x2: {  	s4 =	rddreg [dreg:$0x1]  }
0x3: {  	s0 =	rddreg [dreg:$0x2];
	s3 =	srdreg.scid  }
0x4: {  	s1 =	stileid.u32;
	s9 =	simm.s32 $0xD00;
	s10 =	simm.s32 $0x1500  }
0x5: {  	s11 =	simm.s32 $0x1D00;
	s12 =	simm.s32 $0x2500;
	s13 =	simm.s32 $0x2D00  }
0x6: {  	s14 =	simm.s32 $0x3500;
	s15 =	simm.s32 $0x3D00;
	s16 =	simm.s32 $0x4500  }
0x7: {  	s17 =	simm.s32 $0x4D00;
	s18 =	simm.s32 $0x5500;
	s19 =	simm.s32 $0x5D00  }
0x8: {  	s20 =	simm.s32 $0x6500;
	s21 =	simm.s32 $0x6D00;
	s22 =	simm.s32 $0x7500  }
0x9: {  	s23 =	simm.s32 $0x7D00;
	s24 =	simm.s32 $0x1;
	s25 =	simm.s32 $0x0  }
0xa: {  	s5 =	sand.u32 $0x1, s3;
	s6 =	sshll.u32 s1, $0x1;
	s7 =	smul.u32 $0xA0000, s1  }
0xb: {  	s3 =	simm.s32 $0x0;
	s6 =	sor.u32 s5, s6;
	s8 =	smul.u32 $0x50000, s5  }
0xc: {  	[smem:$0x7FF] =	sst s3;
	s5 =	ssub.s32 $0x2, s5;
	s6 =	smul.u32 $0xA0, s6  }
0xd: {  	_ =	strace $0x80000053;
	s31 =	sshrl.u32 s5, $0x1;
	s7 =	sadd.s32 s8, s7  }
0xe: {  	v2 =	vlaneseq.u32;
	s5 =	ssub.s32 s5, s31;
	s8 =	simm.s32 $0x500;
	s7 =	sshrl.u32 s7, $0x3  }
0xf: {  	vm0 =	vmmov $0xffff;
	v1 =	vshrl.u32 v2, $0x3;
	s6 =	sadd.s32 s6, s4;
	s5 =	smax.u32 s5, $0x1;
	s7 =	sadd.s32 s7, s4  }
0x10: {  	v0 =	vand.u32 $0x7, v2;
	v2 =	vor.u32 $0x8, v2;
	v1 =	vmul.u32 $0x8, v1;
	s4 =	sadd.s32 $0x148E00, s6;
	s6 =	sadd.s32 $0x50A200, s7;
	s7 =	simm.s32 $0x2  }
.LBB2_1:
0x11: {  	[tilespmem:s3], [sflag:$0x2] =	stream.linear.gather [hbm4b:s4+s3], $0x500, $0x38;
	[tilespmem:$0x8500] =	vst v63  }
0x12: {  	_ =	swait.ge [sflag:s7], $0x500  }
0x13: {  	[sflag:s7] =	ssyncset.done $0x0  }
0x14: {  	s26 =	simm.s32 $0x40;
	s28 =	simm.s32 $0x0;
	[sflag:s7] =	ssyncadd.s32 $0xFFFFFB00  }
.LBB2_2:
0x15: {  	v3 =	vld [tilespmem:s26+$0xFFFFFFC0];
	_ =	sdelay $0x4  }
0x16: {  	v4 =	vshll.u32 v3, $0x1  }
0x17: {  	v3 =	vand.u32 $0x7, v3;
	v4 =	vand.u32 $0xFFFFFFF0, v4  }
0x18: {  	v3 =	vor.u32 v3, v4  }
0x19: {  	v4 =	vperm.xlane v3, v0;
	_ =	sdelay $0x1  }
0x1a: {  	v3 =	vperm.xlane v3, v2;
	v4 =	vadd.s32 v1, v4;
	_ =	sdelay $0x1  }
0x1b: {  	v3 =	vadd.s32 v1, v3;
	_ =	sdelay $0x2  }
0x1c: {  	[tilespmem:s8], [sflag:$0x1] =	stream.indirect_vreg.gather [hbm4b:s2+s3], $0x80, v4, vm0, $0xb8;
	[tilespmem:$0x8500] =	vst v63  }
0x1d: {  	_ = 	snop  }
0x1e: {  	[tilespmem:s9], [sflag:$0x1] =	stream.indirect_vreg.gather [hbm4b:s2+s3], $0x80, v3, vm0, $0xb8;
	[tilespmem:$0x8500] =	vst v63  }
0x1f: {  	v3 =	vld [tilespmem:s26+$0xFFFFFFD0];
	_ =	sdelay $0x4  }
0x20: {  	v57 =	vshll.u32 v3, $0x1  }
0x21: {  	v3 =	vand.u32 $0x7, v3;
	v4 =	vand.u32 $0xFFFFFFF0, v57  }
0x22: {  	v3 =	vor.u32 v3, v4  }
0x23: {  	v4 =	vperm.xlane v3, v0;
	_ =	sdelay $0x1  }
0x24: {  	v3 =	vperm.xlane v3, v2;
	v4 =	vadd.s32 v1, v4;
	_ =	sdelay $0x1  }
0x25: {  	v3 =	vadd.s32 v1, v3;
	_ =	sdelay $0x2  }
0x26: {  	[tilespmem:s10], [sflag:$0x1] =	stream.indirect_vreg.gather [hbm4b:s2+s3], $0x80, v4, vm0, $0xb8;
	[tilespmem:$0x8500] =	vst v63  }
0x27: {  	_ = 	snop  }
0x28: {  	[tilespmem:s11], [sflag:$0x1] =	stream.indirect_vreg.gather [hbm4b:s2+s3], $0x80, v3, vm0, $0xb8;
	[tilespmem:$0x8500] =	vst v63  }
0x29: {  	v3 =	vld [tilespmem:s26+$0xFFFFFFE0];
	_ =	sdelay $0x4  }
0x2a: {  	v58 =	vshll.u32 v3, $0x1  }
0x2b: {  	v3 =	vand.u32 $0x7, v3;
	v4 =	vand.u32 $0xFFFFFFF0, v58  }
0x2c: {  	v3 =	vor.u32 v3, v4  }
0x2d: {  	v4 =	vperm.xlane v3, v0;
	_ =	sdelay $0x1  }
0x2e: {  	v3 =	vperm.xlane v3, v2;
	v4 =	vadd.s32 v1, v4;
	_ =	sdelay $0x1  }
0x2f: {  	v3 =	vadd.s32 v1, v3;
	_ =	sdelay $0x2  }
0x30: {  	[tilespmem:s12], [sflag:$0x1] =	stream.indirect_vreg.gather [hbm4b:s2+s3], $0x80, v4, vm0, $0xb8;
	[tilespmem:$0x8500] =	vst v63  }
0x31: {  	_ = 	snop  }
0x32: {  	[tilespmem:s13], [sflag:$0x1] =	stream.indirect_vreg.gather [hbm4b:s2+s3], $0x80, v3, vm0, $0xb8;
	[tilespmem:$0x8500] =	vst v63  }
0x33: {  	v3 =	vld [tilespmem:s26+$0xFFFFFFF0];
	_ =	sdelay $0x4  }
0x34: {  	v59 =	vshll.u32 v3, $0x1  }
0x35: {  	v3 =	vand.u32 $0x7, v3;
	v4 =	vand.u32 $0xFFFFFFF0, v59  }
0x36: {  	v3 =	vor.u32 v3, v4  }
0x37: {  	v4 =	vperm.xlane v3, v0;
	_ =	sdelay $0x1  }
0x38: {  	v3 =	vperm.xlane v3, v2;
	v4 =	vadd.s32 v1, v4;
	_ =	sdelay $0x1  }
0x39: {  	v3 =	vadd.s32 v1, v3;
	_ =	sdelay $0x2  }
0x3a: {  	[tilespmem:s14], [sflag:$0x1] =	stream.indirect_vreg.gather [hbm4b:s2+s3], $0x80, v4, vm0, $0xb8;
	[tilespmem:$0x8500] =	vst v63  }
0x3b: {  	_ = 	snop  }
0x3c: {  	[tilespmem:s15], [sflag:$0x1] =	stream.indirect_vreg.gather [hbm4b:s2+s3], $0x80, v3, vm0, $0xb8;
	[tilespmem:$0x8500] =	vst v63  }
0x3d: {  	v3 =	vld [tilespmem:s26+$0x0];
	_ =	sdelay $0x4  }
0x3e: {  	v60 =	vshll.u32 v3, $0x1  }
0x3f: {  	v3 =	vand.u32 $0x7, v3;
	v4 =	vand.u32 $0xFFFFFFF0, v60  }
0x40: {  	v3 =	vor.u32 v3, v4  }
0x41: {  	v4 =	vperm.xlane v3, v0;
	_ =	sdelay $0x1  }
0x42: {  	v3 =	vperm.xlane v3, v2;
	v4 =	vadd.s32 v1, v4;
	_ =	sdelay $0x1  }
0x43: {  	v3 =	vadd.s32 v1, v3;
	_ =	sdelay $0x2  }
0x44: {  	[tilespmem:s16], [sflag:$0x1] =	stream.indirect_vreg.gather [hbm4b:s2+s3], $0x80, v4, vm0, $0xb8;
	[tilespmem:$0x8500] =	vst v63  }
0x45: {  	_ = 	snop  }
0x46: {  	[tilespmem:s17], [sflag:$0x1] =	stream.indirect_vreg.gather [hbm4b:s2+s3], $0x80, v3, vm0, $0xb8;
	[tilespmem:$0x8500] =	vst v63  }
0x47: {  	v3 =	vld [tilespmem:s26+$0x10];
	_ =	sdelay $0x4  }
0x48: {  	v61 =	vshll.u32 v3, $0x1  }
0x49: {  	v3 =	vand.u32 $0x7, v3;
	v4 =	vand.u32 $0xFFFFFFF0, v61  }
0x4a: {  	v3 =	vor.u32 v3, v4  }
0x4b: {  	v4 =	vperm.xlane v3, v0;
	_ =	sdelay $0x1  }
0x4c: {  	v3 =	vperm.xlane v3, v2;
	v4 =	vadd.s32 v1, v4;
	_ =	sdelay $0x1  }
0x4d: {  	v3 =	vadd.s32 v1, v3;
	_ =	sdelay $0x2  }
0x4e: {  	[tilespmem:s18], [sflag:$0x1] =	stream.indirect_vreg.gather [hbm4b:s2+s3], $0x80, v4, vm0, $0xb8;
	[tilespmem:$0x8500] =	vst v63  }
0x4f: {  	_ = 	snop  }
0x50: {  	[tilespmem:s19], [sflag:$0x1] =	stream.indirect_vreg.gather [hbm4b:s2+s3], $0x80, v3, vm0, $0xb8;
	[tilespmem:$0x8500] =	vst v63  }
0x51: {  	v3 =	vld [tilespmem:s26+$0x20];
	_ =	sdelay $0x4  }
0x52: {  	v62 =	vshll.u32 v3, $0x1  }
0x53: {  	v3 =	vand.u32 $0x7, v3;
	v4 =	vand.u32 $0xFFFFFFF0, v62  }
0x54: {  	v3 =	vor.u32 v3, v4  }
0x55: {  	v4 =	vperm.xlane v3, v0;
	_ =	sdelay $0x1  }
0x56: {  	v3 =	vperm.xlane v3, v2;
	v4 =	vadd.s32 v1, v4;
	_ =	sdelay $0x1  }
0x57: {  	v3 =	vadd.s32 v1, v3;
	_ =	sdelay $0x2  }
0x58: {  	[tilespmem:s20], [sflag:$0x1] =	stream.indirect_vreg.gather [hbm4b:s2+s3], $0x80, v4, vm0, $0xb8;
	[tilespmem:$0x8500] =	vst v63  }
0x59: {  	_ = 	snop  }
0x5a: {  	[tilespmem:s21], [sflag:$0x1] =	stream.indirect_vreg.gather [hbm4b:s2+s3], $0x80, v3, vm0, $0xb8;
	[tilespmem:$0x8500] =	vst v63  }
0x5b: {  	v3 =	vld [tilespmem:s26+$0x30];
	_ =	sdelay $0x4  }
0x5c: {  	v63 =	vshll.u32 v3, $0x1  }
0x5d: {  	v3 =	vand.u32 $0x7, v3;
	v4 =	vand.u32 $0xFFFFFFF0, v63  }
0x5e: {  	v3 =	vor.u32 v3, v4  }
0x5f: {  	v4 =	vperm.xlane v3, v0;
	_ =	sdelay $0x1  }
0x60: {  	v3 =	vperm.xlane v3, v2;
	v4 =	vadd.s32 v1, v4;
	_ =	sdelay $0x1  }
0x61: {  	v3 =	vadd.s32 v1, v3;
	_ =	sdelay $0x2  }
0x62: {  	[tilespmem:s22], [sflag:$0x1] =	stream.indirect_vreg.gather [hbm4b:s2+s3], $0x80, v4, vm0, $0xb8;
	[tilespmem:$0x8500] =	vst v63  }
0x63: {  	_ = 	snop  }
0x64: {  	[tilespmem:s23], [sflag:$0x1] =	stream.indirect_vreg.gather [hbm4b:s2+s3], $0x80, v3, vm0, $0xb8;
	[tilespmem:$0x8500] =	vst v63  }
0x65: {  	_ =	swait.ge [sflag:s24], $0x8000  }
0x66: {  	p0 =	sne.s32 s28, $0x9000;
	[sflag:s24] =	ssyncset.done $0x0  }
.Ltmp0:
0x67: {  	s29 =	sadd.s32 s28, s6;
	[sflag:s24] =	ssyncadd.s32 $0xFFFF8000;
	(pc) =	sbr.rel @p0 .LBB2_2-.Ltmp0, $4  }
0x68: {  	[hbm4b:s29+s3] =	stream.linear.scatter [tilespmem:s8], [sflag:$0x2], $0x8000, $0x38;
	[tilespmem:$0x8500] =	vst v63  }
0x69: {  	_ =	swait.ge [sflag:s7], $0x8000  }
0x6a: {  	[sflag:s7] =	ssyncset.done $0x0  }
0x6b: {  	s28 =	sadd.s32 $0x1000, s28;
	s26 =	sadd.s32 $0x80, s26;
	[sflag:s7] =	ssyncadd.s32 $0xFFFF8000  }
0x6c: {  	s25 =	sadd.s32 $0x1, s25  }
0x6d: {  	p0 =	sne.s32 s25, s5  }
.Ltmp1:
0x6e: {  	_ = 	snop;
	(pc) =	sbr.rel @p0 .LBB2_1-.Ltmp1, $1  }
0x6f: {  	_ =	sdelay $0x3  }
0x70: {  	_ =	sfence.sel $0x180000  }
0x71: {  	[bflag:$0x0] =	sbarrier.arrive $0xFFFF  }
0x72: {  	p0 =	sne.s32 s1, $0x0;
	_ =	strace $0x90000053  }
0x73: {  	s0 =	sadd.s32 @!p0 $0x100000, s0;
	[bflag:$0x2] =	sbarrier.arrive $0xFFFF  }
0x74: {  	[sflag:s0] =	ssyncadd.tile.s32 @!p0 $0x1;
	_ =	shalt  }
.Lfunc_end2:
_tile_overlayer_lowered:
.L_overlay_start_2:
0x75: {  	(tag) =	ssettag $0x2  }
0x76: {  	s0 =	rddreg [dreg:$0x0];
	s2 =	stileid.u32  }
0x77: {  	s1 =	rddreg [dreg:$0x1];
	p0 =	sne.s32 s2, $0x0  }
0x78: {  	s3 =	rddreg [dreg:$0x2];
	[bflag:$0x3] =	sbarrier.arrive $0xFFFF;
	s2 =	simm.s32 @!p0 $0x1C02  }
0x79: {  	[timem:s3], [sflag:s2] =	dma.local @!p0 [hbm:s0], s1  }
0x7a: {  	s0 =	simm.s32 @!p0 $0x2  }
0x7b: {  	_ =	swait.ge @!p0 [sflag:s0], s1  }
0x7c: {  	s1 =	ssub.s32 @!p0 $0x0, s1;
	[sflag:s0] =	ssyncset.done @!p0 $0x0  }
0x7d: {  	[sflag:s0] =	ssyncadd.s32 @!p0 s1  }
0x7e: {  	[bflag:$0x3] =	sbarrier.arrive $0xFFFF  }
0x7f: {  	_ =	shalt  }

</sc_bundles>
